<compile_context>
chip_gen: v7x
topology: tpu7x:2x2x1
jax: 0.10.2.dev20260603
libtpu: 0.0.44.dev20260713+nightly
codegen_flags: <defaults>
</compile_context>

<pallas_src>
import functools

import jax
import jax.numpy as jnp
from jax import lax
from jax.experimental import pallas as pl
from jax.experimental.pallas import tpu as pltpu
from jax.experimental.pallas import tpu_sc as plsc

_N = 10000
_E = 320000
_D = 128
_C = 16

_NC = 2
_NS = 16
_EPC = _E // _NC
_EPT = _EPC // _NS
_CH = 128
_NB = _EPT // _CH
_TE = _EPT - _NB * _CH
_RPT = 624
_TAIL0 = _NS * _RPT
_TAILN = _N - _TAIL0

_mesh = plsc.VectorSubcoreMesh(core_axis_name="c", subcore_axis_name="s")

_linear_params = pltpu.CompilerParams(use_tc_tiling_on_sc=False)


def _istart(src_hbm, dst_hbm, b, sb, db, sem):
  pltpu.make_async_copy(src_hbm.at[pl.ds(b, _CH)], sb, sem).start()
  pltpu.make_async_copy(dst_hbm.at[pl.ds(b, _CH)], db, sem).start()


def _iwait(src_hbm, dst_hbm, sb, db, sem):
  pltpu.make_async_copy(src_hbm.at[pl.ds(0, _CH)], sb, sem).wait()
  pltpu.make_async_copy(dst_hbm.at[pl.ds(0, _CH)], db, sem).wait()


def _deg_body(src_hbm, dst_hbm, zeros_hbm, ones_hbm, out_hbm,
              s0, d0, s1, d1, st, dt, ones_b, acc_s, acc_d, is0, is1):
  c = lax.axis_index("c")
  s = lax.axis_index("s")
  r0 = s * _RPT
  pltpu.sync_copy(zeros_hbm.at[pl.ds(r0, _RPT)], acc_s.at[pl.ds(r0, _RPT)])
  pltpu.sync_copy(zeros_hbm.at[pl.ds(r0, _RPT)], acc_d.at[pl.ds(r0, _RPT)])

  @pl.when(s == _NS - 1)
  def _():
    pltpu.sync_copy(zeros_hbm.at[pl.ds(_TAIL0, _TAILN)],
                    acc_s.at[pl.ds(_TAIL0, _TAILN)])
    pltpu.sync_copy(zeros_hbm.at[pl.ds(_TAIL0, _TAILN)],
                    acc_d.at[pl.ds(_TAIL0, _TAILN)])

  pltpu.sync_copy(ones_hbm, ones_b)
  plsc.subcore_barrier()

  base0 = c * _EPC + s * _EPT
  _istart(src_hbm, dst_hbm, base0, s0, d0, is0)
  _istart(src_hbm, dst_hbm, base0 + _CH, s1, d1, is1)

  @pl.loop(0, _NB - 2, step=2)
  def _(i):
    _iwait(src_hbm, dst_hbm, s0, d0, is0)
    pltpu.sync_copy(ones_b, acc_s.at[s0], add=True)
    pltpu.sync_copy(ones_b, acc_d.at[d0], add=True)
    _istart(src_hbm, dst_hbm, base0 + (i + 2) * _CH, s0, d0, is0)
    _iwait(src_hbm, dst_hbm, s1, d1, is1)
    pltpu.sync_copy(ones_b, acc_s.at[s1], add=True)
    pltpu.sync_copy(ones_b, acc_d.at[d1], add=True)
    _istart(src_hbm, dst_hbm, base0 + (i + 3) * _CH, s1, d1, is1)

  _iwait(src_hbm, dst_hbm, s0, d0, is0)
  pltpu.sync_copy(ones_b, acc_s.at[s0], add=True)
  pltpu.sync_copy(ones_b, acc_d.at[d0], add=True)
  _iwait(src_hbm, dst_hbm, s1, d1, is1)
  pltpu.sync_copy(ones_b, acc_s.at[s1], add=True)
  pltpu.sync_copy(ones_b, acc_d.at[d1], add=True)

  bt = base0 + _NB * _CH
  pltpu.sync_copy(src_hbm.at[pl.ds(bt, _TE)], st)
  pltpu.sync_copy(dst_hbm.at[pl.ds(bt, _TE)], dt)
  pltpu.sync_copy(ones_b.at[pl.ds(0, _TE)], acc_s.at[st], add=True)
  pltpu.sync_copy(ones_b.at[pl.ds(0, _TE)], acc_d.at[dt], add=True)

  plsc.subcore_barrier()
  pltpu.sync_copy(acc_s.at[pl.ds(r0, _RPT)], out_hbm.at[c, 0, pl.ds(r0, _RPT)])
  pltpu.sync_copy(acc_d.at[pl.ds(r0, _RPT)], out_hbm.at[c, 1, pl.ds(r0, _RPT)])

  @pl.when(s == _NS - 1)
  def _():
    pltpu.sync_copy(acc_s.at[pl.ds(_TAIL0, _TAILN)],
                    out_hbm.at[c, 0, pl.ds(_TAIL0, _TAILN)])
    pltpu.sync_copy(acc_d.at[pl.ds(_TAIL0, _TAILN)],
                    out_hbm.at[c, 1, pl.ds(_TAIL0, _TAILN)])


_deg_kernel = pl.kernel(
    _deg_body,
    out_type=jax.ShapeDtypeStruct((_NC, 2, _N, _C), jnp.float32),
    mesh=_mesh,
    scratch_types=[
        pltpu.VMEM((_CH,), jnp.int32),
        pltpu.VMEM((_CH,), jnp.int32),
        pltpu.VMEM((_CH,), jnp.int32),
        pltpu.VMEM((_CH,), jnp.int32),
        pltpu.VMEM((_TE,), jnp.int32),
        pltpu.VMEM((_TE,), jnp.int32),
        pltpu.VMEM((_CH, _C), jnp.float32),
        pltpu.VMEM_SHARED((_N, _C), jnp.float32),
        pltpu.VMEM_SHARED((_N, _C), jnp.float32),
        pltpu.SemaphoreType.DMA,
        pltpu.SemaphoreType.DMA,
    ],
    compiler_params=_linear_params,
)


def _segsum_pipelined(feat_ref, src_hbm, dst_hbm, base0,
                      s0, d0, s1, d1, st, dt, r0b, r1b, rt, acc,
                      is0, is1, gs0, gs1):
  _istart(src_hbm, dst_hbm, base0, s0, d0, is0)
  _istart(src_hbm, dst_hbm, base0 + _CH, s1, d1, is1)
  _iwait(src_hbm, dst_hbm, s0, d0, is0)
  pltpu.make_async_copy(feat_ref.at[s0], r0b, gs0).start()

  @pl.loop(0, _NB - 2, step=2)
  def _(i):
    _iwait(src_hbm, dst_hbm, s1, d1, is1)
    pltpu.make_async_copy(feat_ref.at[s0], r0b, gs0).wait()
    pltpu.make_async_copy(feat_ref.at[s1], r1b, gs1).start()
    pltpu.sync_copy(r0b, acc.at[d0], add=True)
    _istart(src_hbm, dst_hbm, base0 + (i + 2) * _CH, s0, d0, is0)
    _iwait(src_hbm, dst_hbm, s0, d0, is0)
    pltpu.make_async_copy(feat_ref.at[s1], r1b, gs1).wait()
    pltpu.make_async_copy(feat_ref.at[s0], r0b, gs0).start()
    pltpu.sync_copy(r1b, acc.at[d1], add=True)
    _istart(src_hbm, dst_hbm, base0 + (i + 3) * _CH, s1, d1, is1)

  _iwait(src_hbm, dst_hbm, s1, d1, is1)
  pltpu.make_async_copy(feat_ref.at[s0], r0b, gs0).wait()
  pltpu.make_async_copy(feat_ref.at[s1], r1b, gs1).start()
  pltpu.sync_copy(r0b, acc.at[d0], add=True)
  pltpu.make_async_copy(feat_ref.at[s1], r1b, gs1).wait()
  pltpu.sync_copy(r1b, acc.at[d1], add=True)

  bt = base0 + _NB * _CH
  pltpu.sync_copy(src_hbm.at[pl.ds(bt, _TE)], st)
  pltpu.sync_copy(dst_hbm.at[pl.ds(bt, _TE)], dt)
  pltpu.async_copy(feat_ref.at[st], rt, gs0).wait()
  pltpu.sync_copy(rt, acc.at[dt], add=True)


def _segsum_body(feat_hbm, src_hbm, dst_hbm, zeros_hbm, out_hbm,
                 s0, d0, s1, d1, st, dt, r0b, r1b, rt, acc,
                 is0, is1, gs0, gs1):
  c = lax.axis_index("c")
  s = lax.axis_index("s")
  r0 = s * _RPT
  pltpu.sync_copy(zeros_hbm.at[pl.ds(r0, _RPT)], acc.at[pl.ds(r0, _RPT)])

  @pl.when(s == _NS - 1)
  def _():
    pltpu.sync_copy(zeros_hbm.at[pl.ds(_TAIL0, _TAILN)],
                    acc.at[pl.ds(_TAIL0, _TAILN)])

  plsc.subcore_barrier()
  base0 = c * _EPC + s * _EPT
  _segsum_pipelined(feat_hbm, src_hbm, dst_hbm, base0,
                    s0, d0, s1, d1, st, dt, r0b, r1b, rt, acc,
                    is0, is1, gs0, gs1)

  plsc.subcore_barrier()
  pltpu.sync_copy(acc.at[pl.ds(r0, _RPT)], out_hbm.at[c, pl.ds(r0, _RPT)])

  @pl.when(s == _NS - 1)
  def _():
    pltpu.sync_copy(acc.at[pl.ds(_TAIL0, _TAILN)],
                    out_hbm.at[c, pl.ds(_TAIL0, _TAILN)])


_segsum_d = pl.kernel(
    _segsum_body,
    out_type=jax.ShapeDtypeStruct((_NC, _N, _D), jnp.float32),
    mesh=_mesh,
    scratch_types=[
        pltpu.VMEM((_CH,), jnp.int32),
        pltpu.VMEM((_CH,), jnp.int32),
        pltpu.VMEM((_CH,), jnp.int32),
        pltpu.VMEM((_CH,), jnp.int32),
        pltpu.VMEM((_TE,), jnp.int32),
        pltpu.VMEM((_TE,), jnp.int32),
        pltpu.VMEM((_CH, _D), jnp.float32),
        pltpu.VMEM((_CH, _D), jnp.float32),
        pltpu.VMEM((_TE, _D), jnp.float32),
        pltpu.VMEM_SHARED((_N, _D), jnp.float32),
        pltpu.SemaphoreType.DMA,
        pltpu.SemaphoreType.DMA,
        pltpu.SemaphoreType.DMA,
        pltpu.SemaphoreType.DMA,
    ],
)


def _segsum16_body(z_hbm, src_hbm, dst_hbm, zeros_hbm, out_hbm,
                   s0, d0, s1, d1, st, dt, r0b, r1b, rt, zsh, acc,
                   is0, is1, gs0, gs1):
  c = lax.axis_index("c")
  s = lax.axis_index("s")
  r0 = s * _RPT
  pltpu.sync_copy(z_hbm.at[pl.ds(r0, _RPT)], zsh.at[pl.ds(r0, _RPT)])
  pltpu.sync_copy(zeros_hbm.at[pl.ds(r0, _RPT)], acc.at[pl.ds(r0, _RPT)])

  @pl.when(s == _NS - 1)
  def _():
    pltpu.sync_copy(z_hbm.at[pl.ds(_TAIL0, _TAILN)],
                    zsh.at[pl.ds(_TAIL0, _TAILN)])
    pltpu.sync_copy(zeros_hbm.at[pl.ds(_TAIL0, _TAILN)],
                    acc.at[pl.ds(_TAIL0, _TAILN)])

  plsc.subcore_barrier()
  base0 = c * _EPC + s * _EPT
  _segsum_pipelined(zsh, src_hbm, dst_hbm, base0,
                    s0, d0, s1, d1, st, dt, r0b, r1b, rt, acc,
                    is0, is1, gs0, gs1)

  plsc.subcore_barrier()
  pltpu.sync_copy(acc.at[pl.ds(r0, _RPT)], out_hbm.at[c, pl.ds(r0, _RPT)])

  @pl.when(s == _NS - 1)
  def _():
    pltpu.sync_copy(acc.at[pl.ds(_TAIL0, _TAILN)],
                    out_hbm.at[c, pl.ds(_TAIL0, _TAILN)])


_segsum_c = pl.kernel(
    _segsum16_body,
    out_type=jax.ShapeDtypeStruct((_NC, _N, _C), jnp.float32),
    mesh=_mesh,
    scratch_types=[
        pltpu.VMEM((_CH,), jnp.int32),
        pltpu.VMEM((_CH,), jnp.int32),
        pltpu.VMEM((_CH,), jnp.int32),
        pltpu.VMEM((_CH,), jnp.int32),
        pltpu.VMEM((_TE,), jnp.int32),
        pltpu.VMEM((_TE,), jnp.int32),
        pltpu.VMEM((_CH, _C), jnp.float32),
        pltpu.VMEM((_CH, _C), jnp.float32),
        pltpu.VMEM((_TE, _C), jnp.float32),
        pltpu.VMEM_SHARED((_N, _C), jnp.float32),
        pltpu.VMEM_SHARED((_N, _C), jnp.float32),
        pltpu.SemaphoreType.DMA,
        pltpu.SemaphoreType.DMA,
        pltpu.SemaphoreType.DMA,
        pltpu.SemaphoreType.DMA,
    ],
    compiler_params=_linear_params,
)


def _xw1_body(in_ref, w1, xw_ref):
  xw_ref[...] = jnp.dot(in_ref[...], w1[...],
                        preferred_element_type=jnp.float32)


_xw1 = pl.pallas_call(
    _xw1_body,
    out_shape=jax.ShapeDtypeStruct((_N, _D), jnp.float32),
)


def _prescale_body(xw_ref, deg_ref, xs_ref, ns_ref, nd_ref):
  deg = deg_ref[0] + deg_ref[1]
  ns = lax.rsqrt(jnp.maximum(deg[0, :, 0], 1.0)).reshape(_N, 1)
  nd = lax.rsqrt(jnp.maximum(deg[1, :, 0], 1.0)).reshape(_N, 1)
  ns_ref[...] = ns
  nd_ref[...] = nd
  xs_ref[...] = xw_ref[...] * ns


_prescale = pl.pallas_call(
    _prescale_body,
    out_shape=[
        jax.ShapeDtypeStruct((_N, _D), jnp.float32),
        jax.ShapeDtypeStruct((_N, 1), jnp.float32),
        jax.ShapeDtypeStruct((_N, 1), jnp.float32),
    ],
)


def _mlp_body(agg_ref, ns_ref, nd_ref, b1, w2, z_ref):
  agg = agg_ref[0] + agg_ref[1]
  h = jnp.maximum(agg * nd_ref[...] + b1[...], 0.0)
  z_ref[...] = jnp.dot(h, w2[...], preferred_element_type=jnp.float32) * ns_ref[...]


_mlp = pl.pallas_call(
    _mlp_body,
    out_shape=jax.ShapeDtypeStruct((_N, _C), jnp.float32),
)


def _readout_body(q_ref, nd_ref, b2, out_ref):
  h = jnp.maximum((q_ref[0] + q_ref[1]) * nd_ref[...] + b2[...], 0.0)
  out_ref[...] = jnp.sum(h, axis=0, keepdims=True)


_readout = pl.pallas_call(
    _readout_body,
    out_shape=jax.ShapeDtypeStruct((1, _C), jnp.float32),
)


@jax.jit
def kernel(in_feat, edge_index, W1, b1, W2, b2):
  src = edge_index[0]
  dst = edge_index[1]
  zeros16 = jnp.zeros((_N, 16), jnp.float32)
  zeros128 = jnp.zeros((_N, _D), jnp.float32)
  ones_rows = jnp.ones((_CH, _C), jnp.float32)

  xw = _xw1(in_feat, W1)
  degpart = _deg_kernel(src, dst, zeros16, ones_rows)
  xs, ns, nd = _prescale(xw, degpart)
  aggpart = _segsum_d(xs, src, dst, zeros128)
  z = _mlp(aggpart, ns, nd, b1.reshape(1, _D), W2)
  qpart = _segsum_c(z, src, dst, zeros16)
  out = _readout(qpart, nd, b2.reshape(1, _C))
  return out.reshape(_C)

# --- scband reference (transcript-rebuilt; emitter-appended) ---
"""Pipeline reference for scband-gcn-10453950399050 (READ-ONLY COPY).

The authoritative reference and input builder live on the scoring server;
editing this copy changes nothing except your own understanding.
"""

import jax, jax.numpy as jnp
import numpy as np

N = 10000
E = 320000
D_IN = 128
D_H = 128
N_CLASSES = 16


def setup_inputs(seed: int = 0) -> dict:
    key = jax.random.key(seed)
    k1, k2, k3, k4, k5, k6 = jax.random.split(key, 6)
    in_feat = jax.random.normal(k1, (N, D_IN), dtype=jnp.float32)
    edge_index = jax.random.randint(k2, (2, E), 0, N).astype(jnp.int32)
    # GraphConv weights (Glorot-ish scaling)
    W1 = jax.random.normal(k3, (D_IN, D_H), dtype=jnp.float32) * (1.0 / np.sqrt(D_IN))
    b1 = jnp.zeros((D_H,), dtype=jnp.float32)
    W2 = jax.random.normal(k4, (D_H, N_CLASSES), dtype=jnp.float32) * (1.0 / np.sqrt(D_H))
    b2 = jnp.zeros((N_CLASSES,), dtype=jnp.float32)
    return {"in_feat": in_feat, "edge_index": edge_index, "W1": W1, "b1": b1, "W2": W2, "b2": b2}


def _gcn_layer(x, src, dst, W, b):
    # DGL GraphConv with norm='both': D_out^{-1/2} A D_in^{-1/2} X W + b
    ones = jnp.ones((src.shape[0],), dtype=x.dtype)
    deg_out = jax.ops.segment_sum(ones, src, num_segments=N)
    deg_in = jax.ops.segment_sum(ones, dst, num_segments=N)
    norm_src = jax.lax.rsqrt(jnp.clip(deg_out, 1.0, None))
    norm_dst = jax.lax.rsqrt(jnp.clip(deg_in, 1.0, None))
    msg = (x * norm_src[:, None])[src]                      # gather from src nodes
    agg = jax.ops.segment_sum(msg, dst, num_segments=N)     # scatter-add to dst nodes
    return (agg * norm_dst[:, None]) @ W + b


def reference(in_feat, edge_index, W1, b1, W2, b2):
    src = edge_index[0]
    dst = edge_index[1]
    h = _gcn_layer(in_feat, src, dst, W1, b1)
    h = jax.nn.relu(h)
    h = _gcn_layer(h, src, dst, W2, b2)
    h = jax.nn.relu(h)
    # dgl.readout_nodes(g, 'h', op='sum') over a single graph -> [num_classes]
    hg = jnp.sum(h, axis=0)
    return hg

if __name__ == "__main__":
    import jax
    _d = setup_inputs()
    print(jax.jit(kernel)(*tuple(_d.values())))

</pallas_src>

<mosaic_0001>
#map = affine_map<(d0, d1) -> (0)>
#map1 = affine_map<(d0, d1) -> (0, 0)>
#map2 = affine_map<(d0, d1) -> (0, 0, 0, 0)>
module attributes {stable_mosaic.version = 14 : i64} {
  func.func @_deg_body(%arg0: i32, %arg1: i32, %arg2: memref<320000xi32, #tpu.memory_space<hbm>>, %arg3: memref<320000xi32, #tpu.memory_space<hbm>>, %arg4: memref<10000x16xf32, #tpu.memory_space<hbm>>, %arg5: memref<128x16xf32, #tpu.memory_space<hbm>>, %arg6: memref<2x2x10000x16xf32, #tpu.memory_space<hbm>>, %arg7: memref<128xi32, #tpu.memory_space<vmem>>, %arg8: memref<128xi32, #tpu.memory_space<vmem>>, %arg9: memref<128xi32, #tpu.memory_space<vmem>>, %arg10: memref<128xi32, #tpu.memory_space<vmem>>, %arg11: memref<16xi32, #tpu.memory_space<vmem>>, %arg12: memref<16xi32, #tpu.memory_space<vmem>>, %arg13: memref<128x16xf32, #tpu.memory_space<vmem>>, %arg14: memref<10000x16xf32, #tpu.memory_space<vmem_shared>>, %arg15: memref<10000x16xf32, #tpu.memory_space<vmem_shared>>, %arg16: memref<!tpu.dma_semaphore, #tpu.memory_space<semaphore_mem>>, %arg17: memref<!tpu.dma_semaphore, #tpu.memory_space<semaphore_mem>>) attributes {dimension_semantics = [#tpu.dimension_semantics<core_parallel>, #tpu.dimension_semantics<subcore_parallel>], iteration_bounds = array<i64: 2, 16>, scalar_prefetch = 0 : i64, scratch_operands = 11 : i64, tpu.core_type = #tpu.core_type<sc_vector_subcore>, window_params = [{transform_indices = #map}, {transform_indices = #map}, {transform_indices = #map1}, {transform_indices = #map1}, {transform_indices = #map2}]} {
    %mul3A = arith.constant 624 : i32
    %mul3A_0 = arith.muli %arg1, %mul3A : i32
    "tpu.region"() ({
      %run_scoped3A_44 = tpu.sem_alloc : memref<!tpu.dma_semaphore, #tpu.memory_space<semaphore_mem>>
      %dma_start3A_45 = arith.constant 0 : i32
      %dma_start3A_46 = tpu.memref_slice %arg14[%mul3A_0, %dma_start3A_45] : memref<10000x16xf32, #tpu.memory_space<vmem_shared>> -> memref<624x16xf32, #tpu.memory_space<vmem_shared>>
      %dma_start3A_47 = arith.constant 0 : i32
      %dma_start3A_48 = tpu.memref_slice %arg4[%mul3A_0, %dma_start3A_47] : memref<10000x16xf32, #tpu.memory_space<hbm>> -> memref<624x16xf32, #tpu.memory_space<hbm>>
      tpu.enqueue_dma source(%dma_start3A_48 : memref<624x16xf32, #tpu.memory_space<hbm>>) target(%dma_start3A_46 : memref<624x16xf32, #tpu.memory_space<vmem_shared>>) target_semaphore(%run_scoped3A_44 : memref<!tpu.dma_semaphore, #tpu.memory_space<semaphore_mem>>)
      %dma_wait3A_49 = arith.constant 0 : i32
      %dma_wait3A_50 = tpu.memref_slice %arg14[%mul3A_0, %dma_wait3A_49] : memref<10000x16xf32, #tpu.memory_space<vmem_shared>> -> memref<624x16xf32, #tpu.memory_space<vmem_shared>>
      %dma_wait3A_51 = arith.constant 0 : i32
      %dma_wait3A_52 = tpu.memref_slice %arg4[%mul3A_0, %dma_wait3A_51] : memref<10000x16xf32, #tpu.memory_space<hbm>> -> memref<624x16xf32, #tpu.memory_space<hbm>>
      tpu.wait_dma2 semaphore(%run_scoped3A_44 : memref<!tpu.dma_semaphore, #tpu.memory_space<semaphore_mem>>) src(%dma_wait3A_52 : memref<624x16xf32, #tpu.memory_space<hbm>>) dst(%dma_wait3A_50 : memref<624x16xf32, #tpu.memory_space<vmem_shared>>)
      tpu.yield
    }) : () -> ()
    "tpu.region"() ({
      %run_scoped3A_44 = tpu.sem_alloc : memref<!tpu.dma_semaphore, #tpu.memory_space<semaphore_mem>>
      %dma_start3A_45 = arith.constant 0 : i32
      %dma_start3A_46 = tpu.memref_slice %arg15[%mul3A_0, %dma_start3A_45] : memref<10000x16xf32, #tpu.memory_space<vmem_shared>> -> memref<624x16xf32, #tpu.memory_space<vmem_shared>>
      %dma_start3A_47 = arith.constant 0 : i32
      %dma_start3A_48 = tpu.memref_slice %arg4[%mul3A_0, %dma_start3A_47] : memref<10000x16xf32, #tpu.memory_space<hbm>> -> memref<624x16xf32, #tpu.memory_space<hbm>>
      tpu.enqueue_dma source(%dma_start3A_48 : memref<624x16xf32, #tpu.memory_space<hbm>>) target(%dma_start3A_46 : memref<624x16xf32, #tpu.memory_space<vmem_shared>>) target_semaphore(%run_scoped3A_44 : memref<!tpu.dma_semaphore, #tpu.memory_space<semaphore_mem>>)
      %dma_wait3A_49 = arith.constant 0 : i32
      %dma_wait3A_50 = tpu.memref_slice %arg15[%mul3A_0, %dma_wait3A_49] : memref<10000x16xf32, #tpu.memory_space<vmem_shared>> -> memref<624x16xf32, #tpu.memory_space<vmem_shared>>
      %dma_wait3A_51 = arith.constant 0 : i32
      %dma_wait3A_52 = tpu.memref_slice %arg4[%mul3A_0, %dma_wait3A_51] : memref<10000x16xf32, #tpu.memory_space<hbm>> -> memref<624x16xf32, #tpu.memory_space<hbm>>
      tpu.wait_dma2 semaphore(%run_scoped3A_44 : memref<!tpu.dma_semaphore, #tpu.memory_space<semaphore_mem>>) src(%dma_wait3A_52 : memref<624x16xf32, #tpu.memory_space<hbm>>) dst(%dma_wait3A_50 : memref<624x16xf32, #tpu.memory_space<vmem_shared>>)
      tpu.yield
    }) : () -> ()
    %eq3A = arith.constant 15 : i32
    %eq3A_1 = arith.cmpi eq, %arg1, %eq3A : i32
    %convert_element_type3A = arith.extui %eq3A_1 : i1 to i32
    %cond3A = arith.constant 0 : i32
    %cond3A_2 = arith.cmpi ne, %convert_element_type3A, %cond3A : i32
    scf.if %cond3A_2 {
      "tpu.region"() ({
        %run_scoped3A_44 = tpu.sem_alloc : memref<!tpu.dma_semaphore, #tpu.memory_space<semaphore_mem>>
        %dma_start3A_45 = arith.constant 9984 : i32
        %dma_start3A_46 = arith.constant 0 : i32
        %dma_start3A_47 = tpu.memref_slice %arg14[%dma_start3A_45, %dma_start3A_46] : memref<10000x16xf32, #tpu.memory_space<vmem_shared>> -> memref<16x16xf32, #tpu.memory_space<vmem_shared>>
        %dma_start3A_48 = arith.constant 9984 : i32
        %dma_start3A_49 = arith.constant 0 : i32
        %dma_start3A_50 = tpu.memref_slice %arg4[%dma_start3A_48, %dma_start3A_49] : memref<10000x16xf32, #tpu.memory_space<hbm>> -> memref<16x16xf32, #tpu.memory_space<hbm>>
        tpu.enqueue_dma source(%dma_start3A_50 : memref<16x16xf32, #tpu.memory_space<hbm>>) target(%dma_start3A_47 : memref<16x16xf32, #tpu.memory_space<vmem_shared>>) target_semaphore(%run_scoped3A_44 : memref<!tpu.dma_semaphore, #tpu.memory_space<semaphore_mem>>)
        %dma_wait3A_51 = arith.constant 9984 : i32
        %dma_wait3A_52 = arith.constant 0 : i32
        %dma_wait3A_53 = tpu.memref_slice %arg14[%dma_wait3A_51, %dma_wait3A_52] : memref<10000x16xf32, #tpu.memory_space<vmem_shared>> -> memref<16x16xf32, #tpu.memory_space<vmem_shared>>
        %dma_wait3A_54 = arith.constant 9984 : i32
        %dma_wait3A_55 = arith.constant 0 : i32
        %dma_wait3A_56 = tpu.memref_slice %arg4[%dma_wait3A_54, %dma_wait3A_55] : memref<10000x16xf32, #tpu.memory_space<hbm>> -> memref<16x16xf32, #tpu.memory_space<hbm>>
        tpu.wait_dma2 semaphore(%run_scoped3A_44 : memref<!tpu.dma_semaphore, #tpu.memory_space<semaphore_mem>>) src(%dma_wait3A_56 : memref<16x16xf32, #tpu.memory_space<hbm>>) dst(%dma_wait3A_53 : memref<16x16xf32, #tpu.memory_space<vmem_shared>>)
        tpu.yield
      }) : () -> ()
      "tpu.region"() ({
        %run_scoped3A_44 = tpu.sem_alloc : memref<!tpu.dma_semaphore, #tpu.memory_space<semaphore_mem>>
        %dma_start3A_45 = arith.constant 9984 : i32
        %dma_start3A_46 = arith.constant 0 : i32
        %dma_start3A_47 = tpu.memref_slice %arg15[%dma_start3A_45, %dma_start3A_46] : memref<10000x16xf32, #tpu.memory_space<vmem_shared>> -> memref<16x16xf32, #tpu.memory_space<vmem_shared>>
        %dma_start3A_48 = arith.constant 9984 : i32
        %dma_start3A_49 = arith.constant 0 : i32
        %dma_start3A_50 = tpu.memref_slice %arg4[%dma_start3A_48, %dma_start3A_49] : memref<10000x16xf32, #tpu.memory_space<hbm>> -> memref<16x16xf32, #tpu.memory_space<hbm>>
        tpu.enqueue_dma source(%dma_start3A_50 : memref<16x16xf32, #tpu.memory_space<hbm>>) target(%dma_start3A_47 : memref<16x16xf32, #tpu.memory_space<vmem_shared>>) target_semaphore(%run_scoped3A_44 : memref<!tpu.dma_semaphore, #tpu.memory_space<semaphore_mem>>)
        %dma_wait3A_51 = arith.constant 9984 : i32
        %dma_wait3A_52 = arith.constant 0 : i32
        %dma_wait3A_53 = tpu.memref_slice %arg15[%dma_wait3A_51, %dma_wait3A_52] : memref<10000x16xf32, #tpu.memory_space<vmem_shared>> -> memref<16x16xf32, #tpu.memory_space<vmem_shared>>
        %dma_wait3A_54 = arith.constant 9984 : i32
        %dma_wait3A_55 = arith.constant 0 : i32
        %dma_wait3A_56 = tpu.memref_slice %arg4[%dma_wait3A_54, %dma_wait3A_55] : memref<10000x16xf32, #tpu.memory_space<hbm>> -> memref<16x16xf32, #tpu.memory_space<hbm>>
        tpu.wait_dma2 semaphore(%run_scoped3A_44 : memref<!tpu.dma_semaphore, #tpu.memory_space<semaphore_mem>>) src(%dma_wait3A_56 : memref<16x16xf32, #tpu.memory_space<hbm>>) dst(%dma_wait3A_53 : memref<16x16xf32, #tpu.memory_space<vmem_shared>>)
        tpu.yield
      }) : () -> ()
    } else {
    }
    "tpu.region"() ({
      %run_scoped3A_44 = tpu.sem_alloc : memref<!tpu.dma_semaphore, #tpu.memory_space<semaphore_mem>>
      tpu.enqueue_dma source(%arg5 : memref<128x16xf32, #tpu.memory_space<hbm>>) target(%arg13 : memref<128x16xf32, #tpu.memory_space<vmem>>) target_semaphore(%run_scoped3A_44 : memref<!tpu.dma_semaphore, #tpu.memory_space<semaphore_mem>>)
      tpu.wait_dma2 semaphore(%run_scoped3A_44 : memref<!tpu.dma_semaphore, #tpu.memory_space<semaphore_mem>>) src(%arg5 : memref<128x16xf32, #tpu.memory_space<hbm>>) dst(%arg13 : memref<128x16xf32, #tpu.memory_space<vmem>>)
      tpu.yield
    }) : () -> ()
    %barrier3A = arith.constant 0 : index
    tpu.barrier barrier_id(%barrier3A)
    %mul3A_3 = arith.constant 160000 : i32
    %mul3A_4 = arith.muli %arg0, %mul3A_3 : i32
    %mul3A_5 = arith.constant 10000 : i32
    %mul3A_6 = arith.muli %arg1, %mul3A_5 : i32
    %add3A = arith.addi %mul3A_4, %mul3A_6 : i32
    %dma_start3A = tpu.memref_slice %arg2[%add3A] : memref<320000xi32, #tpu.memory_space<hbm>> -> memref<128xi32, #tpu.memory_space<hbm>>
    %dma_start3A_7 = tpu.memref_slice %arg2[%add3A] : memref<320000xi32, #tpu.memory_space<hbm>> -> memref<128xi32, #tpu.memory_space<hbm>>
    tpu.enqueue_dma source(%dma_start3A_7 : memref<128xi32, #tpu.memory_space<hbm>>) target(%arg7 : memref<128xi32, #tpu.memory_space<vmem>>) target_semaphore(%arg16 : memref<!tpu.dma_semaphore, #tpu.memory_space<semaphore_mem>>)
    %dma_start3A_8 = tpu.memref_slice %arg3[%add3A] : memref<320000xi32, #tpu.memory_space<hbm>> -> memref<128xi32, #tpu.memory_space<hbm>>
    %dma_start3A_9 = tpu.memref_slice %arg3[%add3A] : memref<320000xi32, #tpu.memory_space<hbm>> -> memref<128xi32, #tpu.memory_space<hbm>>
    tpu.enqueue_dma source(%dma_start3A_9 : memref<128xi32, #tpu.memory_space<hbm>>) target(%arg8 : memref<128xi32, #tpu.memory_space<vmem>>) target_semaphore(%arg16 : memref<!tpu.dma_semaphore, #tpu.memory_space<semaphore_mem>>)
    %add3A_10 = arith.constant 128 : i32
    %add3A_11 = arith.addi %add3A, %add3A_10 : i32
    %dma_start3A_12 = tpu.memref_slice %arg2[%add3A_11] : memref<320000xi32, #tpu.memory_space<hbm>> -> memref<128xi32, #tpu.memory_space<hbm>>
    %dma_start3A_13 = tpu.memref_slice %arg2[%add3A_11] : memref<320000xi32, #tpu.memory_space<hbm>> -> memref<128xi32, #tpu.memory_space<hbm>>
    tpu.enqueue_dma source(%dma_start3A_13 : memref<128xi32, #tpu.memory_space<hbm>>) target(%arg9 : memref<128xi32, #tpu.memory_space<vmem>>) target_semaphore(%arg17 : memref<!tpu.dma_semaphore, #tpu.memory_space<semaphore_mem>>)
    %dma_start3A_14 = tpu.memref_slice %arg3[%add3A_11] : memref<320000xi32, #tpu.memory_space<hbm>> -> memref<128xi32, #tpu.memory_space<hbm>>
    %dma_start3A_15 = tpu.memref_slice %arg3[%add3A_11] : memref<320000xi32, #tpu.memory_space<hbm>> -> memref<128xi32, #tpu.memory_space<hbm>>
    tpu.enqueue_dma source(%dma_start3A_15 : memref<128xi32, #tpu.memory_space<hbm>>) target(%arg10 : memref<128xi32, #tpu.memory_space<vmem>>) target_semaphore(%arg17 : memref<!tpu.dma_semaphore, #tpu.memory_space<semaphore_mem>>)
    %scan3A = arith.constant 0 : i32
    %scan3A_16 = arith.constant 38 : i32
    %scan3A_17 = arith.addi %scan3A, %scan3A_16 : i32
    %scan3A_18 = arith.constant 1 : i32
    scf.for %scan3A_44 = %scan3A to %scan3A_17 step %scan3A_18  : i32 {
      %mul3A_45 = arith.constant 2 : i32
      %mul3A_46 = arith.muli %scan3A_44, %mul3A_45 : i32
      %add3A_47 = arith.constant 0 : i32
      %add3A_48 = arith.addi %add3A_47, %mul3A_46 : i32
      %dma_wait3A_49 = arith.constant 0 : i32
      %dma_wait3A_50 = tpu.memref_slice %arg2[%dma_wait3A_49] : memref<320000xi32, #tpu.memory_space<hbm>> -> memref<128xi32, #tpu.memory_space<hbm>>
      %dma_wait3A_51 = arith.constant 0 : i32
      %dma_wait3A_52 = tpu.memref_slice %arg2[%dma_wait3A_51] : memref<320000xi32, #tpu.memory_space<hbm>> -> memref<128xi32, #tpu.memory_space<hbm>>
      tpu.wait_dma2 semaphore(%arg16 : memref<!tpu.dma_semaphore, #tpu.memory_space<semaphore_mem>>) src(%dma_wait3A_52 : memref<128xi32, #tpu.memory_space<hbm>>) dst(%arg7 : memref<128xi32, #tpu.memory_space<vmem>>)
      %dma_wait3A_53 = arith.constant 0 : i32
      %dma_wait3A_54 = tpu.memref_slice %arg3[%dma_wait3A_53] : memref<320000xi32, #tpu.memory_space<hbm>> -> memref<128xi32, #tpu.memory_space<hbm>>
      %dma_wait3A_55 = arith.constant 0 : i32
      %dma_wait3A_56 = tpu.memref_slice %arg3[%dma_wait3A_55] : memref<320000xi32, #tpu.memory_space<hbm>> -> memref<128xi32, #tpu.memory_space<hbm>>
      tpu.wait_dma2 semaphore(%arg16 : memref<!tpu.dma_semaphore, #tpu.memory_space<semaphore_mem>>) src(%dma_wait3A_56 : memref<128xi32, #tpu.memory_space<hbm>>) dst(%arg8 : memref<128xi32, #tpu.memory_space<vmem>>)
      "tpu.region"() ({
        %run_scoped3A_83 = tpu.sem_alloc : memref<!tpu.dma_semaphore, #tpu.memory_space<semaphore_mem>>
        %dma_start3A_84 = arith.constant 0 : i32
        %dma_start3A_85 = arith.constant 0 : i32
        %dma_start3A_86 = tpu.memref_slice %arg14[%dma_start3A_84, %dma_start3A_85] : memref<10000x16xf32, #tpu.memory_space<vmem_shared>> -> memref<10000x16xf32, #tpu.memory_space<vmem_shared>>
        tpu.enqueue_indirect_dma source(%arg13 : memref<128x16xf32, #tpu.memory_space<vmem>>) target(%dma_start3A_86 : memref<10000x16xf32, #tpu.memory_space<vmem_shared>>) offsets(%arg7 : memref<128xi32, #tpu.memory_space<vmem>>) semaphore(%run_scoped3A_83 : memref<!tpu.dma_semaphore, #tpu.memory_space<semaphore_mem>>) {add = true}
        %dma_wait3A_87 = arith.constant 0 : i32
        %dma_wait3A_88 = arith.constant 0 : i32
        %dma_wait3A_89 = tpu.memref_slice %arg14[%dma_wait3A_87, %dma_wait3A_88] : memref<10000x16xf32, #tpu.memory_space<vmem_shared>> -> memref<10000x16xf32, #tpu.memory_space<vmem_shared>>
        tpu.wait_indirect_dma semaphore(%run_scoped3A_83 : memref<!tpu.dma_semaphore, #tpu.memory_space<semaphore_mem>>) src(%arg13 : memref<128x16xf32, #tpu.memory_space<vmem>>) dst(%dma_wait3A_89 : memref<10000x16xf32, #tpu.memory_space<vmem_shared>>)
        tpu.yield
      }) : () -> ()
      "tpu.region"() ({
        %run_scoped3A_83 = tpu.sem_alloc : memref<!tpu.dma_semaphore, #tpu.memory_space<semaphore_mem>>
        %dma_start3A_84 = arith.constant 0 : i32
        %dma_start3A_85 = arith.constant 0 : i32
        %dma_start3A_86 = tpu.memref_slice %arg15[%dma_start3A_84, %dma_start3A_85] : memref<10000x16xf32, #tpu.memory_space<vmem_shared>> -> memref<10000x16xf32, #tpu.memory_space<vmem_shared>>
        tpu.enqueue_indirect_dma source(%arg13 : memref<128x16xf32, #tpu.memory_space<vmem>>) target(%dma_start3A_86 : memref<10000x16xf32, #tpu.memory_space<vmem_shared>>) offsets(%arg8 : memref<128xi32, #tpu.memory_space<vmem>>) semaphore(%run_scoped3A_83 : memref<!tpu.dma_semaphore, #tpu.memory_space<semaphore_mem>>) {add = true}
        %dma_wait3A_87 = arith.constant 0 : i32
        %dma_wait3A_88 = arith.constant 0 : i32
        %dma_wait3A_89 = tpu.memref_slice %arg15[%dma_wait3A_87, %dma_wait3A_88] : memref<10000x16xf32, #tpu.memory_space<vmem_shared>> -> memref<10000x16xf32, #tpu.memory_space<vmem_shared>>
        tpu.wait_indirect_dma semaphore(%run_scoped3A_83 : memref<!tpu.dma_semaphore, #tpu.memory_space<semaphore_mem>>) src(%arg13 : memref<128x16xf32, #tpu.memory_space<vmem>>) dst(%dma_wait3A_89 : memref<10000x16xf32, #tpu.memory_space<vmem_shared>>)
        tpu.yield
      }) : () -> ()
      %add3A_57 = arith.constant 2 : i32
      %add3A_58 = arith.addi %add3A_48, %add3A_57 : i32
      %mul3A_59 = arith.constant 128 : i32
      %mul3A_60 = arith.muli %add3A_58, %mul3A_59 : i32
      %add3A_61 = arith.addi %add3A, %mul3A_60 : i32
      %dma_start3A_62 = tpu.memref_slice %arg2[%add3A_61] : memref<320000xi32, #tpu.memory_space<hbm>> -> memref<128xi32, #tpu.memory_space<hbm>>
      %dma_start3A_63 = tpu.memref_slice %arg2[%add3A_61] : memref<320000xi32, #tpu.memory_space<hbm>> -> memref<128xi32, #tpu.memory_space<hbm>>
      tpu.enqueue_dma source(%dma_start3A_63 : memref<128xi32, #tpu.memory_space<hbm>>) target(%arg7 : memref<128xi32, #tpu.memory_space<vmem>>) target_semaphore(%arg16 : memref<!tpu.dma_semaphore, #tpu.memory_space<semaphore_mem>>)
      %dma_start3A_64 = tpu.memref_slice %arg3[%add3A_61] : memref<320000xi32, #tpu.memory_space<hbm>> -> memref<128xi32, #tpu.memory_space<hbm>>
      %dma_start3A_65 = tpu.memref_slice %arg3[%add3A_61] : memref<320000xi32, #tpu.memory_space<hbm>> -> memref<128xi32, #tpu.memory_space<hbm>>
      tpu.enqueue_dma source(%dma_start3A_65 : memref<128xi32, #tpu.memory_space<hbm>>) target(%arg8 : memref<128xi32, #tpu.memory_space<vmem>>) target_semaphore(%arg16 : memref<!tpu.dma_semaphore, #tpu.memory_space<semaphore_mem>>)
      %dma_wait3A_66 = arith.constant 0 : i32
      %dma_wait3A_67 = tpu.memref_slice %arg2[%dma_wait3A_66] : memref<320000xi32, #tpu.memory_space<hbm>> -> memref<128xi32, #tpu.memory_space<hbm>>
      %dma_wait3A_68 = arith.constant 0 : i32
      %dma_wait3A_69 = tpu.memref_slice %arg2[%dma_wait3A_68] : memref<320000xi32, #tpu.memory_space<hbm>> -> memref<128xi32, #tpu.memory_space<hbm>>
      tpu.wait_dma2 semaphore(%arg17 : memref<!tpu.dma_semaphore, #tpu.memory_space<semaphore_mem>>) src(%dma_wait3A_69 : memref<128xi32, #tpu.memory_space<hbm>>) dst(%arg9 : memref<128xi32, #tpu.memory_space<vmem>>)
      %dma_wait3A_70 = arith.constant 0 : i32
      %dma_wait3A_71 = tpu.memref_slice %arg3[%dma_wait3A_70] : memref<320000xi32, #tpu.memory_space<hbm>> -> memref<128xi32, #tpu.memory_space<hbm>>
      %dma_wait3A_72 = arith.constant 0 : i32
      %dma_wait3A_73 = tpu.memref_slice %arg3[%dma_wait3A_72] : memref<320000xi32, #tpu.memory_space<hbm>> -> memref<128xi32, #tpu.memory_space<hbm>>
      tpu.wait_dma2 semaphore(%arg17 : memref<!tpu.dma_semaphore, #tpu.memory_space<semaphore_mem>>) src(%dma_wait3A_73 : memref<128xi32, #tpu.memory_space<hbm>>) dst(%arg10 : memref<128xi32, #tpu.memory_space<vmem>>)
      "tpu.region"() ({
        %run_scoped3A_83 = tpu.sem_alloc : memref<!tpu.dma_semaphore, #tpu.memory_space<semaphore_mem>>
        %dma_start3A_84 = arith.constant 0 : i32
        %dma_start3A_85 = arith.constant 0 : i32
        %dma_start3A_86 = tpu.memref_slice %arg14[%dma_start3A_84, %dma_start3A_85] : memref<10000x16xf32, #tpu.memory_space<vmem_shared>> -> memref<10000x16xf32, #tpu.memory_space<vmem_shared>>
        tpu.enqueue_indirect_dma source(%arg13 : memref<128x16xf32, #tpu.memory_space<vmem>>) target(%dma_start3A_86 : memref<10000x16xf32, #tpu.memory_space<vmem_shared>>) offsets(%arg9 : memref<128xi32, #tpu.memory_space<vmem>>) semaphore(%run_scoped3A_83 : memref<!tpu.dma_semaphore, #tpu.memory_space<semaphore_mem>>) {add = true}
        %dma_wait3A_87 = arith.constant 0 : i32
        %dma_wait3A_88 = arith.constant 0 : i32
        %dma_wait3A_89 = tpu.memref_slice %arg14[%dma_wait3A_87, %dma_wait3A_88] : memref<10000x16xf32, #tpu.memory_space<vmem_shared>> -> memref<10000x16xf32, #tpu.memory_space<vmem_shared>>
        tpu.wait_indirect_dma semaphore(%run_scoped3A_83 : memref<!tpu.dma_semaphore, #tpu.memory_space<semaphore_mem>>) src(%arg13 : memref<128x16xf32, #tpu.memory_space<vmem>>) dst(%dma_wait3A_89 : memref<10000x16xf32, #tpu.memory_space<vmem_shared>>)
        tpu.yield
      }) : () -> ()
      "tpu.region"() ({
        %run_scoped3A_83 = tpu.sem_alloc : memref<!tpu.dma_semaphore, #tpu.memory_space<semaphore_mem>>
        %dma_start3A_84 = arith.constant 0 : i32
        %dma_start3A_85 = arith.constant 0 : i32
        %dma_start3A_86 = tpu.memref_slice %arg15[%dma_start3A_84, %dma_start3A_85] : memref<10000x16xf32, #tpu.memory_space<vmem_shared>> -> memref<10000x16xf32, #tpu.memory_space<vmem_shared>>
        tpu.enqueue_indirect_dma source(%arg13 : memref<128x16xf32, #tpu.memory_space<vmem>>) target(%dma_start3A_86 : memref<10000x16xf32, #tpu.memory_space<vmem_shared>>) offsets(%arg10 : memref<128xi32, #tpu.memory_space<vmem>>) semaphore(%run_scoped3A_83 : memref<!tpu.dma_semaphore, #tpu.memory_space<semaphore_mem>>) {add = true}
        %dma_wait3A_87 = arith.constant 0 : i32
        %dma_wait3A_88 = arith.constant 0 : i32
        %dma_wait3A_89 = tpu.memref_slice %arg15[%dma_wait3A_87, %dma_wait3A_88] : memref<10000x16xf32, #tpu.memory_space<vmem_shared>> -> memref<10000x16xf32, #tpu.memory_space<vmem_shared>>
        tpu.wait_indirect_dma semaphore(%run_scoped3A_83 : memref<!tpu.dma_semaphore, #tpu.memory_space<semaphore_mem>>) src(%arg13 : memref<128x16xf32, #tpu.memory_space<vmem>>) dst(%dma_wait3A_89 : memref<10000x16xf32, #tpu.memory_space<vmem_shared>>)
        tpu.yield
      }) : () -> ()
      %add3A_74 = arith.constant 3 : i32
      %add3A_75 = arith.addi %add3A_48, %add3A_74 : i32
      %mul3A_76 = arith.constant 128 : i32
      %mul3A_77 = arith.muli %add3A_75, %mul3A_76 : i32
      %add3A_78 = arith.addi %add3A, %mul3A_77 : i32
      %dma_start3A_79 = tpu.memref_slice %arg2[%add3A_78] : memref<320000xi32, #tpu.memory_space<hbm>> -> memref<128xi32, #tpu.memory_space<hbm>>
      %dma_start3A_80 = tpu.memref_slice %arg2[%add3A_78] : memref<320000xi32, #tpu.memory_space<hbm>> -> memref<128xi32, #tpu.memory_space<hbm>>
      tpu.enqueue_dma source(%dma_start3A_80 : memref<128xi32, #tpu.memory_space<hbm>>) target(%arg9 : memref<128xi32, #tpu.memory_space<vmem>>) target_semaphore(%arg17 : memref<!tpu.dma_semaphore, #tpu.memory_space<semaphore_mem>>)
      %dma_start3A_81 = tpu.memref_slice %arg3[%add3A_78] : memref<320000xi32, #tpu.memory_space<hbm>> -> memref<128xi32, #tpu.memory_space<hbm>>
      %dma_start3A_82 = tpu.memref_slice %arg3[%add3A_78] : memref<320000xi32, #tpu.memory_space<hbm>> -> memref<128xi32, #tpu.memory_space<hbm>>
      tpu.enqueue_dma source(%dma_start3A_82 : memref<128xi32, #tpu.memory_space<hbm>>) target(%arg10 : memref<128xi32, #tpu.memory_space<vmem>>) target_semaphore(%arg17 : memref<!tpu.dma_semaphore, #tpu.memory_space<semaphore_mem>>)
    }
    %scan3A_19 = arith.constant 38 : i32
    %dma_wait3A = arith.constant 0 : i32
    %dma_wait3A_20 = tpu.memref_slice %arg2[%dma_wait3A] : memref<320000xi32, #tpu.memory_space<hbm>> -> memref<128xi32, #tpu.memory_space<hbm>>
    %dma_wait3A_21 = arith.constant 0 : i32
    %dma_wait3A_22 = tpu.memref_slice %arg2[%dma_wait3A_21] : memref<320000xi32, #tpu.memory_space<hbm>> -> memref<128xi32, #tpu.memory_space<hbm>>
    tpu.wait_dma2 semaphore(%arg16 : memref<!tpu.dma_semaphore, #tpu.memory_space<semaphore_mem>>) src(%dma_wait3A_22 : memref<128xi32, #tpu.memory_space<hbm>>) dst(%arg7 : memref<128xi32, #tpu.memory_space<vmem>>)
    %dma_wait3A_23 = arith.constant 0 : i32
    %dma_wait3A_24 = tpu.memref_slice %arg3[%dma_wait3A_23] : memref<320000xi32, #tpu.memory_space<hbm>> -> memref<128xi32, #tpu.memory_space<hbm>>
    %dma_wait3A_25 = arith.constant 0 : i32
    %dma_wait3A_26 = tpu.memref_slice %arg3[%dma_wait3A_25] : memref<320000xi32, #tpu.memory_space<hbm>> -> memref<128xi32, #tpu.memory_space<hbm>>
    tpu.wait_dma2 semaphore(%arg16 : memref<!tpu.dma_semaphore, #tpu.memory_space<semaphore_mem>>) src(%dma_wait3A_26 : memref<128xi32, #tpu.memory_space<hbm>>) dst(%arg8 : memref<128xi32, #tpu.memory_space<vmem>>)
    "tpu.region"() ({
      %run_scoped3A_44 = tpu.sem_alloc : memref<!tpu.dma_semaphore, #tpu.memory_space<semaphore_mem>>
      %dma_start3A_45 = arith.constant 0 : i32
      %dma_start3A_46 = arith.constant 0 : i32
      %dma_start3A_47 = tpu.memref_slice %arg14[%dma_start3A_45, %dma_start3A_46] : memref<10000x16xf32, #tpu.memory_space<vmem_shared>> -> memref<10000x16xf32, #tpu.memory_space<vmem_shared>>
      tpu.enqueue_indirect_dma source(%arg13 : memref<128x16xf32, #tpu.memory_space<vmem>>) target(%dma_start3A_47 : memref<10000x16xf32, #tpu.memory_space<vmem_shared>>) offsets(%arg7 : memref<128xi32, #tpu.memory_space<vmem>>) semaphore(%run_scoped3A_44 : memref<!tpu.dma_semaphore, #tpu.memory_space<semaphore_mem>>) {add = true}
      %dma_wait3A_48 = arith.constant 0 : i32
      %dma_wait3A_49 = arith.constant 0 : i32
      %dma_wait3A_50 = tpu.memref_slice %arg14[%dma_wait3A_48, %dma_wait3A_49] : memref<10000x16xf32, #tpu.memory_space<vmem_shared>> -> memref<10000x16xf32, #tpu.memory_space<vmem_shared>>
      tpu.wait_indirect_dma semaphore(%run_scoped3A_44 : memref<!tpu.dma_semaphore, #tpu.memory_space<semaphore_mem>>) src(%arg13 : memref<128x16xf32, #tpu.memory_space<vmem>>) dst(%dma_wait3A_50 : memref<10000x16xf32, #tpu.memory_space<vmem_shared>>)
      tpu.yield
    }) : () -> ()
    "tpu.region"() ({
      %run_scoped3A_44 = tpu.sem_alloc : memref<!tpu.dma_semaphore, #tpu.memory_space<semaphore_mem>>
      %dma_start3A_45 = arith.constant 0 : i32
      %dma_start3A_46 = arith.constant 0 : i32
      %dma_start3A_47 = tpu.memref_slice %arg15[%dma_start3A_45, %dma_start3A_46] : memref<10000x16xf32, #tpu.memory_space<vmem_shared>> -> memref<10000x16xf32, #tpu.memory_space<vmem_shared>>
      tpu.enqueue_indirect_dma source(%arg13 : memref<128x16xf32, #tpu.memory_space<vmem>>) target(%dma_start3A_47 : memref<10000x16xf32, #tpu.memory_space<vmem_shared>>) offsets(%arg8 : memref<128xi32, #tpu.memory_space<vmem>>) semaphore(%run_scoped3A_44 : memref<!tpu.dma_semaphore, #tpu.memory_space<semaphore_mem>>) {add = true}
      %dma_wait3A_48 = arith.constant 0 : i32
      %dma_wait3A_49 = arith.constant 0 : i32
      %dma_wait3A_50 = tpu.memref_slice %arg15[%dma_wait3A_48, %dma_wait3A_49] : memref<10000x16xf32, #tpu.memory_space<vmem_shared>> -> memref<10000x16xf32, #tpu.memory_space<vmem_shared>>
      tpu.wait_indirect_dma semaphore(%run_scoped3A_44 : memref<!tpu.dma_semaphore, #tpu.memory_space<semaphore_mem>>) src(%arg13 : memref<128x16xf32, #tpu.memory_space<vmem>>) dst(%dma_wait3A_50 : memref<10000x16xf32, #tpu.memory_space<vmem_shared>>)
      tpu.yield
    }) : () -> ()
    %dma_wait3A_27 = arith.constant 0 : i32
    %dma_wait3A_28 = tpu.memref_slice %arg2[%dma_wait3A_27] : memref<320000xi32, #tpu.memory_space<hbm>> -> memref<128xi32, #tpu.memory_space<hbm>>
    %dma_wait3A_29 = arith.constant 0 : i32
    %dma_wait3A_30 = tpu.memref_slice %arg2[%dma_wait3A_29] : memref<320000xi32, #tpu.memory_space<hbm>> -> memref<128xi32, #tpu.memory_space<hbm>>
    tpu.wait_dma2 semaphore(%arg17 : memref<!tpu.dma_semaphore, #tpu.memory_space<semaphore_mem>>) src(%dma_wait3A_30 : memref<128xi32, #tpu.memory_space<hbm>>) dst(%arg9 : memref<128xi32, #tpu.memory_space<vmem>>)
    %dma_wait3A_31 = arith.constant 0 : i32
    %dma_wait3A_32 = tpu.memref_slice %arg3[%dma_wait3A_31] : memref<320000xi32, #tpu.memory_space<hbm>> -> memref<128xi32, #tpu.memory_space<hbm>>
    %dma_wait3A_33 = arith.constant 0 : i32
    %dma_wait3A_34 = tpu.memref_slice %arg3[%dma_wait3A_33] : memref<320000xi32, #tpu.memory_space<hbm>> -> memref<128xi32, #tpu.memory_space<hbm>>
    tpu.wait_dma2 semaphore(%arg17 : memref<!tpu.dma_semaphore, #tpu.memory_space<semaphore_mem>>) src(%dma_wait3A_34 : memref<128xi32, #tpu.memory_space<hbm>>) dst(%arg10 : memref<128xi32, #tpu.memory_space<vmem>>)
    "tpu.region"() ({
      %run_scoped3A_44 = tpu.sem_alloc : memref<!tpu.dma_semaphore, #tpu.memory_space<semaphore_mem>>
      %dma_start3A_45 = arith.constant 0 : i32
      %dma_start3A_46 = arith.constant 0 : i32
      %dma_start3A_47 = tpu.memref_slice %arg14[%dma_start3A_45, %dma_start3A_46] : memref<10000x16xf32, #tpu.memory_space<vmem_shared>> -> memref<10000x16xf32, #tpu.memory_space<vmem_shared>>
      tpu.enqueue_indirect_dma source(%arg13 : memref<128x16xf32, #tpu.memory_space<vmem>>) target(%dma_start3A_47 : memref<10000x16xf32, #tpu.memory_space<vmem_shared>>) offsets(%arg9 : memref<128xi32, #tpu.memory_space<vmem>>) semaphore(%run_scoped3A_44 : memref<!tpu.dma_semaphore, #tpu.memory_space<semaphore_mem>>) {add = true}
      %dma_wait3A_48 = arith.constant 0 : i32
      %dma_wait3A_49 = arith.constant 0 : i32
      %dma_wait3A_50 = tpu.memref_slice %arg14[%dma_wait3A_48, %dma_wait3A_49] : memref<10000x16xf32, #tpu.memory_space<vmem_shared>> -> memref<10000x16xf32, #tpu.memory_space<vmem_shared>>
      tpu.wait_indirect_dma semaphore(%run_scoped3A_44 : memref<!tpu.dma_semaphore, #tpu.memory_space<semaphore_mem>>) src(%arg13 : memref<128x16xf32, #tpu.memory_space<vmem>>) dst(%dma_wait3A_50 : memref<10000x16xf32, #tpu.memory_space<vmem_shared>>)
      tpu.yield
    }) : () -> ()
    "tpu.region"() ({
      %run_scoped3A_44 = tpu.sem_alloc : memref<!tpu.dma_semaphore, #tpu.memory_space<semaphore_mem>>
      %dma_start3A_45 = arith.constant 0 : i32
      %dma_start3A_46 = arith.constant 0 : i32
      %dma_start3A_47 = tpu.memref_slice %arg15[%dma_start3A_45, %dma_start3A_46] : memref<10000x16xf32, #tpu.memory_space<vmem_shared>> -> memref<10000x16xf32, #tpu.memory_space<vmem_shared>>
      tpu.enqueue_indirect_dma source(%arg13 : memref<128x16xf32, #tpu.memory_space<vmem>>) target(%dma_start3A_47 : memref<10000x16xf32, #tpu.memory_space<vmem_shared>>) offsets(%arg10 : memref<128xi32, #tpu.memory_space<vmem>>) semaphore(%run_scoped3A_44 : memref<!tpu.dma_semaphore, #tpu.memory_space<semaphore_mem>>) {add = true}
      %dma_wait3A_48 = arith.constant 0 : i32
      %dma_wait3A_49 = arith.constant 0 : i32
      %dma_wait3A_50 = tpu.memref_slice %arg15[%dma_wait3A_48, %dma_wait3A_49] : memref<10000x16xf32, #tpu.memory_space<vmem_shared>> -> memref<10000x16xf32, #tpu.memory_space<vmem_shared>>
      tpu.wait_indirect_dma semaphore(%run_scoped3A_44 : memref<!tpu.dma_semaphore, #tpu.memory_space<semaphore_mem>>) src(%arg13 : memref<128x16xf32, #tpu.memory_space<vmem>>) dst(%dma_wait3A_50 : memref<10000x16xf32, #tpu.memory_space<vmem_shared>>)
      tpu.yield
    }) : () -> ()
    %add3A_35 = arith.constant 9984 : i32
    %add3A_36 = arith.addi %add3A, %add3A_35 : i32
    "tpu.region"() ({
      %run_scoped3A_44 = tpu.sem_alloc : memref<!tpu.dma_semaphore, #tpu.memory_space<semaphore_mem>>
      %dma_start3A_45 = tpu.memref_slice %arg2[%add3A_36] : memref<320000xi32, #tpu.memory_space<hbm>> -> memref<16xi32, #tpu.memory_space<hbm>>
      %dma_start3A_46 = tpu.memref_slice %arg2[%add3A_36] : memref<320000xi32, #tpu.memory_space<hbm>> -> memref<16xi32, #tpu.memory_space<hbm>>
      tpu.enqueue_dma source(%dma_start3A_46 : memref<16xi32, #tpu.memory_space<hbm>>) target(%arg11 : memref<16xi32, #tpu.memory_space<vmem>>) target_semaphore(%run_scoped3A_44 : memref<!tpu.dma_semaphore, #tpu.memory_space<semaphore_mem>>)
      %dma_wait3A_47 = tpu.memref_slice %arg2[%add3A_36] : memref<320000xi32, #tpu.memory_space<hbm>> -> memref<16xi32, #tpu.memory_space<hbm>>
      %dma_wait3A_48 = tpu.memref_slice %arg2[%add3A_36] : memref<320000xi32, #tpu.memory_space<hbm>> -> memref<16xi32, #tpu.memory_space<hbm>>
      tpu.wait_dma2 semaphore(%run_scoped3A_44 : memref<!tpu.dma_semaphore, #tpu.memory_space<semaphore_mem>>) src(%dma_wait3A_48 : memref<16xi32, #tpu.memory_space<hbm>>) dst(%arg11 : memref<16xi32, #tpu.memory_space<vmem>>)
      tpu.yield
    }) : () -> ()
    "tpu.region"() ({
      %run_scoped3A_44 = tpu.sem_alloc : memref<!tpu.dma_semaphore, #tpu.memory_space<semaphore_mem>>
      %dma_start3A_45 = tpu.memref_slice %arg3[%add3A_36] : memref<320000xi32, #tpu.memory_space<hbm>> -> memref<16xi32, #tpu.memory_space<hbm>>
      %dma_start3A_46 = tpu.memref_slice %arg3[%add3A_36] : memref<320000xi32, #tpu.memory_space<hbm>> -> memref<16xi32, #tpu.memory_space<hbm>>
      tpu.enqueue_dma source(%dma_start3A_46 : memref<16xi32, #tpu.memory_space<hbm>>) target(%arg12 : memref<16xi32, #tpu.memory_space<vmem>>) target_semaphore(%run_scoped3A_44 : memref<!tpu.dma_semaphore, #tpu.memory_space<semaphore_mem>>)
      %dma_wait3A_47 = tpu.memref_slice %arg3[%add3A_36] : memref<320000xi32, #tpu.memory_space<hbm>> -> memref<16xi32, #tpu.memory_space<hbm>>
      %dma_wait3A_48 = tpu.memref_slice %arg3[%add3A_36] : memref<320000xi32, #tpu.memory_space<hbm>> -> memref<16xi32, #tpu.memory_space<hbm>>
      tpu.wait_dma2 semaphore(%run_scoped3A_44 : memref<!tpu.dma_semaphore, #tpu.memory_space<semaphore_mem>>) src(%dma_wait3A_48 : memref<16xi32, #tpu.memory_space<hbm>>) dst(%arg12 : memref<16xi32, #tpu.memory_space<vmem>>)
      tpu.yield
    }) : () -> ()
    "tpu.region"() ({
      %run_scoped3A_44 = tpu.sem_alloc : memref<!tpu.dma_semaphore, #tpu.memory_space<semaphore_mem>>
      %dma_start3A_45 = arith.constant 0 : i32
      %dma_start3A_46 = arith.constant 0 : i32
      %dma_start3A_47 = tpu.memref_slice %arg13[%dma_start3A_45, %dma_start3A_46] : memref<128x16xf32, #tpu.memory_space<vmem>> -> memref<16x16xf32, #tpu.memory_space<vmem>>
      %dma_start3A_48 = arith.constant 0 : i32
      %dma_start3A_49 = arith.constant 0 : i32
      %dma_start3A_50 = tpu.memref_slice %arg14[%dma_start3A_48, %dma_start3A_49] : memref<10000x16xf32, #tpu.memory_space<vmem_shared>> -> memref<10000x16xf32, #tpu.memory_space<vmem_shared>>
      tpu.enqueue_indirect_dma source(%dma_start3A_47 : memref<16x16xf32, #tpu.memory_space<vmem>>) target(%dma_start3A_50 : memref<10000x16xf32, #tpu.memory_space<vmem_shared>>) offsets(%arg11 : memref<16xi32, #tpu.memory_space<vmem>>) semaphore(%run_scoped3A_44 : memref<!tpu.dma_semaphore, #tpu.memory_space<semaphore_mem>>) {add = true}
      %dma_wait3A_51 = arith.constant 0 : i32
      %dma_wait3A_52 = arith.constant 0 : i32
      %dma_wait3A_53 = tpu.memref_slice %arg13[%dma_wait3A_51, %dma_wait3A_52] : memref<128x16xf32, #tpu.memory_space<vmem>> -> memref<16x16xf32, #tpu.memory_space<vmem>>
      %dma_wait3A_54 = arith.constant 0 : i32
      %dma_wait3A_55 = arith.constant 0 : i32
      %dma_wait3A_56 = tpu.memref_slice %arg14[%dma_wait3A_54, %dma_wait3A_55] : memref<10000x16xf32, #tpu.memory_space<vmem_shared>> -> memref<10000x16xf32, #tpu.memory_space<vmem_shared>>
      tpu.wait_indirect_dma semaphore(%run_scoped3A_44 : memref<!tpu.dma_semaphore, #tpu.memory_space<semaphore_mem>>) src(%dma_wait3A_53 : memref<16x16xf32, #tpu.memory_space<vmem>>) dst(%dma_wait3A_56 : memref<10000x16xf32, #tpu.memory_space<vmem_shared>>)
      tpu.yield
    }) : () -> ()
    "tpu.region"() ({
      %run_scoped3A_44 = tpu.sem_alloc : memref<!tpu.dma_semaphore, #tpu.memory_space<semaphore_mem>>
      %dma_start3A_45 = arith.constant 0 : i32
      %dma_start3A_46 = arith.constant 0 : i32
      %dma_start3A_47 = tpu.memref_slice %arg13[%dma_start3A_45, %dma_start3A_46] : memref<128x16xf32, #tpu.memory_space<vmem>> -> memref<16x16xf32, #tpu.memory_space<vmem>>
      %dma_start3A_48 = arith.constant 0 : i32
      %dma_start3A_49 = arith.constant 0 : i32
      %dma_start3A_50 = tpu.memref_slice %arg15[%dma_start3A_48, %dma_start3A_49] : memref<10000x16xf32, #tpu.memory_space<vmem_shared>> -> memref<10000x16xf32, #tpu.memory_space<vmem_shared>>
      tpu.enqueue_indirect_dma source(%dma_start3A_47 : memref<16x16xf32, #tpu.memory_space<vmem>>) target(%dma_start3A_50 : memref<10000x16xf32, #tpu.memory_space<vmem_shared>>) offsets(%arg12 : memref<16xi32, #tpu.memory_space<vmem>>) semaphore(%run_scoped3A_44 : memref<!tpu.dma_semaphore, #tpu.memory_space<semaphore_mem>>) {add = true}
      %dma_wait3A_51 = arith.constant 0 : i32
      %dma_wait3A_52 = arith.constant 0 : i32
      %dma_wait3A_53 = tpu.memref_slice %arg13[%dma_wait3A_51, %dma_wait3A_52] : memref<128x16xf32, #tpu.memory_space<vmem>> -> memref<16x16xf32, #tpu.memory_space<vmem>>
      %dma_wait3A_54 = arith.constant 0 : i32
      %dma_wait3A_55 = arith.constant 0 : i32
      %dma_wait3A_56 = tpu.memref_slice %arg15[%dma_wait3A_54, %dma_wait3A_55] : memref<10000x16xf32, #tpu.memory_space<vmem_shared>> -> memref<10000x16xf32, #tpu.memory_space<vmem_shared>>
      tpu.wait_indirect_dma semaphore(%run_scoped3A_44 : memref<!tpu.dma_semaphore, #tpu.memory_space<semaphore_mem>>) src(%dma_wait3A_53 : memref<16x16xf32, #tpu.memory_space<vmem>>) dst(%dma_wait3A_56 : memref<10000x16xf32, #tpu.memory_space<vmem_shared>>)
      tpu.yield
    }) : () -> ()
    %barrier3A_37 = arith.constant 0 : index
    tpu.barrier barrier_id(%barrier3A_37)
    %run_scoped3A = arith.constant 0 : i32
    "tpu.region"() ({
      %run_scoped3A_44 = tpu.sem_alloc : memref<!tpu.dma_semaphore, #tpu.memory_space<semaphore_mem>>
      %dma_start3A_45 = arith.constant 0 : i32
      %dma_start3A_46 = tpu.memref_slice %arg6[%arg0, %run_scoped3A, %mul3A_0, %dma_start3A_45] : memref<2x2x10000x16xf32, #tpu.memory_space<hbm>> -> memref<1x1x624x16xf32, #tpu.memory_space<hbm>>
      %dma_start3A_47 = tpu.memref_squeeze %dma_start3A_46 : memref<1x1x624x16xf32, #tpu.memory_space<hbm>> -> memref<624x16xf32, #tpu.memory_space<hbm>>
      %dma_start3A_48 = arith.constant 0 : i32
      %dma_start3A_49 = tpu.memref_slice %arg14[%mul3A_0, %dma_start3A_48] : memref<10000x16xf32, #tpu.memory_space<vmem_shared>> -> memref<624x16xf32, #tpu.memory_space<vmem_shared>>
      tpu.enqueue_dma source(%dma_start3A_49 : memref<624x16xf32, #tpu.memory_space<vmem_shared>>) target(%dma_start3A_47 : memref<624x16xf32, #tpu.memory_space<hbm>>) target_semaphore(%run_scoped3A_44 : memref<!tpu.dma_semaphore, #tpu.memory_space<semaphore_mem>>)
      %dma_wait3A_50 = arith.constant 0 : i32
      %dma_wait3A_51 = tpu.memref_slice %arg6[%arg0, %run_scoped3A, %mul3A_0, %dma_wait3A_50] : memref<2x2x10000x16xf32, #tpu.memory_space<hbm>> -> memref<1x1x624x16xf32, #tpu.memory_space<hbm>>
      %dma_wait3A_52 = tpu.memref_squeeze %dma_wait3A_51 : memref<1x1x624x16xf32, #tpu.memory_space<hbm>> -> memref<624x16xf32, #tpu.memory_space<hbm>>
      %dma_wait3A_53 = arith.constant 0 : i32
      %dma_wait3A_54 = tpu.memref_slice %arg14[%mul3A_0, %dma_wait3A_53] : memref<10000x16xf32, #tpu.memory_space<vmem_shared>> -> memref<624x16xf32, #tpu.memory_space<vmem_shared>>
      tpu.wait_dma2 semaphore(%run_scoped3A_44 : memref<!tpu.dma_semaphore, #tpu.memory_space<semaphore_mem>>) src(%dma_wait3A_54 : memref<624x16xf32, #tpu.memory_space<vmem_shared>>) dst(%dma_wait3A_52 : memref<624x16xf32, #tpu.memory_space<hbm>>)
      tpu.yield
    }) : () -> ()
    %run_scoped3A_38 = arith.constant 1 : i32
    "tpu.region"() ({
      %run_scoped3A_44 = tpu.sem_alloc : memref<!tpu.dma_semaphore, #tpu.memory_space<semaphore_mem>>
      %dma_start3A_45 = arith.constant 0 : i32
      %dma_start3A_46 = tpu.memref_slice %arg6[%arg0, %run_scoped3A_38, %mul3A_0, %dma_start3A_45] : memref<2x2x10000x16xf32, #tpu.memory_space<hbm>> -> memref<1x1x624x16xf32, #tpu.memory_space<hbm>>
      %dma_start3A_47 = tpu.memref_squeeze %dma_start3A_46 : memref<1x1x624x16xf32, #tpu.memory_space<hbm>> -> memref<624x16xf32, #tpu.memory_space<hbm>>
      %dma_start3A_48 = arith.constant 0 : i32
      %dma_start3A_49 = tpu.memref_slice %arg15[%mul3A_0, %dma_start3A_48] : memref<10000x16xf32, #tpu.memory_space<vmem_shared>> -> memref<624x16xf32, #tpu.memory_space<vmem_shared>>
      tpu.enqueue_dma source(%dma_start3A_49 : memref<624x16xf32, #tpu.memory_space<vmem_shared>>) target(%dma_start3A_47 : memref<624x16xf32, #tpu.memory_space<hbm>>) target_semaphore(%run_scoped3A_44 : memref<!tpu.dma_semaphore, #tpu.memory_space<semaphore_mem>>)
      %dma_wait3A_50 = arith.constant 0 : i32
      %dma_wait3A_51 = tpu.memref_slice %arg6[%arg0, %run_scoped3A_38, %mul3A_0, %dma_wait3A_50] : memref<2x2x10000x16xf32, #tpu.memory_space<hbm>> -> memref<1x1x624x16xf32, #tpu.memory_space<hbm>>
      %dma_wait3A_52 = tpu.memref_squeeze %dma_wait3A_51 : memref<1x1x624x16xf32, #tpu.memory_space<hbm>> -> memref<624x16xf32, #tpu.memory_space<hbm>>
      %dma_wait3A_53 = arith.constant 0 : i32
      %dma_wait3A_54 = tpu.memref_slice %arg15[%mul3A_0, %dma_wait3A_53] : memref<10000x16xf32, #tpu.memory_space<vmem_shared>> -> memref<624x16xf32, #tpu.memory_space<vmem_shared>>
      tpu.wait_dma2 semaphore(%run_scoped3A_44 : memref<!tpu.dma_semaphore, #tpu.memory_space<semaphore_mem>>) src(%dma_wait3A_54 : memref<624x16xf32, #tpu.memory_space<vmem_shared>>) dst(%dma_wait3A_52 : memref<624x16xf32, #tpu.memory_space<hbm>>)
      tpu.yield
    }) : () -> ()
    %eq3A_39 = arith.constant 15 : i32
    %eq3A_40 = arith.cmpi eq, %arg1, %eq3A_39 : i32
    %convert_element_type3A_41 = arith.extui %eq3A_40 : i1 to i32
    %cond3A_42 = arith.constant 0 : i32
    %cond3A_43 = arith.cmpi ne, %convert_element_type3A_41, %cond3A_42 : i32
    scf.if %cond3A_43 {
      %run_scoped3A_44 = arith.constant 0 : i32
      "tpu.region"() ({
        %run_scoped3A_46 = tpu.sem_alloc : memref<!tpu.dma_semaphore, #tpu.memory_space<semaphore_mem>>
        %dma_start3A_47 = arith.constant 9984 : i32
        %dma_start3A_48 = arith.constant 0 : i32
        %dma_start3A_49 = tpu.memref_slice %arg6[%arg0, %run_scoped3A_44, %dma_start3A_47, %dma_start3A_48] : memref<2x2x10000x16xf32, #tpu.memory_space<hbm>> -> memref<1x1x16x16xf32, #tpu.memory_space<hbm>>
        %dma_start3A_50 = tpu.memref_squeeze %dma_start3A_49 : memref<1x1x16x16xf32, #tpu.memory_space<hbm>> -> memref<16x16xf32, #tpu.memory_space<hbm>>
        %dma_start3A_51 = arith.constant 9984 : i32
        %dma_start3A_52 = arith.constant 0 : i32
        %dma_start3A_53 = tpu.memref_slice %arg14[%dma_start3A_51, %dma_start3A_52] : memref<10000x16xf32, #tpu.memory_space<vmem_shared>> -> memref<16x16xf32, #tpu.memory_space<vmem_shared>>
        tpu.enqueue_dma source(%dma_start3A_53 : memref<16x16xf32, #tpu.memory_space<vmem_shared>>) target(%dma_start3A_50 : memref<16x16xf32, #tpu.memory_space<hbm>>) target_semaphore(%run_scoped3A_46 : memref<!tpu.dma_semaphore, #tpu.memory_space<semaphore_mem>>)
        %dma_wait3A_54 = arith.constant 9984 : i32
        %dma_wait3A_55 = arith.constant 0 : i32
        %dma_wait3A_56 = tpu.memref_slice %arg6[%arg0, %run_scoped3A_44, %dma_wait3A_54, %dma_wait3A_55] : memref<2x2x10000x16xf32, #tpu.memory_space<hbm>> -> memref<1x1x16x16xf32, #tpu.memory_space<hbm>>
        %dma_wait3A_57 = tpu.memref_squeeze %dma_wait3A_56 : memref<1x1x16x16xf32, #tpu.memory_space<hbm>> -> memref<16x16xf32, #tpu.memory_space<hbm>>
        %dma_wait3A_58 = arith.constant 9984 : i32
        %dma_wait3A_59 = arith.constant 0 : i32
        %dma_wait3A_60 = tpu.memref_slice %arg14[%dma_wait3A_58, %dma_wait3A_59] : memref<10000x16xf32, #tpu.memory_space<vmem_shared>> -> memref<16x16xf32, #tpu.memory_space<vmem_shared>>
        tpu.wait_dma2 semaphore(%run_scoped3A_46 : memref<!tpu.dma_semaphore, #tpu.memory_space<semaphore_mem>>) src(%dma_wait3A_60 : memref<16x16xf32, #tpu.memory_space<vmem_shared>>) dst(%dma_wait3A_57 : memref<16x16xf32, #tpu.memory_space<hbm>>)
        tpu.yield
      }) : () -> ()
      %run_scoped3A_45 = arith.constant 1 : i32
      "tpu.region"() ({
        %run_scoped3A_46 = tpu.sem_alloc : memref<!tpu.dma_semaphore, #tpu.memory_space<semaphore_mem>>
        %dma_start3A_47 = arith.constant 9984 : i32
        %dma_start3A_48 = arith.constant 0 : i32
        %dma_start3A_49 = tpu.memref_slice %arg6[%arg0, %run_scoped3A_45, %dma_start3A_47, %dma_start3A_48] : memref<2x2x10000x16xf32, #tpu.memory_space<hbm>> -> memref<1x1x16x16xf32, #tpu.memory_space<hbm>>
        %dma_start3A_50 = tpu.memref_squeeze %dma_start3A_49 : memref<1x1x16x16xf32, #tpu.memory_space<hbm>> -> memref<16x16xf32, #tpu.memory_space<hbm>>
        %dma_start3A_51 = arith.constant 9984 : i32
        %dma_start3A_52 = arith.constant 0 : i32
        %dma_start3A_53 = tpu.memref_slice %arg15[%dma_start3A_51, %dma_start3A_52] : memref<10000x16xf32, #tpu.memory_space<vmem_shared>> -> memref<16x16xf32, #tpu.memory_space<vmem_shared>>
        tpu.enqueue_dma source(%dma_start3A_53 : memref<16x16xf32, #tpu.memory_space<vmem_shared>>) target(%dma_start3A_50 : memref<16x16xf32, #tpu.memory_space<hbm>>) target_semaphore(%run_scoped3A_46 : memref<!tpu.dma_semaphore, #tpu.memory_space<semaphore_mem>>)
        %dma_wait3A_54 = arith.constant 9984 : i32
        %dma_wait3A_55 = arith.constant 0 : i32
        %dma_wait3A_56 = tpu.memref_slice %arg6[%arg0, %run_scoped3A_45, %dma_wait3A_54, %dma_wait3A_55] : memref<2x2x10000x16xf32, #tpu.memory_space<hbm>> -> memref<1x1x16x16xf32, #tpu.memory_space<hbm>>
        %dma_wait3A_57 = tpu.memref_squeeze %dma_wait3A_56 : memref<1x1x16x16xf32, #tpu.memory_space<hbm>> -> memref<16x16xf32, #tpu.memory_space<hbm>>
        %dma_wait3A_58 = arith.constant 9984 : i32
        %dma_wait3A_59 = arith.constant 0 : i32
        %dma_wait3A_60 = tpu.memref_slice %arg15[%dma_wait3A_58, %dma_wait3A_59] : memref<10000x16xf32, #tpu.memory_space<vmem_shared>> -> memref<16x16xf32, #tpu.memory_space<vmem_shared>>
        tpu.wait_dma2 semaphore(%run_scoped3A_46 : memref<!tpu.dma_semaphore, #tpu.memory_space<semaphore_mem>>) src(%dma_wait3A_60 : memref<16x16xf32, #tpu.memory_space<vmem_shared>>) dst(%dma_wait3A_57 : memref<16x16xf32, #tpu.memory_space<hbm>>)
        tpu.yield
      }) : () -> ()
    } else {
    }
    return
  }
}

#map = affine_map<(d0, d1) -> (0, 0)>
#map1 = affine_map<(d0, d1) -> (0)>
#map2 = affine_map<(d0, d1) -> (0, 0, 0)>
module attributes {stable_mosaic.version = 14 : i64} {
  func.func @_segsum_body(%arg0: i32, %arg1: i32, %arg2: memref<10000x128xf32, #tpu.memory_space<hbm>>, %arg3: memref<320000xi32, #tpu.memory_space<hbm>>, %arg4: memref<320000xi32, #tpu.memory_space<hbm>>, %arg5: memref<10000x128xf32, #tpu.memory_space<hbm>>, %arg6: memref<2x10000x128xf32, #tpu.memory_space<hbm>>, %arg7: memref<128xi32, #tpu.memory_space<vmem>>, %arg8: memref<128xi32, #tpu.memory_space<vmem>>, %arg9: memref<128xi32, #tpu.memory_space<vmem>>, %arg10: memref<128xi32, #tpu.memory_space<vmem>>, %arg11: memref<16xi32, #tpu.memory_space<vmem>>, %arg12: memref<16xi32, #tpu.memory_space<vmem>>, %arg13: memref<128x128xf32, #tpu.memory_space<vmem>>, %arg14: memref<128x128xf32, #tpu.memory_space<vmem>>, %arg15: memref<16x128xf32, #tpu.memory_space<vmem>>, %arg16: memref<10000x128xf32, #tpu.memory_space<vmem_shared>>, %arg17: memref<!tpu.dma_semaphore, #tpu.memory_space<semaphore_mem>>, %arg18: memref<!tpu.dma_semaphore, #tpu.memory_space<semaphore_mem>>, %arg19: memref<!tpu.dma_semaphore, #tpu.memory_space<semaphore_mem>>, %arg20: memref<!tpu.dma_semaphore, #tpu.memory_space<semaphore_mem>>) attributes {dimension_semantics = [#tpu.dimension_semantics<core_parallel>, #tpu.dimension_semantics<subcore_parallel>], iteration_bounds = array<i64: 2, 16>, scalar_prefetch = 0 : i64, scratch_operands = 14 : i64, tpu.core_type = #tpu.core_type<sc_vector_subcore>, window_params = [{transform_indices = #map}, {transform_indices = #map1}, {transform_indices = #map1}, {transform_indices = #map}, {transform_indices = #map2}]} {
    %mul3A = arith.constant 624 : i32
    %mul3A_0 = arith.muli %arg1, %mul3A : i32
    "tpu.region"() ({
      %run_scoped3A = tpu.sem_alloc : memref<!tpu.dma_semaphore, #tpu.memory_space<semaphore_mem>>
      %dma_start3A_61 = arith.constant 0 : i32
      %dma_start3A_62 = tpu.memref_slice %arg16[%mul3A_0, %dma_start3A_61] : memref<10000x128xf32, #tpu.memory_space<vmem_shared>> -> memref<624x128xf32, #tpu.memory_space<vmem_shared>>
      %dma_start3A_63 = arith.constant 0 : i32
      %dma_start3A_64 = tpu.memref_slice %arg5[%mul3A_0, %dma_start3A_63] : memref<10000x128xf32, #tpu.memory_space<hbm>> -> memref<624x128xf32, #tpu.memory_space<hbm>>
      tpu.enqueue_dma source(%dma_start3A_64 : memref<624x128xf32, #tpu.memory_space<hbm>>) target(%dma_start3A_62 : memref<624x128xf32, #tpu.memory_space<vmem_shared>>) target_semaphore(%run_scoped3A : memref<!tpu.dma_semaphore, #tpu.memory_space<semaphore_mem>>)
      %dma_wait3A_65 = arith.constant 0 : i32
      %dma_wait3A_66 = tpu.memref_slice %arg16[%mul3A_0, %dma_wait3A_65] : memref<10000x128xf32, #tpu.memory_space<vmem_shared>> -> memref<624x128xf32, #tpu.memory_space<vmem_shared>>
      %dma_wait3A_67 = arith.constant 0 : i32
      %dma_wait3A_68 = tpu.memref_slice %arg5[%mul3A_0, %dma_wait3A_67] : memref<10000x128xf32, #tpu.memory_space<hbm>> -> memref<624x128xf32, #tpu.memory_space<hbm>>
      tpu.wait_dma2 semaphore(%run_scoped3A : memref<!tpu.dma_semaphore, #tpu.memory_space<semaphore_mem>>) src(%dma_wait3A_68 : memref<624x128xf32, #tpu.memory_space<hbm>>) dst(%dma_wait3A_66 : memref<624x128xf32, #tpu.memory_space<vmem_shared>>)
      tpu.yield
    }) : () -> ()
    %eq3A = arith.constant 15 : i32
    %eq3A_1 = arith.cmpi eq, %arg1, %eq3A : i32
    %convert_element_type3A = arith.extui %eq3A_1 : i1 to i32
    %cond3A = arith.constant 0 : i32
    %cond3A_2 = arith.cmpi ne, %convert_element_type3A, %cond3A : i32
    scf.if %cond3A_2 {
      "tpu.region"() ({
        %run_scoped3A = tpu.sem_alloc : memref<!tpu.dma_semaphore, #tpu.memory_space<semaphore_mem>>
        %dma_start3A_61 = arith.constant 9984 : i32
        %dma_start3A_62 = arith.constant 0 : i32
        %dma_start3A_63 = tpu.memref_slice %arg16[%dma_start3A_61, %dma_start3A_62] : memref<10000x128xf32, #tpu.memory_space<vmem_shared>> -> memref<16x128xf32, #tpu.memory_space<vmem_shared>>
        %dma_start3A_64 = arith.constant 9984 : i32
        %dma_start3A_65 = arith.constant 0 : i32
        %dma_start3A_66 = tpu.memref_slice %arg5[%dma_start3A_64, %dma_start3A_65] : memref<10000x128xf32, #tpu.memory_space<hbm>> -> memref<16x128xf32, #tpu.memory_space<hbm>>
        tpu.enqueue_dma source(%dma_start3A_66 : memref<16x128xf32, #tpu.memory_space<hbm>>) target(%dma_start3A_63 : memref<16x128xf32, #tpu.memory_space<vmem_shared>>) target_semaphore(%run_scoped3A : memref<!tpu.dma_semaphore, #tpu.memory_space<semaphore_mem>>)
        %dma_wait3A_67 = arith.constant 9984 : i32
        %dma_wait3A_68 = arith.constant 0 : i32
        %dma_wait3A_69 = tpu.memref_slice %arg16[%dma_wait3A_67, %dma_wait3A_68] : memref<10000x128xf32, #tpu.memory_space<vmem_shared>> -> memref<16x128xf32, #tpu.memory_space<vmem_shared>>
        %dma_wait3A_70 = arith.constant 9984 : i32
        %dma_wait3A_71 = arith.constant 0 : i32
        %dma_wait3A_72 = tpu.memref_slice %arg5[%dma_wait3A_70, %dma_wait3A_71] : memref<10000x128xf32, #tpu.memory_space<hbm>> -> memref<16x128xf32, #tpu.memory_space<hbm>>
        tpu.wait_dma2 semaphore(%run_scoped3A : memref<!tpu.dma_semaphore, #tpu.memory_space<semaphore_mem>>) src(%dma_wait3A_72 : memref<16x128xf32, #tpu.memory_space<hbm>>) dst(%dma_wait3A_69 : memref<16x128xf32, #tpu.memory_space<vmem_shared>>)
        tpu.yield
      }) : () -> ()
    } else {
    }
    %barrier3A = arith.constant 0 : index
    tpu.barrier barrier_id(%barrier3A)
    %mul3A_3 = arith.constant 160000 : i32
    %mul3A_4 = arith.muli %arg0, %mul3A_3 : i32
    %mul3A_5 = arith.constant 10000 : i32
    %mul3A_6 = arith.muli %arg1, %mul3A_5 : i32
    %add3A = arith.addi %mul3A_4, %mul3A_6 : i32
    %dma_start3A = tpu.memref_slice %arg3[%add3A] : memref<320000xi32, #tpu.memory_space<hbm>> -> memref<128xi32, #tpu.memory_space<hbm>>
    %dma_start3A_7 = tpu.memref_slice %arg3[%add3A] : memref<320000xi32, #tpu.memory_space<hbm>> -> memref<128xi32, #tpu.memory_space<hbm>>
    tpu.enqueue_dma source(%dma_start3A_7 : memref<128xi32, #tpu.memory_space<hbm>>) target(%arg7 : memref<128xi32, #tpu.memory_space<vmem>>) target_semaphore(%arg17 : memref<!tpu.dma_semaphore, #tpu.memory_space<semaphore_mem>>)
    %dma_start3A_8 = tpu.memref_slice %arg4[%add3A] : memref<320000xi32, #tpu.memory_space<hbm>> -> memref<128xi32, #tpu.memory_space<hbm>>
    %dma_start3A_9 = tpu.memref_slice %arg4[%add3A] : memref<320000xi32, #tpu.memory_space<hbm>> -> memref<128xi32, #tpu.memory_space<hbm>>
    tpu.enqueue_dma source(%dma_start3A_9 : memref<128xi32, #tpu.memory_space<hbm>>) target(%arg8 : memref<128xi32, #tpu.memory_space<vmem>>) target_semaphore(%arg17 : memref<!tpu.dma_semaphore, #tpu.memory_space<semaphore_mem>>)
    %add3A_10 = arith.constant 128 : i32
    %add3A_11 = arith.addi %add3A, %add3A_10 : i32
    %dma_start3A_12 = tpu.memref_slice %arg3[%add3A_11] : memref<320000xi32, #tpu.memory_space<hbm>> -> memref<128xi32, #tpu.memory_space<hbm>>
    %dma_start3A_13 = tpu.memref_slice %arg3[%add3A_11] : memref<320000xi32, #tpu.memory_space<hbm>> -> memref<128xi32, #tpu.memory_space<hbm>>
    tpu.enqueue_dma source(%dma_start3A_13 : memref<128xi32, #tpu.memory_space<hbm>>) target(%arg9 : memref<128xi32, #tpu.memory_space<vmem>>) target_semaphore(%arg18 : memref<!tpu.dma_semaphore, #tpu.memory_space<semaphore_mem>>)
    %dma_start3A_14 = tpu.memref_slice %arg4[%add3A_11] : memref<320000xi32, #tpu.memory_space<hbm>> -> memref<128xi32, #tpu.memory_space<hbm>>
    %dma_start3A_15 = tpu.memref_slice %arg4[%add3A_11] : memref<320000xi32, #tpu.memory_space<hbm>> -> memref<128xi32, #tpu.memory_space<hbm>>
    tpu.enqueue_dma source(%dma_start3A_15 : memref<128xi32, #tpu.memory_space<hbm>>) target(%arg10 : memref<128xi32, #tpu.memory_space<vmem>>) target_semaphore(%arg18 : memref<!tpu.dma_semaphore, #tpu.memory_space<semaphore_mem>>)
    %dma_wait3A = arith.constant 0 : i32
    %dma_wait3A_16 = tpu.memref_slice %arg3[%dma_wait3A] : memref<320000xi32, #tpu.memory_space<hbm>> -> memref<128xi32, #tpu.memory_space<hbm>>
    %dma_wait3A_17 = arith.constant 0 : i32
    %dma_wait3A_18 = tpu.memref_slice %arg3[%dma_wait3A_17] : memref<320000xi32, #tpu.memory_space<hbm>> -> memref<128xi32, #tpu.memory_space<hbm>>
    tpu.wait_dma2 semaphore(%arg17 : memref<!tpu.dma_semaphore, #tpu.memory_space<semaphore_mem>>) src(%dma_wait3A_18 : memref<128xi32, #tpu.memory_space<hbm>>) dst(%arg7 : memref<128xi32, #tpu.memory_space<vmem>>)
    %dma_wait3A_19 = arith.constant 0 : i32
    %dma_wait3A_20 = tpu.memref_slice %arg4[%dma_wait3A_19] : memref<320000xi32, #tpu.memory_space<hbm>> -> memref<128xi32, #tpu.memory_space<hbm>>
    %dma_wait3A_21 = arith.constant 0 : i32
    %dma_wait3A_22 = tpu.memref_slice %arg4[%dma_wait3A_21] : memref<320000xi32, #tpu.memory_space<hbm>> -> memref<128xi32, #tpu.memory_space<hbm>>
    tpu.wait_dma2 semaphore(%arg17 : memref<!tpu.dma_semaphore, #tpu.memory_space<semaphore_mem>>) src(%dma_wait3A_22 : memref<128xi32, #tpu.memory_space<hbm>>) dst(%arg8 : memref<128xi32, #tpu.memory_space<vmem>>)
    %dma_start3A_23 = arith.constant 0 : i32
    %dma_start3A_24 = arith.constant 0 : i32
    %dma_start3A_25 = tpu.memref_slice %arg2[%dma_start3A_23, %dma_start3A_24] : memref<10000x128xf32, #tpu.memory_space<hbm>> -> memref<10000x128xf32, #tpu.memory_space<hbm>>
    tpu.enqueue_indirect_dma source(%dma_start3A_25 : memref<10000x128xf32, #tpu.memory_space<hbm>>) target(%arg13 : memref<128x128xf32, #tpu.memory_space<vmem>>) offsets(%arg7 : memref<128xi32, #tpu.memory_space<vmem>>) semaphore(%arg19 : memref<!tpu.dma_semaphore, #tpu.memory_space<semaphore_mem>>)
    %scan3A = arith.constant 0 : i32
    %scan3A_26 = arith.constant 38 : i32
    %scan3A_27 = arith.addi %scan3A, %scan3A_26 : i32
    %scan3A_28 = arith.constant 1 : i32
    scf.for %scan3A_61 = %scan3A to %scan3A_27 step %scan3A_28  : i32 {
      %mul3A_62 = arith.constant 2 : i32
      %mul3A_63 = arith.muli %scan3A_61, %mul3A_62 : i32
      %add3A_64 = arith.constant 0 : i32
      %add3A_65 = arith.addi %add3A_64, %mul3A_63 : i32
      %dma_wait3A_66 = arith.constant 0 : i32
      %dma_wait3A_67 = tpu.memref_slice %arg3[%dma_wait3A_66] : memref<320000xi32, #tpu.memory_space<hbm>> -> memref<128xi32, #tpu.memory_space<hbm>>
      %dma_wait3A_68 = arith.constant 0 : i32
      %dma_wait3A_69 = tpu.memref_slice %arg3[%dma_wait3A_68] : memref<320000xi32, #tpu.memory_space<hbm>> -> memref<128xi32, #tpu.memory_space<hbm>>
      tpu.wait_dma2 semaphore(%arg18 : memref<!tpu.dma_semaphore, #tpu.memory_space<semaphore_mem>>) src(%dma_wait3A_69 : memref<128xi32, #tpu.memory_space<hbm>>) dst(%arg9 : memref<128xi32, #tpu.memory_space<vmem>>)
      %dma_wait3A_70 = arith.constant 0 : i32
      %dma_wait3A_71 = tpu.memref_slice %arg4[%dma_wait3A_70] : memref<320000xi32, #tpu.memory_space<hbm>> -> memref<128xi32, #tpu.memory_space<hbm>>
      %dma_wait3A_72 = arith.constant 0 : i32
      %dma_wait3A_73 = tpu.memref_slice %arg4[%dma_wait3A_72] : memref<320000xi32, #tpu.memory_space<hbm>> -> memref<128xi32, #tpu.memory_space<hbm>>
      tpu.wait_dma2 semaphore(%arg18 : memref<!tpu.dma_semaphore, #tpu.memory_space<semaphore_mem>>) src(%dma_wait3A_73 : memref<128xi32, #tpu.memory_space<hbm>>) dst(%arg10 : memref<128xi32, #tpu.memory_space<vmem>>)
      %dma_wait3A_74 = arith.constant 0 : i32
      %dma_wait3A_75 = arith.constant 0 : i32
      %dma_wait3A_76 = tpu.memref_slice %arg2[%dma_wait3A_74, %dma_wait3A_75] : memref<10000x128xf32, #tpu.memory_space<hbm>> -> memref<10000x128xf32, #tpu.memory_space<hbm>>
      tpu.wait_indirect_dma semaphore(%arg19 : memref<!tpu.dma_semaphore, #tpu.memory_space<semaphore_mem>>) src(%dma_wait3A_76 : memref<10000x128xf32, #tpu.memory_space<hbm>>) dst(%arg13 : memref<128x128xf32, #tpu.memory_space<vmem>>)
      %dma_start3A_77 = arith.constant 0 : i32
      %dma_start3A_78 = arith.constant 0 : i32
      %dma_start3A_79 = tpu.memref_slice %arg2[%dma_start3A_77, %dma_start3A_78] : memref<10000x128xf32, #tpu.memory_space<hbm>> -> memref<10000x128xf32, #tpu.memory_space<hbm>>
      tpu.enqueue_indirect_dma source(%dma_start3A_79 : memref<10000x128xf32, #tpu.memory_space<hbm>>) target(%arg14 : memref<128x128xf32, #tpu.memory_space<vmem>>) offsets(%arg9 : memref<128xi32, #tpu.memory_space<vmem>>) semaphore(%arg20 : memref<!tpu.dma_semaphore, #tpu.memory_space<semaphore_mem>>)
      "tpu.region"() ({
        %run_scoped3A = tpu.sem_alloc : memref<!tpu.dma_semaphore, #tpu.memory_space<semaphore_mem>>
        %dma_start3A_112 = arith.constant 0 : i32
        %dma_start3A_113 = arith.constant 0 : i32
        %dma_start3A_114 = tpu.memref_slice %arg16[%dma_start3A_112, %dma_start3A_113] : memref<10000x128xf32, #tpu.memory_space<vmem_shared>> -> memref<10000x128xf32, #tpu.memory_space<vmem_shared>>
        tpu.enqueue_indirect_dma source(%arg13 : memref<128x128xf32, #tpu.memory_space<vmem>>) target(%dma_start3A_114 : memref<10000x128xf32, #tpu.memory_space<vmem_shared>>) offsets(%arg8 : memref<128xi32, #tpu.memory_space<vmem>>) semaphore(%run_scoped3A : memref<!tpu.dma_semaphore, #tpu.memory_space<semaphore_mem>>) {add = true}
        %dma_wait3A_115 = arith.constant 0 : i32
        %dma_wait3A_116 = arith.constant 0 : i32
        %dma_wait3A_117 = tpu.memref_slice %arg16[%dma_wait3A_115, %dma_wait3A_116] : memref<10000x128xf32, #tpu.memory_space<vmem_shared>> -> memref<10000x128xf32, #tpu.memory_space<vmem_shared>>
        tpu.wait_indirect_dma semaphore(%run_scoped3A : memref<!tpu.dma_semaphore, #tpu.memory_space<semaphore_mem>>) src(%arg13 : memref<128x128xf32, #tpu.memory_space<vmem>>) dst(%dma_wait3A_117 : memref<10000x128xf32, #tpu.memory_space<vmem_shared>>)
        tpu.yield
      }) : () -> ()
      %add3A_80 = arith.constant 2 : i32
      %add3A_81 = arith.addi %add3A_65, %add3A_80 : i32
      %mul3A_82 = arith.constant 128 : i32
      %mul3A_83 = arith.muli %add3A_81, %mul3A_82 : i32
      %add3A_84 = arith.addi %add3A, %mul3A_83 : i32
      %dma_start3A_85 = tpu.memref_slice %arg3[%add3A_84] : memref<320000xi32, #tpu.memory_space<hbm>> -> memref<128xi32, #tpu.memory_space<hbm>>
      %dma_start3A_86 = tpu.memref_slice %arg3[%add3A_84] : memref<320000xi32, #tpu.memory_space<hbm>> -> memref<128xi32, #tpu.memory_space<hbm>>
      tpu.enqueue_dma source(%dma_start3A_86 : memref<128xi32, #tpu.memory_space<hbm>>) target(%arg7 : memref<128xi32, #tpu.memory_space<vmem>>) target_semaphore(%arg17 : memref<!tpu.dma_semaphore, #tpu.memory_space<semaphore_mem>>)
      %dma_start3A_87 = tpu.memref_slice %arg4[%add3A_84] : memref<320000xi32, #tpu.memory_space<hbm>> -> memref<128xi32, #tpu.memory_space<hbm>>
      %dma_start3A_88 = tpu.memref_slice %arg4[%add3A_84] : memref<320000xi32, #tpu.memory_space<hbm>> -> memref<128xi32, #tpu.memory_space<hbm>>
      tpu.enqueue_dma source(%dma_start3A_88 : memref<128xi32, #tpu.memory_space<hbm>>) target(%arg8 : memref<128xi32, #tpu.memory_space<vmem>>) target_semaphore(%arg17 : memref<!tpu.dma_semaphore, #tpu.memory_space<semaphore_mem>>)
      %dma_wait3A_89 = arith.constant 0 : i32
      %dma_wait3A_90 = tpu.memref_slice %arg3[%dma_wait3A_89] : memref<320000xi32, #tpu.memory_space<hbm>> -> memref<128xi32, #tpu.memory_space<hbm>>
      %dma_wait3A_91 = arith.constant 0 : i32
      %dma_wait3A_92 = tpu.memref_slice %arg3[%dma_wait3A_91] : memref<320000xi32, #tpu.memory_space<hbm>> -> memref<128xi32, #tpu.memory_space<hbm>>
      tpu.wait_dma2 semaphore(%arg17 : memref<!tpu.dma_semaphore, #tpu.memory_space<semaphore_mem>>) src(%dma_wait3A_92 : memref<128xi32, #tpu.memory_space<hbm>>) dst(%arg7 : memref<128xi32, #tpu.memory_space<vmem>>)
      %dma_wait3A_93 = arith.constant 0 : i32
      %dma_wait3A_94 = tpu.memref_slice %arg4[%dma_wait3A_93] : memref<320000xi32, #tpu.memory_space<hbm>> -> memref<128xi32, #tpu.memory_space<hbm>>
      %dma_wait3A_95 = arith.constant 0 : i32
      %dma_wait3A_96 = tpu.memref_slice %arg4[%dma_wait3A_95] : memref<320000xi32, #tpu.memory_space<hbm>> -> memref<128xi32, #tpu.memory_space<hbm>>
      tpu.wait_dma2 semaphore(%arg17 : memref<!tpu.dma_semaphore, #tpu.memory_space<semaphore_mem>>) src(%dma_wait3A_96 : memref<128xi32, #tpu.memory_space<hbm>>) dst(%arg8 : memref<128xi32, #tpu.memory_space<vmem>>)
      %dma_wait3A_97 = arith.constant 0 : i32
      %dma_wait3A_98 = arith.constant 0 : i32
      %dma_wait3A_99 = tpu.memref_slice %arg2[%dma_wait3A_97, %dma_wait3A_98] : memref<10000x128xf32, #tpu.memory_space<hbm>> -> memref<10000x128xf32, #tpu.memory_space<hbm>>
      tpu.wait_indirect_dma semaphore(%arg20 : memref<!tpu.dma_semaphore, #tpu.memory_space<semaphore_mem>>) src(%dma_wait3A_99 : memref<10000x128xf32, #tpu.memory_space<hbm>>) dst(%arg14 : memref<128x128xf32, #tpu.memory_space<vmem>>)
      %dma_start3A_100 = arith.constant 0 : i32
      %dma_start3A_101 = arith.constant 0 : i32
      %dma_start3A_102 = tpu.memref_slice %arg2[%dma_start3A_100, %dma_start3A_101] : memref<10000x128xf32, #tpu.memory_space<hbm>> -> memref<10000x128xf32, #tpu.memory_space<hbm>>
      tpu.enqueue_indirect_dma source(%dma_start3A_102 : memref<10000x128xf32, #tpu.memory_space<hbm>>) target(%arg13 : memref<128x128xf32, #tpu.memory_space<vmem>>) offsets(%arg7 : memref<128xi32, #tpu.memory_space<vmem>>) semaphore(%arg19 : memref<!tpu.dma_semaphore, #tpu.memory_space<semaphore_mem>>)
      "tpu.region"() ({
        %run_scoped3A = tpu.sem_alloc : memref<!tpu.dma_semaphore, #tpu.memory_space<semaphore_mem>>
        %dma_start3A_112 = arith.constant 0 : i32
        %dma_start3A_113 = arith.constant 0 : i32
        %dma_start3A_114 = tpu.memref_slice %arg16[%dma_start3A_112, %dma_start3A_113] : memref<10000x128xf32, #tpu.memory_space<vmem_shared>> -> memref<10000x128xf32, #tpu.memory_space<vmem_shared>>
        tpu.enqueue_indirect_dma source(%arg14 : memref<128x128xf32, #tpu.memory_space<vmem>>) target(%dma_start3A_114 : memref<10000x128xf32, #tpu.memory_space<vmem_shared>>) offsets(%arg10 : memref<128xi32, #tpu.memory_space<vmem>>) semaphore(%run_scoped3A : memref<!tpu.dma_semaphore, #tpu.memory_space<semaphore_mem>>) {add = true}
        %dma_wait3A_115 = arith.constant 0 : i32
        %dma_wait3A_116 = arith.constant 0 : i32
        %dma_wait3A_117 = tpu.memref_slice %arg16[%dma_wait3A_115, %dma_wait3A_116] : memref<10000x128xf32, #tpu.memory_space<vmem_shared>> -> memref<10000x128xf32, #tpu.memory_space<vmem_shared>>
        tpu.wait_indirect_dma semaphore(%run_scoped3A : memref<!tpu.dma_semaphore, #tpu.memory_space<semaphore_mem>>) src(%arg14 : memref<128x128xf32, #tpu.memory_space<vmem>>) dst(%dma_wait3A_117 : memref<10000x128xf32, #tpu.memory_space<vmem_shared>>)
        tpu.yield
      }) : () -> ()
      %add3A_103 = arith.constant 3 : i32
      %add3A_104 = arith.addi %add3A_65, %add3A_103 : i32
      %mul3A_105 = arith.constant 128 : i32
      %mul3A_106 = arith.muli %add3A_104, %mul3A_105 : i32
      %add3A_107 = arith.addi %add3A, %mul3A_106 : i32
      %dma_start3A_108 = tpu.memref_slice %arg3[%add3A_107] : memref<320000xi32, #tpu.memory_space<hbm>> -> memref<128xi32, #tpu.memory_space<hbm>>
      %dma_start3A_109 = tpu.memref_slice %arg3[%add3A_107] : memref<320000xi32, #tpu.memory_space<hbm>> -> memref<128xi32, #tpu.memory_space<hbm>>
      tpu.enqueue_dma source(%dma_start3A_109 : memref<128xi32, #tpu.memory_space<hbm>>) target(%arg9 : memref<128xi32, #tpu.memory_space<vmem>>) target_semaphore(%arg18 : memref<!tpu.dma_semaphore, #tpu.memory_space<semaphore_mem>>)
      %dma_start3A_110 = tpu.memref_slice %arg4[%add3A_107] : memref<320000xi32, #tpu.memory_space<hbm>> -> memref<128xi32, #tpu.memory_space<hbm>>
      %dma_start3A_111 = tpu.memref_slice %arg4[%add3A_107] : memref<320000xi32, #tpu.memory_space<hbm>> -> memref<128xi32, #tpu.memory_space<hbm>>
      tpu.enqueue_dma source(%dma_start3A_111 : memref<128xi32, #tpu.memory_space<hbm>>) target(%arg10 : memref<128xi32, #tpu.memory_space<vmem>>) target_semaphore(%arg18 : memref<!tpu.dma_semaphore, #tpu.memory_space<semaphore_mem>>)
    }
    %scan3A_29 = arith.constant 38 : i32
    %dma_wait3A_30 = arith.constant 0 : i32
    %dma_wait3A_31 = tpu.memref_slice %arg3[%dma_wait3A_30] : memref<320000xi32, #tpu.memory_space<hbm>> -> memref<128xi32, #tpu.memory_space<hbm>>
    %dma_wait3A_32 = arith.constant 0 : i32
    %dma_wait3A_33 = tpu.memref_slice %arg3[%dma_wait3A_32] : memref<320000xi32, #tpu.memory_space<hbm>> -> memref<128xi32, #tpu.memory_space<hbm>>
    tpu.wait_dma2 semaphore(%arg18 : memref<!tpu.dma_semaphore, #tpu.memory_space<semaphore_mem>>) src(%dma_wait3A_33 : memref<128xi32, #tpu.memory_space<hbm>>) dst(%arg9 : memref<128xi32, #tpu.memory_space<vmem>>)
    %dma_wait3A_34 = arith.constant 0 : i32
    %dma_wait3A_35 = tpu.memref_slice %arg4[%dma_wait3A_34] : memref<320000xi32, #tpu.memory_space<hbm>> -> memref<128xi32, #tpu.memory_space<hbm>>
    %dma_wait3A_36 = arith.constant 0 : i32
    %dma_wait3A_37 = tpu.memref_slice %arg4[%dma_wait3A_36] : memref<320000xi32, #tpu.memory_space<hbm>> -> memref<128xi32, #tpu.memory_space<hbm>>
    tpu.wait_dma2 semaphore(%arg18 : memref<!tpu.dma_semaphore, #tpu.memory_space<semaphore_mem>>) src(%dma_wait3A_37 : memref<128xi32, #tpu.memory_space<hbm>>) dst(%arg10 : memref<128xi32, #tpu.memory_space<vmem>>)
    %dma_wait3A_38 = arith.constant 0 : i32
    %dma_wait3A_39 = arith.constant 0 : i32
    %dma_wait3A_40 = tpu.memref_slice %arg2[%dma_wait3A_38, %dma_wait3A_39] : memref<10000x128xf32, #tpu.memory_space<hbm>> -> memref<10000x128xf32, #tpu.memory_space<hbm>>
    tpu.wait_indirect_dma semaphore(%arg19 : memref<!tpu.dma_semaphore, #tpu.memory_space<semaphore_mem>>) src(%dma_wait3A_40 : memref<10000x128xf32, #tpu.memory_space<hbm>>) dst(%arg13 : memref<128x128xf32, #tpu.memory_space<vmem>>)
    %dma_start3A_41 = arith.constant 0 : i32
    %dma_start3A_42 = arith.constant 0 : i32
    %dma_start3A_43 = tpu.memref_slice %arg2[%dma_start3A_41, %dma_start3A_42] : memref<10000x128xf32, #tpu.memory_space<hbm>> -> memref<10000x128xf32, #tpu.memory_space<hbm>>
    tpu.enqueue_indirect_dma source(%dma_start3A_43 : memref<10000x128xf32, #tpu.memory_space<hbm>>) target(%arg14 : memref<128x128xf32, #tpu.memory_space<vmem>>) offsets(%arg9 : memref<128xi32, #tpu.memory_space<vmem>>) semaphore(%arg20 : memref<!tpu.dma_semaphore, #tpu.memory_space<semaphore_mem>>)
    "tpu.region"() ({
      %run_scoped3A = tpu.sem_alloc : memref<!tpu.dma_semaphore, #tpu.memory_space<semaphore_mem>>
      %dma_start3A_61 = arith.constant 0 : i32
      %dma_start3A_62 = arith.constant 0 : i32
      %dma_start3A_63 = tpu.memref_slice %arg16[%dma_start3A_61, %dma_start3A_62] : memref<10000x128xf32, #tpu.memory_space<vmem_shared>> -> memref<10000x128xf32, #tpu.memory_space<vmem_shared>>
      tpu.enqueue_indirect_dma source(%arg13 : memref<128x128xf32, #tpu.memory_space<vmem>>) target(%dma_start3A_63 : memref<10000x128xf32, #tpu.memory_space<vmem_shared>>) offsets(%arg8 : memref<128xi32, #tpu.memory_space<vmem>>) semaphore(%run_scoped3A : memref<!tpu.dma_semaphore, #tpu.memory_space<semaphore_mem>>) {add = true}
      %dma_wait3A_64 = arith.constant 0 : i32
      %dma_wait3A_65 = arith.constant 0 : i32
      %dma_wait3A_66 = tpu.memref_slice %arg16[%dma_wait3A_64, %dma_wait3A_65] : memref<10000x128xf32, #tpu.memory_space<vmem_shared>> -> memref<10000x128xf32, #tpu.memory_space<vmem_shared>>
      tpu.wait_indirect_dma semaphore(%run_scoped3A : memref<!tpu.dma_semaphore, #tpu.memory_space<semaphore_mem>>) src(%arg13 : memref<128x128xf32, #tpu.memory_space<vmem>>) dst(%dma_wait3A_66 : memref<10000x128xf32, #tpu.memory_space<vmem_shared>>)
      tpu.yield
    }) : () -> ()
    %dma_wait3A_44 = arith.constant 0 : i32
    %dma_wait3A_45 = arith.constant 0 : i32
    %dma_wait3A_46 = tpu.memref_slice %arg2[%dma_wait3A_44, %dma_wait3A_45] : memref<10000x128xf32, #tpu.memory_space<hbm>> -> memref<10000x128xf32, #tpu.memory_space<hbm>>
    tpu.wait_indirect_dma semaphore(%arg20 : memref<!tpu.dma_semaphore, #tpu.memory_space<semaphore_mem>>) src(%dma_wait3A_46 : memref<10000x128xf32, #tpu.memory_space<hbm>>) dst(%arg14 : memref<128x128xf32, #tpu.memory_space<vmem>>)
    "tpu.region"() ({
      %run_scoped3A = tpu.sem_alloc : memref<!tpu.dma_semaphore, #tpu.memory_space<semaphore_mem>>
      %dma_start3A_61 = arith.constant 0 : i32
      %dma_start3A_62 = arith.constant 0 : i32
      %dma_start3A_63 = tpu.memref_slice %arg16[%dma_start3A_61, %dma_start3A_62] : memref<10000x128xf32, #tpu.memory_space<vmem_shared>> -> memref<10000x128xf32, #tpu.memory_space<vmem_shared>>
      tpu.enqueue_indirect_dma source(%arg14 : memref<128x128xf32, #tpu.memory_space<vmem>>) target(%dma_start3A_63 : memref<10000x128xf32, #tpu.memory_space<vmem_shared>>) offsets(%arg10 : memref<128xi32, #tpu.memory_space<vmem>>) semaphore(%run_scoped3A : memref<!tpu.dma_semaphore, #tpu.memory_space<semaphore_mem>>) {add = true}
      %dma_wait3A_64 = arith.constant 0 : i32
      %dma_wait3A_65 = arith.constant 0 : i32
      %dma_wait3A_66 = tpu.memref_slice %arg16[%dma_wait3A_64, %dma_wait3A_65] : memref<10000x128xf32, #tpu.memory_space<vmem_shared>> -> memref<10000x128xf32, #tpu.memory_space<vmem_shared>>
      tpu.wait_indirect_dma semaphore(%run_scoped3A : memref<!tpu.dma_semaphore, #tpu.memory_space<semaphore_mem>>) src(%arg14 : memref<128x128xf32, #tpu.memory_space<vmem>>) dst(%dma_wait3A_66 : memref<10000x128xf32, #tpu.memory_space<vmem_shared>>)
      tpu.yield
    }) : () -> ()
    %add3A_47 = arith.constant 9984 : i32
    %add3A_48 = arith.addi %add3A, %add3A_47 : i32
    "tpu.region"() ({
      %run_scoped3A = tpu.sem_alloc : memref<!tpu.dma_semaphore, #tpu.memory_space<semaphore_mem>>
      %dma_start3A_61 = tpu.memref_slice %arg3[%add3A_48] : memref<320000xi32, #tpu.memory_space<hbm>> -> memref<16xi32, #tpu.memory_space<hbm>>
      %dma_start3A_62 = tpu.memref_slice %arg3[%add3A_48] : memref<320000xi32, #tpu.memory_space<hbm>> -> memref<16xi32, #tpu.memory_space<hbm>>
      tpu.enqueue_dma source(%dma_start3A_62 : memref<16xi32, #tpu.memory_space<hbm>>) target(%arg11 : memref<16xi32, #tpu.memory_space<vmem>>) target_semaphore(%run_scoped3A : memref<!tpu.dma_semaphore, #tpu.memory_space<semaphore_mem>>)
      %dma_wait3A_63 = tpu.memref_slice %arg3[%add3A_48] : memref<320000xi32, #tpu.memory_space<hbm>> -> memref<16xi32, #tpu.memory_space<hbm>>
      %dma_wait3A_64 = tpu.memref_slice %arg3[%add3A_48] : memref<320000xi32, #tpu.memory_space<hbm>> -> memref<16xi32, #tpu.memory_space<hbm>>
      tpu.wait_dma2 semaphore(%run_scoped3A : memref<!tpu.dma_semaphore, #tpu.memory_space<semaphore_mem>>) src(%dma_wait3A_64 : memref<16xi32, #tpu.memory_space<hbm>>) dst(%arg11 : memref<16xi32, #tpu.memory_space<vmem>>)
      tpu.yield
    }) : () -> ()
    "tpu.region"() ({
      %run_scoped3A = tpu.sem_alloc : memref<!tpu.dma_semaphore, #tpu.memory_space<semaphore_mem>>
      %dma_start3A_61 = tpu.memref_slice %arg4[%add3A_48] : memref<320000xi32, #tpu.memory_space<hbm>> -> memref<16xi32, #tpu.memory_space<hbm>>
      %dma_start3A_62 = tpu.memref_slice %arg4[%add3A_48] : memref<320000xi32, #tpu.memory_space<hbm>> -> memref<16xi32, #tpu.memory_space<hbm>>
      tpu.enqueue_dma source(%dma_start3A_62 : memref<16xi32, #tpu.memory_space<hbm>>) target(%arg12 : memref<16xi32, #tpu.memory_space<vmem>>) target_semaphore(%run_scoped3A : memref<!tpu.dma_semaphore, #tpu.memory_space<semaphore_mem>>)
      %dma_wait3A_63 = tpu.memref_slice %arg4[%add3A_48] : memref<320000xi32, #tpu.memory_space<hbm>> -> memref<16xi32, #tpu.memory_space<hbm>>
      %dma_wait3A_64 = tpu.memref_slice %arg4[%add3A_48] : memref<320000xi32, #tpu.memory_space<hbm>> -> memref<16xi32, #tpu.memory_space<hbm>>
      tpu.wait_dma2 semaphore(%run_scoped3A : memref<!tpu.dma_semaphore, #tpu.memory_space<semaphore_mem>>) src(%dma_wait3A_64 : memref<16xi32, #tpu.memory_space<hbm>>) dst(%arg12 : memref<16xi32, #tpu.memory_space<vmem>>)
      tpu.yield
    }) : () -> ()
    %dma_start3A_49 = arith.constant 0 : i32
    %dma_start3A_50 = arith.constant 0 : i32
    %dma_start3A_51 = tpu.memref_slice %arg2[%dma_start3A_49, %dma_start3A_50] : memref<10000x128xf32, #tpu.memory_space<hbm>> -> memref<10000x128xf32, #tpu.memory_space<hbm>>
    tpu.enqueue_indirect_dma source(%dma_start3A_51 : memref<10000x128xf32, #tpu.memory_space<hbm>>) target(%arg15 : memref<16x128xf32, #tpu.memory_space<vmem>>) offsets(%arg11 : memref<16xi32, #tpu.memory_space<vmem>>) semaphore(%arg19 : memref<!tpu.dma_semaphore, #tpu.memory_space<semaphore_mem>>)
    %dma_wait3A_52 = arith.constant 0 : i32
    %dma_wait3A_53 = arith.constant 0 : i32
    %dma_wait3A_54 = tpu.memref_slice %arg2[%dma_wait3A_52, %dma_wait3A_53] : memref<10000x128xf32, #tpu.memory_space<hbm>> -> memref<10000x128xf32, #tpu.memory_space<hbm>>
    tpu.wait_indirect_dma semaphore(%arg19 : memref<!tpu.dma_semaphore, #tpu.memory_space<semaphore_mem>>) src(%dma_wait3A_54 : memref<10000x128xf32, #tpu.memory_space<hbm>>) dst(%arg15 : memref<16x128xf32, #tpu.memory_space<vmem>>)
    "tpu.region"() ({
      %run_scoped3A = tpu.sem_alloc : memref<!tpu.dma_semaphore, #tpu.memory_space<semaphore_mem>>
      %dma_start3A_61 = arith.constant 0 : i32
      %dma_start3A_62 = arith.constant 0 : i32
      %dma_start3A_63 = tpu.memref_slice %arg16[%dma_start3A_61, %dma_start3A_62] : memref<10000x128xf32, #tpu.memory_space<vmem_shared>> -> memref<10000x128xf32, #tpu.memory_space<vmem_shared>>
      tpu.enqueue_indirect_dma source(%arg15 : memref<16x128xf32, #tpu.memory_space<vmem>>) target(%dma_start3A_63 : memref<10000x128xf32, #tpu.memory_space<vmem_shared>>) offsets(%arg12 : memref<16xi32, #tpu.memory_space<vmem>>) semaphore(%run_scoped3A : memref<!tpu.dma_semaphore, #tpu.memory_space<semaphore_mem>>) {add = true}
      %dma_wait3A_64 = arith.constant 0 : i32
      %dma_wait3A_65 = arith.constant 0 : i32
      %dma_wait3A_66 = tpu.memref_slice %arg16[%dma_wait3A_64, %dma_wait3A_65] : memref<10000x128xf32, #tpu.memory_space<vmem_shared>> -> memref<10000x128xf32, #tpu.memory_space<vmem_shared>>
      tpu.wait_indirect_dma semaphore(%run_scoped3A : memref<!tpu.dma_semaphore, #tpu.memory_space<semaphore_mem>>) src(%arg15 : memref<16x128xf32, #tpu.memory_space<vmem>>) dst(%dma_wait3A_66 : memref<10000x128xf32, #tpu.memory_space<vmem_shared>>)
      tpu.yield
    }) : () -> ()
    %barrier3A_55 = arith.constant 0 : index
    tpu.barrier barrier_id(%barrier3A_55)
    "tpu.region"() ({
      %run_scoped3A = tpu.sem_alloc : memref<!tpu.dma_semaphore, #tpu.memory_space<semaphore_mem>>
      %dma_start3A_61 = arith.constant 0 : i32
      %dma_start3A_62 = tpu.memref_slice %arg6[%arg0, %mul3A_0, %dma_start3A_61] : memref<2x10000x128xf32, #tpu.memory_space<hbm>> -> memref<1x624x128xf32, #tpu.memory_space<hbm>>
      %dma_start3A_63 = tpu.memref_squeeze %dma_start3A_62 : memref<1x624x128xf32, #tpu.memory_space<hbm>> -> memref<624x128xf32, #tpu.memory_space<hbm>>
      %dma_start3A_64 = arith.constant 0 : i32
      %dma_start3A_65 = tpu.memref_slice %arg16[%mul3A_0, %dma_start3A_64] : memref<10000x128xf32, #tpu.memory_space<vmem_shared>> -> memref<624x128xf32, #tpu.memory_space<vmem_shared>>
      tpu.enqueue_dma source(%dma_start3A_65 : memref<624x128xf32, #tpu.memory_space<vmem_shared>>) target(%dma_start3A_63 : memref<624x128xf32, #tpu.memory_space<hbm>>) target_semaphore(%run_scoped3A : memref<!tpu.dma_semaphore, #tpu.memory_space<semaphore_mem>>)
      %dma_wait3A_66 = arith.constant 0 : i32
      %dma_wait3A_67 = tpu.memref_slice %arg6[%arg0, %mul3A_0, %dma_wait3A_66] : memref<2x10000x128xf32, #tpu.memory_space<hbm>> -> memref<1x624x128xf32, #tpu.memory_space<hbm>>
      %dma_wait3A_68 = tpu.memref_squeeze %dma_wait3A_67 : memref<1x624x128xf32, #tpu.memory_space<hbm>> -> memref<624x128xf32, #tpu.memory_space<hbm>>
      %dma_wait3A_69 = arith.constant 0 : i32
      %dma_wait3A_70 = tpu.memref_slice %arg16[%mul3A_0, %dma_wait3A_69] : memref<10000x128xf32, #tpu.memory_space<vmem_shared>> -> memref<624x128xf32, #tpu.memory_space<vmem_shared>>
      tpu.wait_dma2 semaphore(%run_scoped3A : memref<!tpu.dma_semaphore, #tpu.memory_space<semaphore_mem>>) src(%dma_wait3A_70 : memref<624x128xf32, #tpu.memory_space<vmem_shared>>) dst(%dma_wait3A_68 : memref<624x128xf32, #tpu.memory_space<hbm>>)
      tpu.yield
    }) : () -> ()
    %eq3A_56 = arith.constant 15 : i32
    %eq3A_57 = arith.cmpi eq, %arg1, %eq3A_56 : i32
    %convert_element_type3A_58 = arith.extui %eq3A_57 : i1 to i32
    %cond3A_59 = arith.constant 0 : i32
    %cond3A_60 = arith.cmpi ne, %convert_element_type3A_58, %cond3A_59 : i32
    scf.if %cond3A_60 {
      "tpu.region"() ({
        %run_scoped3A = tpu.sem_alloc : memref<!tpu.dma_semaphore, #tpu.memory_space<semaphore_mem>>
        %dma_start3A_61 = arith.constant 9984 : i32
        %dma_start3A_62 = arith.constant 0 : i32
        %dma_start3A_63 = tpu.memref_slice %arg6[%arg0, %dma_start3A_61, %dma_start3A_62] : memref<2x10000x128xf32, #tpu.memory_space<hbm>> -> memref<1x16x128xf32, #tpu.memory_space<hbm>>
        %dma_start3A_64 = tpu.memref_squeeze %dma_start3A_63 : memref<1x16x128xf32, #tpu.memory_space<hbm>> -> memref<16x128xf32, #tpu.memory_space<hbm>>
        %dma_start3A_65 = arith.constant 9984 : i32
        %dma_start3A_66 = arith.constant 0 : i32
        %dma_start3A_67 = tpu.memref_slice %arg16[%dma_start3A_65, %dma_start3A_66] : memref<10000x128xf32, #tpu.memory_space<vmem_shared>> -> memref<16x128xf32, #tpu.memory_space<vmem_shared>>
        tpu.enqueue_dma source(%dma_start3A_67 : memref<16x128xf32, #tpu.memory_space<vmem_shared>>) target(%dma_start3A_64 : memref<16x128xf32, #tpu.memory_space<hbm>>) target_semaphore(%run_scoped3A : memref<!tpu.dma_semaphore, #tpu.memory_space<semaphore_mem>>)
        %dma_wait3A_68 = arith.constant 9984 : i32
        %dma_wait3A_69 = arith.constant 0 : i32
        %dma_wait3A_70 = tpu.memref_slice %arg6[%arg0, %dma_wait3A_68, %dma_wait3A_69] : memref<2x10000x128xf32, #tpu.memory_space<hbm>> -> memref<1x16x128xf32, #tpu.memory_space<hbm>>
        %dma_wait3A_71 = tpu.memref_squeeze %dma_wait3A_70 : memref<1x16x128xf32, #tpu.memory_space<hbm>> -> memref<16x128xf32, #tpu.memory_space<hbm>>
        %dma_wait3A_72 = arith.constant 9984 : i32
        %dma_wait3A_73 = arith.constant 0 : i32
        %dma_wait3A_74 = tpu.memref_slice %arg16[%dma_wait3A_72, %dma_wait3A_73] : memref<10000x128xf32, #tpu.memory_space<vmem_shared>> -> memref<16x128xf32, #tpu.memory_space<vmem_shared>>
        tpu.wait_dma2 semaphore(%run_scoped3A : memref<!tpu.dma_semaphore, #tpu.memory_space<semaphore_mem>>) src(%dma_wait3A_74 : memref<16x128xf32, #tpu.memory_space<vmem_shared>>) dst(%dma_wait3A_71 : memref<16x128xf32, #tpu.memory_space<hbm>>)
        tpu.yield
      }) : () -> ()
    } else {
    }
    return
  }
}

#map = affine_map<(d0, d1) -> (0, 0)>
#map1 = affine_map<(d0, d1) -> (0)>
#map2 = affine_map<(d0, d1) -> (0, 0, 0)>
module attributes {stable_mosaic.version = 14 : i64} {
  func.func @_segsum16_body(%arg0: i32, %arg1: i32, %arg2: memref<10000x16xf32, #tpu.memory_space<hbm>>, %arg3: memref<320000xi32, #tpu.memory_space<hbm>>, %arg4: memref<320000xi32, #tpu.memory_space<hbm>>, %arg5: memref<10000x16xf32, #tpu.memory_space<hbm>>, %arg6: memref<2x10000x16xf32, #tpu.memory_space<hbm>>, %arg7: memref<128xi32, #tpu.memory_space<vmem>>, %arg8: memref<128xi32, #tpu.memory_space<vmem>>, %arg9: memref<128xi32, #tpu.memory_space<vmem>>, %arg10: memref<128xi32, #tpu.memory_space<vmem>>, %arg11: memref<16xi32, #tpu.memory_space<vmem>>, %arg12: memref<16xi32, #tpu.memory_space<vmem>>, %arg13: memref<128x16xf32, #tpu.memory_space<vmem>>, %arg14: memref<128x16xf32, #tpu.memory_space<vmem>>, %arg15: memref<16x16xf32, #tpu.memory_space<vmem>>, %arg16: memref<10000x16xf32, #tpu.memory_space<vmem_shared>>, %arg17: memref<10000x16xf32, #tpu.memory_space<vmem_shared>>, %arg18: memref<!tpu.dma_semaphore, #tpu.memory_space<semaphore_mem>>, %arg19: memref<!tpu.dma_semaphore, #tpu.memory_space<semaphore_mem>>, %arg20: memref<!tpu.dma_semaphore, #tpu.memory_space<semaphore_mem>>, %arg21: memref<!tpu.dma_semaphore, #tpu.memory_space<semaphore_mem>>) attributes {dimension_semantics = [#tpu.dimension_semantics<core_parallel>, #tpu.dimension_semantics<subcore_parallel>], iteration_bounds = array<i64: 2, 16>, scalar_prefetch = 0 : i64, scratch_operands = 15 : i64, tpu.core_type = #tpu.core_type<sc_vector_subcore>, window_params = [{transform_indices = #map}, {transform_indices = #map1}, {transform_indices = #map1}, {transform_indices = #map}, {transform_indices = #map2}]} {
    %mul3A = arith.constant 624 : i32
    %mul3A_0 = arith.muli %arg1, %mul3A : i32
    "tpu.region"() ({
      %run_scoped3A = tpu.sem_alloc : memref<!tpu.dma_semaphore, #tpu.memory_space<semaphore_mem>>
      %dma_start3A_61 = arith.constant 0 : i32
      %dma_start3A_62 = tpu.memref_slice %arg16[%mul3A_0, %dma_start3A_61] : memref<10000x16xf32, #tpu.memory_space<vmem_shared>> -> memref<624x16xf32, #tpu.memory_space<vmem_shared>>
      %dma_start3A_63 = arith.constant 0 : i32
      %dma_start3A_64 = tpu.memref_slice %arg2[%mul3A_0, %dma_start3A_63] : memref<10000x16xf32, #tpu.memory_space<hbm>> -> memref<624x16xf32, #tpu.memory_space<hbm>>
      tpu.enqueue_dma source(%dma_start3A_64 : memref<624x16xf32, #tpu.memory_space<hbm>>) target(%dma_start3A_62 : memref<624x16xf32, #tpu.memory_space<vmem_shared>>) target_semaphore(%run_scoped3A : memref<!tpu.dma_semaphore, #tpu.memory_space<semaphore_mem>>)
      %dma_wait3A_65 = arith.constant 0 : i32
      %dma_wait3A_66 = tpu.memref_slice %arg16[%mul3A_0, %dma_wait3A_65] : memref<10000x16xf32, #tpu.memory_space<vmem_shared>> -> memref<624x16xf32, #tpu.memory_space<vmem_shared>>
      %dma_wait3A_67 = arith.constant 0 : i32
      %dma_wait3A_68 = tpu.memref_slice %arg2[%mul3A_0, %dma_wait3A_67] : memref<10000x16xf32, #tpu.memory_space<hbm>> -> memref<624x16xf32, #tpu.memory_space<hbm>>
      tpu.wait_dma2 semaphore(%run_scoped3A : memref<!tpu.dma_semaphore, #tpu.memory_space<semaphore_mem>>) src(%dma_wait3A_68 : memref<624x16xf32, #tpu.memory_space<hbm>>) dst(%dma_wait3A_66 : memref<624x16xf32, #tpu.memory_space<vmem_shared>>)
      tpu.yield
    }) : () -> ()
    "tpu.region"() ({
      %run_scoped3A = tpu.sem_alloc : memref<!tpu.dma_semaphore, #tpu.memory_space<semaphore_mem>>
      %dma_start3A_61 = arith.constant 0 : i32
      %dma_start3A_62 = tpu.memref_slice %arg17[%mul3A_0, %dma_start3A_61] : memref<10000x16xf32, #tpu.memory_space<vmem_shared>> -> memref<624x16xf32, #tpu.memory_space<vmem_shared>>
      %dma_start3A_63 = arith.constant 0 : i32
      %dma_start3A_64 = tpu.memref_slice %arg5[%mul3A_0, %dma_start3A_63] : memref<10000x16xf32, #tpu.memory_space<hbm>> -> memref<624x16xf32, #tpu.memory_space<hbm>>
      tpu.enqueue_dma source(%dma_start3A_64 : memref<624x16xf32, #tpu.memory_space<hbm>>) target(%dma_start3A_62 : memref<624x16xf32, #tpu.memory_space<vmem_shared>>) target_semaphore(%run_scoped3A : memref<!tpu.dma_semaphore, #tpu.memory_space<semaphore_mem>>)
      %dma_wait3A_65 = arith.constant 0 : i32
      %dma_wait3A_66 = tpu.memref_slice %arg17[%mul3A_0, %dma_wait3A_65] : memref<10000x16xf32, #tpu.memory_space<vmem_shared>> -> memref<624x16xf32, #tpu.memory_space<vmem_shared>>
      %dma_wait3A_67 = arith.constant 0 : i32
      %dma_wait3A_68 = tpu.memref_slice %arg5[%mul3A_0, %dma_wait3A_67] : memref<10000x16xf32, #tpu.memory_space<hbm>> -> memref<624x16xf32, #tpu.memory_space<hbm>>
      tpu.wait_dma2 semaphore(%run_scoped3A : memref<!tpu.dma_semaphore, #tpu.memory_space<semaphore_mem>>) src(%dma_wait3A_68 : memref<624x16xf32, #tpu.memory_space<hbm>>) dst(%dma_wait3A_66 : memref<624x16xf32, #tpu.memory_space<vmem_shared>>)
      tpu.yield
    }) : () -> ()
    %eq3A = arith.constant 15 : i32
    %eq3A_1 = arith.cmpi eq, %arg1, %eq3A : i32
    %convert_element_type3A = arith.extui %eq3A_1 : i1 to i32
    %cond3A = arith.constant 0 : i32
    %cond3A_2 = arith.cmpi ne, %convert_element_type3A, %cond3A : i32
    scf.if %cond3A_2 {
      "tpu.region"() ({
        %run_scoped3A = tpu.sem_alloc : memref<!tpu.dma_semaphore, #tpu.memory_space<semaphore_mem>>
        %dma_start3A_61 = arith.constant 9984 : i32
        %dma_start3A_62 = arith.constant 0 : i32
        %dma_start3A_63 = tpu.memref_slice %arg16[%dma_start3A_61, %dma_start3A_62] : memref<10000x16xf32, #tpu.memory_space<vmem_shared>> -> memref<16x16xf32, #tpu.memory_space<vmem_shared>>
        %dma_start3A_64 = arith.constant 9984 : i32
        %dma_start3A_65 = arith.constant 0 : i32
        %dma_start3A_66 = tpu.memref_slice %arg2[%dma_start3A_64, %dma_start3A_65] : memref<10000x16xf32, #tpu.memory_space<hbm>> -> memref<16x16xf32, #tpu.memory_space<hbm>>
        tpu.enqueue_dma source(%dma_start3A_66 : memref<16x16xf32, #tpu.memory_space<hbm>>) target(%dma_start3A_63 : memref<16x16xf32, #tpu.memory_space<vmem_shared>>) target_semaphore(%run_scoped3A : memref<!tpu.dma_semaphore, #tpu.memory_space<semaphore_mem>>)
        %dma_wait3A_67 = arith.constant 9984 : i32
        %dma_wait3A_68 = arith.constant 0 : i32
        %dma_wait3A_69 = tpu.memref_slice %arg16[%dma_wait3A_67, %dma_wait3A_68] : memref<10000x16xf32, #tpu.memory_space<vmem_shared>> -> memref<16x16xf32, #tpu.memory_space<vmem_shared>>
        %dma_wait3A_70 = arith.constant 9984 : i32
        %dma_wait3A_71 = arith.constant 0 : i32
        %dma_wait3A_72 = tpu.memref_slice %arg2[%dma_wait3A_70, %dma_wait3A_71] : memref<10000x16xf32, #tpu.memory_space<hbm>> -> memref<16x16xf32, #tpu.memory_space<hbm>>
        tpu.wait_dma2 semaphore(%run_scoped3A : memref<!tpu.dma_semaphore, #tpu.memory_space<semaphore_mem>>) src(%dma_wait3A_72 : memref<16x16xf32, #tpu.memory_space<hbm>>) dst(%dma_wait3A_69 : memref<16x16xf32, #tpu.memory_space<vmem_shared>>)
        tpu.yield
      }) : () -> ()
      "tpu.region"() ({
        %run_scoped3A = tpu.sem_alloc : memref<!tpu.dma_semaphore, #tpu.memory_space<semaphore_mem>>
        %dma_start3A_61 = arith.constant 9984 : i32
        %dma_start3A_62 = arith.constant 0 : i32
        %dma_start3A_63 = tpu.memref_slice %arg17[%dma_start3A_61, %dma_start3A_62] : memref<10000x16xf32, #tpu.memory_space<vmem_shared>> -> memref<16x16xf32, #tpu.memory_space<vmem_shared>>
        %dma_start3A_64 = arith.constant 9984 : i32
        %dma_start3A_65 = arith.constant 0 : i32
        %dma_start3A_66 = tpu.memref_slice %arg5[%dma_start3A_64, %dma_start3A_65] : memref<10000x16xf32, #tpu.memory_space<hbm>> -> memref<16x16xf32, #tpu.memory_space<hbm>>
        tpu.enqueue_dma source(%dma_start3A_66 : memref<16x16xf32, #tpu.memory_space<hbm>>) target(%dma_start3A_63 : memref<16x16xf32, #tpu.memory_space<vmem_shared>>) target_semaphore(%run_scoped3A : memref<!tpu.dma_semaphore, #tpu.memory_space<semaphore_mem>>)
        %dma_wait3A_67 = arith.constant 9984 : i32
        %dma_wait3A_68 = arith.constant 0 : i32
        %dma_wait3A_69 = tpu.memref_slice %arg17[%dma_wait3A_67, %dma_wait3A_68] : memref<10000x16xf32, #tpu.memory_space<vmem_shared>> -> memref<16x16xf32, #tpu.memory_space<vmem_shared>>
        %dma_wait3A_70 = arith.constant 9984 : i32
        %dma_wait3A_71 = arith.constant 0 : i32
        %dma_wait3A_72 = tpu.memref_slice %arg5[%dma_wait3A_70, %dma_wait3A_71] : memref<10000x16xf32, #tpu.memory_space<hbm>> -> memref<16x16xf32, #tpu.memory_space<hbm>>
        tpu.wait_dma2 semaphore(%run_scoped3A : memref<!tpu.dma_semaphore, #tpu.memory_space<semaphore_mem>>) src(%dma_wait3A_72 : memref<16x16xf32, #tpu.memory_space<hbm>>) dst(%dma_wait3A_69 : memref<16x16xf32, #tpu.memory_space<vmem_shared>>)
        tpu.yield
      }) : () -> ()
    } else {
    }
    %barrier3A = arith.constant 0 : index
    tpu.barrier barrier_id(%barrier3A)
    %mul3A_3 = arith.constant 160000 : i32
    %mul3A_4 = arith.muli %arg0, %mul3A_3 : i32
    %mul3A_5 = arith.constant 10000 : i32
    %mul3A_6 = arith.muli %arg1, %mul3A_5 : i32
    %add3A = arith.addi %mul3A_4, %mul3A_6 : i32
    %dma_start3A = tpu.memref_slice %arg3[%add3A] : memref<320000xi32, #tpu.memory_space<hbm>> -> memref<128xi32, #tpu.memory_space<hbm>>
    %dma_start3A_7 = tpu.memref_slice %arg3[%add3A] : memref<320000xi32, #tpu.memory_space<hbm>> -> memref<128xi32, #tpu.memory_space<hbm>>
    tpu.enqueue_dma source(%dma_start3A_7 : memref<128xi32, #tpu.memory_space<hbm>>) target(%arg7 : memref<128xi32, #tpu.memory_space<vmem>>) target_semaphore(%arg18 : memref<!tpu.dma_semaphore, #tpu.memory_space<semaphore_mem>>)
    %dma_start3A_8 = tpu.memref_slice %arg4[%add3A] : memref<320000xi32, #tpu.memory_space<hbm>> -> memref<128xi32, #tpu.memory_space<hbm>>
    %dma_start3A_9 = tpu.memref_slice %arg4[%add3A] : memref<320000xi32, #tpu.memory_space<hbm>> -> memref<128xi32, #tpu.memory_space<hbm>>
    tpu.enqueue_dma source(%dma_start3A_9 : memref<128xi32, #tpu.memory_space<hbm>>) target(%arg8 : memref<128xi32, #tpu.memory_space<vmem>>) target_semaphore(%arg18 : memref<!tpu.dma_semaphore, #tpu.memory_space<semaphore_mem>>)
    %add3A_10 = arith.constant 128 : i32
    %add3A_11 = arith.addi %add3A, %add3A_10 : i32
    %dma_start3A_12 = tpu.memref_slice %arg3[%add3A_11] : memref<320000xi32, #tpu.memory_space<hbm>> -> memref<128xi32, #tpu.memory_space<hbm>>
    %dma_start3A_13 = tpu.memref_slice %arg3[%add3A_11] : memref<320000xi32, #tpu.memory_space<hbm>> -> memref<128xi32, #tpu.memory_space<hbm>>
    tpu.enqueue_dma source(%dma_start3A_13 : memref<128xi32, #tpu.memory_space<hbm>>) target(%arg9 : memref<128xi32, #tpu.memory_space<vmem>>) target_semaphore(%arg19 : memref<!tpu.dma_semaphore, #tpu.memory_space<semaphore_mem>>)
    %dma_start3A_14 = tpu.memref_slice %arg4[%add3A_11] : memref<320000xi32, #tpu.memory_space<hbm>> -> memref<128xi32, #tpu.memory_space<hbm>>
    %dma_start3A_15 = tpu.memref_slice %arg4[%add3A_11] : memref<320000xi32, #tpu.memory_space<hbm>> -> memref<128xi32, #tpu.memory_space<hbm>>
    tpu.enqueue_dma source(%dma_start3A_15 : memref<128xi32, #tpu.memory_space<hbm>>) target(%arg10 : memref<128xi32, #tpu.memory_space<vmem>>) target_semaphore(%arg19 : memref<!tpu.dma_semaphore, #tpu.memory_space<semaphore_mem>>)
    %dma_wait3A = arith.constant 0 : i32
    %dma_wait3A_16 = tpu.memref_slice %arg3[%dma_wait3A] : memref<320000xi32, #tpu.memory_space<hbm>> -> memref<128xi32, #tpu.memory_space<hbm>>
    %dma_wait3A_17 = arith.constant 0 : i32
    %dma_wait3A_18 = tpu.memref_slice %arg3[%dma_wait3A_17] : memref<320000xi32, #tpu.memory_space<hbm>> -> memref<128xi32, #tpu.memory_space<hbm>>
    tpu.wait_dma2 semaphore(%arg18 : memref<!tpu.dma_semaphore, #tpu.memory_space<semaphore_mem>>) src(%dma_wait3A_18 : memref<128xi32, #tpu.memory_space<hbm>>) dst(%arg7 : memref<128xi32, #tpu.memory_space<vmem>>)
    %dma_wait3A_19 = arith.constant 0 : i32
    %dma_wait3A_20 = tpu.memref_slice %arg4[%dma_wait3A_19] : memref<320000xi32, #tpu.memory_space<hbm>> -> memref<128xi32, #tpu.memory_space<hbm>>
    %dma_wait3A_21 = arith.constant 0 : i32
    %dma_wait3A_22 = tpu.memref_slice %arg4[%dma_wait3A_21] : memref<320000xi32, #tpu.memory_space<hbm>> -> memref<128xi32, #tpu.memory_space<hbm>>
    tpu.wait_dma2 semaphore(%arg18 : memref<!tpu.dma_semaphore, #tpu.memory_space<semaphore_mem>>) src(%dma_wait3A_22 : memref<128xi32, #tpu.memory_space<hbm>>) dst(%arg8 : memref<128xi32, #tpu.memory_space<vmem>>)
    %dma_start3A_23 = arith.constant 0 : i32
    %dma_start3A_24 = arith.constant 0 : i32
    %dma_start3A_25 = tpu.memref_slice %arg16[%dma_start3A_23, %dma_start3A_24] : memref<10000x16xf32, #tpu.memory_space<vmem_shared>> -> memref<10000x16xf32, #tpu.memory_space<vmem_shared>>
    tpu.enqueue_indirect_dma source(%dma_start3A_25 : memref<10000x16xf32, #tpu.memory_space<vmem_shared>>) target(%arg13 : memref<128x16xf32, #tpu.memory_space<vmem>>) offsets(%arg7 : memref<128xi32, #tpu.memory_space<vmem>>) semaphore(%arg20 : memref<!tpu.dma_semaphore, #tpu.memory_space<semaphore_mem>>)
    %scan3A = arith.constant 0 : i32
    %scan3A_26 = arith.constant 38 : i32
    %scan3A_27 = arith.addi %scan3A, %scan3A_26 : i32
    %scan3A_28 = arith.constant 1 : i32
    scf.for %scan3A_61 = %scan3A to %scan3A_27 step %scan3A_28  : i32 {
      %mul3A_62 = arith.constant 2 : i32
      %mul3A_63 = arith.muli %scan3A_61, %mul3A_62 : i32
      %add3A_64 = arith.constant 0 : i32
      %add3A_65 = arith.addi %add3A_64, %mul3A_63 : i32
      %dma_wait3A_66 = arith.constant 0 : i32
      %dma_wait3A_67 = tpu.memref_slice %arg3[%dma_wait3A_66] : memref<320000xi32, #tpu.memory_space<hbm>> -> memref<128xi32, #tpu.memory_space<hbm>>
      %dma_wait3A_68 = arith.constant 0 : i32
      %dma_wait3A_69 = tpu.memref_slice %arg3[%dma_wait3A_68] : memref<320000xi32, #tpu.memory_space<hbm>> -> memref<128xi32, #tpu.memory_space<hbm>>
      tpu.wait_dma2 semaphore(%arg19 : memref<!tpu.dma_semaphore, #tpu.memory_space<semaphore_mem>>) src(%dma_wait3A_69 : memref<128xi32, #tpu.memory_space<hbm>>) dst(%arg9 : memref<128xi32, #tpu.memory_space<vmem>>)
      %dma_wait3A_70 = arith.constant 0 : i32
      %dma_wait3A_71 = tpu.memref_slice %arg4[%dma_wait3A_70] : memref<320000xi32, #tpu.memory_space<hbm>> -> memref<128xi32, #tpu.memory_space<hbm>>
      %dma_wait3A_72 = arith.constant 0 : i32
      %dma_wait3A_73 = tpu.memref_slice %arg4[%dma_wait3A_72] : memref<320000xi32, #tpu.memory_space<hbm>> -> memref<128xi32, #tpu.memory_space<hbm>>
      tpu.wait_dma2 semaphore(%arg19 : memref<!tpu.dma_semaphore, #tpu.memory_space<semaphore_mem>>) src(%dma_wait3A_73 : memref<128xi32, #tpu.memory_space<hbm>>) dst(%arg10 : memref<128xi32, #tpu.memory_space<vmem>>)
      %dma_wait3A_74 = arith.constant 0 : i32
      %dma_wait3A_75 = arith.constant 0 : i32
      %dma_wait3A_76 = tpu.memref_slice %arg16[%dma_wait3A_74, %dma_wait3A_75] : memref<10000x16xf32, #tpu.memory_space<vmem_shared>> -> memref<10000x16xf32, #tpu.memory_space<vmem_shared>>
      tpu.wait_indirect_dma semaphore(%arg20 : memref<!tpu.dma_semaphore, #tpu.memory_space<semaphore_mem>>) src(%dma_wait3A_76 : memref<10000x16xf32, #tpu.memory_space<vmem_shared>>) dst(%arg13 : memref<128x16xf32, #tpu.memory_space<vmem>>)
      %dma_start3A_77 = arith.constant 0 : i32
      %dma_start3A_78 = arith.constant 0 : i32
      %dma_start3A_79 = tpu.memref_slice %arg16[%dma_start3A_77, %dma_start3A_78] : memref<10000x16xf32, #tpu.memory_space<vmem_shared>> -> memref<10000x16xf32, #tpu.memory_space<vmem_shared>>
      tpu.enqueue_indirect_dma source(%dma_start3A_79 : memref<10000x16xf32, #tpu.memory_space<vmem_shared>>) target(%arg14 : memref<128x16xf32, #tpu.memory_space<vmem>>) offsets(%arg9 : memref<128xi32, #tpu.memory_space<vmem>>) semaphore(%arg21 : memref<!tpu.dma_semaphore, #tpu.memory_space<semaphore_mem>>)
      "tpu.region"() ({
        %run_scoped3A = tpu.sem_alloc : memref<!tpu.dma_semaphore, #tpu.memory_space<semaphore_mem>>
        %dma_start3A_112 = arith.constant 0 : i32
        %dma_start3A_113 = arith.constant 0 : i32
        %dma_start3A_114 = tpu.memref_slice %arg17[%dma_start3A_112, %dma_start3A_113] : memref<10000x16xf32, #tpu.memory_space<vmem_shared>> -> memref<10000x16xf32, #tpu.memory_space<vmem_shared>>
        tpu.enqueue_indirect_dma source(%arg13 : memref<128x16xf32, #tpu.memory_space<vmem>>) target(%dma_start3A_114 : memref<10000x16xf32, #tpu.memory_space<vmem_shared>>) offsets(%arg8 : memref<128xi32, #tpu.memory_space<vmem>>) semaphore(%run_scoped3A : memref<!tpu.dma_semaphore, #tpu.memory_space<semaphore_mem>>) {add = true}
        %dma_wait3A_115 = arith.constant 0 : i32
        %dma_wait3A_116 = arith.constant 0 : i32
        %dma_wait3A_117 = tpu.memref_slice %arg17[%dma_wait3A_115, %dma_wait3A_116] : memref<10000x16xf32, #tpu.memory_space<vmem_shared>> -> memref<10000x16xf32, #tpu.memory_space<vmem_shared>>
        tpu.wait_indirect_dma semaphore(%run_scoped3A : memref<!tpu.dma_semaphore, #tpu.memory_space<semaphore_mem>>) src(%arg13 : memref<128x16xf32, #tpu.memory_space<vmem>>) dst(%dma_wait3A_117 : memref<10000x16xf32, #tpu.memory_space<vmem_shared>>)
        tpu.yield
      }) : () -> ()
      %add3A_80 = arith.constant 2 : i32
      %add3A_81 = arith.addi %add3A_65, %add3A_80 : i32
      %mul3A_82 = arith.constant 128 : i32
      %mul3A_83 = arith.muli %add3A_81, %mul3A_82 : i32
      %add3A_84 = arith.addi %add3A, %mul3A_83 : i32
      %dma_start3A_85 = tpu.memref_slice %arg3[%add3A_84] : memref<320000xi32, #tpu.memory_space<hbm>> -> memref<128xi32, #tpu.memory_space<hbm>>
      %dma_start3A_86 = tpu.memref_slice %arg3[%add3A_84] : memref<320000xi32, #tpu.memory_space<hbm>> -> memref<128xi32, #tpu.memory_space<hbm>>
      tpu.enqueue_dma source(%dma_start3A_86 : memref<128xi32, #tpu.memory_space<hbm>>) target(%arg7 : memref<128xi32, #tpu.memory_space<vmem>>) target_semaphore(%arg18 : memref<!tpu.dma_semaphore, #tpu.memory_space<semaphore_mem>>)
      %dma_start3A_87 = tpu.memref_slice %arg4[%add3A_84] : memref<320000xi32, #tpu.memory_space<hbm>> -> memref<128xi32, #tpu.memory_space<hbm>>
      %dma_start3A_88 = tpu.memref_slice %arg4[%add3A_84] : memref<320000xi32, #tpu.memory_space<hbm>> -> memref<128xi32, #tpu.memory_space<hbm>>
      tpu.enqueue_dma source(%dma_start3A_88 : memref<128xi32, #tpu.memory_space<hbm>>) target(%arg8 : memref<128xi32, #tpu.memory_space<vmem>>) target_semaphore(%arg18 : memref<!tpu.dma_semaphore, #tpu.memory_space<semaphore_mem>>)
      %dma_wait3A_89 = arith.constant 0 : i32
      %dma_wait3A_90 = tpu.memref_slice %arg3[%dma_wait3A_89] : memref<320000xi32, #tpu.memory_space<hbm>> -> memref<128xi32, #tpu.memory_space<hbm>>
      %dma_wait3A_91 = arith.constant 0 : i32
      %dma_wait3A_92 = tpu.memref_slice %arg3[%dma_wait3A_91] : memref<320000xi32, #tpu.memory_space<hbm>> -> memref<128xi32, #tpu.memory_space<hbm>>
      tpu.wait_dma2 semaphore(%arg18 : memref<!tpu.dma_semaphore, #tpu.memory_space<semaphore_mem>>) src(%dma_wait3A_92 : memref<128xi32, #tpu.memory_space<hbm>>) dst(%arg7 : memref<128xi32, #tpu.memory_space<vmem>>)
      %dma_wait3A_93 = arith.constant 0 : i32
      %dma_wait3A_94 = tpu.memref_slice %arg4[%dma_wait3A_93] : memref<320000xi32, #tpu.memory_space<hbm>> -> memref<128xi32, #tpu.memory_space<hbm>>
      %dma_wait3A_95 = arith.constant 0 : i32
      %dma_wait3A_96 = tpu.memref_slice %arg4[%dma_wait3A_95] : memref<320000xi32, #tpu.memory_space<hbm>> -> memref<128xi32, #tpu.memory_space<hbm>>
      tpu.wait_dma2 semaphore(%arg18 : memref<!tpu.dma_semaphore, #tpu.memory_space<semaphore_mem>>) src(%dma_wait3A_96 : memref<128xi32, #tpu.memory_space<hbm>>) dst(%arg8 : memref<128xi32, #tpu.memory_space<vmem>>)
      %dma_wait3A_97 = arith.constant 0 : i32
      %dma_wait3A_98 = arith.constant 0 : i32
      %dma_wait3A_99 = tpu.memref_slice %arg16[%dma_wait3A_97, %dma_wait3A_98] : memref<10000x16xf32, #tpu.memory_space<vmem_shared>> -> memref<10000x16xf32, #tpu.memory_space<vmem_shared>>
      tpu.wait_indirect_dma semaphore(%arg21 : memref<!tpu.dma_semaphore, #tpu.memory_space<semaphore_mem>>) src(%dma_wait3A_99 : memref<10000x16xf32, #tpu.memory_space<vmem_shared>>) dst(%arg14 : memref<128x16xf32, #tpu.memory_space<vmem>>)
      %dma_start3A_100 = arith.constant 0 : i32
      %dma_start3A_101 = arith.constant 0 : i32
      %dma_start3A_102 = tpu.memref_slice %arg16[%dma_start3A_100, %dma_start3A_101] : memref<10000x16xf32, #tpu.memory_space<vmem_shared>> -> memref<10000x16xf32, #tpu.memory_space<vmem_shared>>
      tpu.enqueue_indirect_dma source(%dma_start3A_102 : memref<10000x16xf32, #tpu.memory_space<vmem_shared>>) target(%arg13 : memref<128x16xf32, #tpu.memory_space<vmem>>) offsets(%arg7 : memref<128xi32, #tpu.memory_space<vmem>>) semaphore(%arg20 : memref<!tpu.dma_semaphore, #tpu.memory_space<semaphore_mem>>)
      "tpu.region"() ({
        %run_scoped3A = tpu.sem_alloc : memref<!tpu.dma_semaphore, #tpu.memory_space<semaphore_mem>>
        %dma_start3A_112 = arith.constant 0 : i32
        %dma_start3A_113 = arith.constant 0 : i32
        %dma_start3A_114 = tpu.memref_slice %arg17[%dma_start3A_112, %dma_start3A_113] : memref<10000x16xf32, #tpu.memory_space<vmem_shared>> -> memref<10000x16xf32, #tpu.memory_space<vmem_shared>>
        tpu.enqueue_indirect_dma source(%arg14 : memref<128x16xf32, #tpu.memory_space<vmem>>) target(%dma_start3A_114 : memref<10000x16xf32, #tpu.memory_space<vmem_shared>>) offsets(%arg10 : memref<128xi32, #tpu.memory_space<vmem>>) semaphore(%run_scoped3A : memref<!tpu.dma_semaphore, #tpu.memory_space<semaphore_mem>>) {add = true}
        %dma_wait3A_115 = arith.constant 0 : i32
        %dma_wait3A_116 = arith.constant 0 : i32
        %dma_wait3A_117 = tpu.memref_slice %arg17[%dma_wait3A_115, %dma_wait3A_116] : memref<10000x16xf32, #tpu.memory_space<vmem_shared>> -> memref<10000x16xf32, #tpu.memory_space<vmem_shared>>
        tpu.wait_indirect_dma semaphore(%run_scoped3A : memref<!tpu.dma_semaphore, #tpu.memory_space<semaphore_mem>>) src(%arg14 : memref<128x16xf32, #tpu.memory_space<vmem>>) dst(%dma_wait3A_117 : memref<10000x16xf32, #tpu.memory_space<vmem_shared>>)
        tpu.yield
      }) : () -> ()
      %add3A_103 = arith.constant 3 : i32
      %add3A_104 = arith.addi %add3A_65, %add3A_103 : i32
      %mul3A_105 = arith.constant 128 : i32
      %mul3A_106 = arith.muli %add3A_104, %mul3A_105 : i32
      %add3A_107 = arith.addi %add3A, %mul3A_106 : i32
      %dma_start3A_108 = tpu.memref_slice %arg3[%add3A_107] : memref<320000xi32, #tpu.memory_space<hbm>> -> memref<128xi32, #tpu.memory_space<hbm>>
      %dma_start3A_109 = tpu.memref_slice %arg3[%add3A_107] : memref<320000xi32, #tpu.memory_space<hbm>> -> memref<128xi32, #tpu.memory_space<hbm>>
      tpu.enqueue_dma source(%dma_start3A_109 : memref<128xi32, #tpu.memory_space<hbm>>) target(%arg9 : memref<128xi32, #tpu.memory_space<vmem>>) target_semaphore(%arg19 : memref<!tpu.dma_semaphore, #tpu.memory_space<semaphore_mem>>)
      %dma_start3A_110 = tpu.memref_slice %arg4[%add3A_107] : memref<320000xi32, #tpu.memory_space<hbm>> -> memref<128xi32, #tpu.memory_space<hbm>>
      %dma_start3A_111 = tpu.memref_slice %arg4[%add3A_107] : memref<320000xi32, #tpu.memory_space<hbm>> -> memref<128xi32, #tpu.memory_space<hbm>>
      tpu.enqueue_dma source(%dma_start3A_111 : memref<128xi32, #tpu.memory_space<hbm>>) target(%arg10 : memref<128xi32, #tpu.memory_space<vmem>>) target_semaphore(%arg19 : memref<!tpu.dma_semaphore, #tpu.memory_space<semaphore_mem>>)
    }
    %scan3A_29 = arith.constant 38 : i32
    %dma_wait3A_30 = arith.constant 0 : i32
    %dma_wait3A_31 = tpu.memref_slice %arg3[%dma_wait3A_30] : memref<320000xi32, #tpu.memory_space<hbm>> -> memref<128xi32, #tpu.memory_space<hbm>>
    %dma_wait3A_32 = arith.constant 0 : i32
    %dma_wait3A_33 = tpu.memref_slice %arg3[%dma_wait3A_32] : memref<320000xi32, #tpu.memory_space<hbm>> -> memref<128xi32, #tpu.memory_space<hbm>>
    tpu.wait_dma2 semaphore(%arg19 : memref<!tpu.dma_semaphore, #tpu.memory_space<semaphore_mem>>) src(%dma_wait3A_33 : memref<128xi32, #tpu.memory_space<hbm>>) dst(%arg9 : memref<128xi32, #tpu.memory_space<vmem>>)
    %dma_wait3A_34 = arith.constant 0 : i32
    %dma_wait3A_35 = tpu.memref_slice %arg4[%dma_wait3A_34] : memref<320000xi32, #tpu.memory_space<hbm>> -> memref<128xi32, #tpu.memory_space<hbm>>
    %dma_wait3A_36 = arith.constant 0 : i32
    %dma_wait3A_37 = tpu.memref_slice %arg4[%dma_wait3A_36] : memref<320000xi32, #tpu.memory_space<hbm>> -> memref<128xi32, #tpu.memory_space<hbm>>
    tpu.wait_dma2 semaphore(%arg19 : memref<!tpu.dma_semaphore, #tpu.memory_space<semaphore_mem>>) src(%dma_wait3A_37 : memref<128xi32, #tpu.memory_space<hbm>>) dst(%arg10 : memref<128xi32, #tpu.memory_space<vmem>>)
    %dma_wait3A_38 = arith.constant 0 : i32
    %dma_wait3A_39 = arith.constant 0 : i32
    %dma_wait3A_40 = tpu.memref_slice %arg16[%dma_wait3A_38, %dma_wait3A_39] : memref<10000x16xf32, #tpu.memory_space<vmem_shared>> -> memref<10000x16xf32, #tpu.memory_space<vmem_shared>>
    tpu.wait_indirect_dma semaphore(%arg20 : memref<!tpu.dma_semaphore, #tpu.memory_space<semaphore_mem>>) src(%dma_wait3A_40 : memref<10000x16xf32, #tpu.memory_space<vmem_shared>>) dst(%arg13 : memref<128x16xf32, #tpu.memory_space<vmem>>)
    %dma_start3A_41 = arith.constant 0 : i32
    %dma_start3A_42 = arith.constant 0 : i32
    %dma_start3A_43 = tpu.memref_slice %arg16[%dma_start3A_41, %dma_start3A_42] : memref<10000x16xf32, #tpu.memory_space<vmem_shared>> -> memref<10000x16xf32, #tpu.memory_space<vmem_shared>>
    tpu.enqueue_indirect_dma source(%dma_start3A_43 : memref<10000x16xf32, #tpu.memory_space<vmem_shared>>) target(%arg14 : memref<128x16xf32, #tpu.memory_space<vmem>>) offsets(%arg9 : memref<128xi32, #tpu.memory_space<vmem>>) semaphore(%arg21 : memref<!tpu.dma_semaphore, #tpu.memory_space<semaphore_mem>>)
    "tpu.region"() ({
      %run_scoped3A = tpu.sem_alloc : memref<!tpu.dma_semaphore, #tpu.memory_space<semaphore_mem>>
      %dma_start3A_61 = arith.constant 0 : i32
      %dma_start3A_62 = arith.constant 0 : i32
      %dma_start3A_63 = tpu.memref_slice %arg17[%dma_start3A_61, %dma_start3A_62] : memref<10000x16xf32, #tpu.memory_space<vmem_shared>> -> memref<10000x16xf32, #tpu.memory_space<vmem_shared>>
      tpu.enqueue_indirect_dma source(%arg13 : memref<128x16xf32, #tpu.memory_space<vmem>>) target(%dma_start3A_63 : memref<10000x16xf32, #tpu.memory_space<vmem_shared>>) offsets(%arg8 : memref<128xi32, #tpu.memory_space<vmem>>) semaphore(%run_scoped3A : memref<!tpu.dma_semaphore, #tpu.memory_space<semaphore_mem>>) {add = true}
      %dma_wait3A_64 = arith.constant 0 : i32
      %dma_wait3A_65 = arith.constant 0 : i32
      %dma_wait3A_66 = tpu.memref_slice %arg17[%dma_wait3A_64, %dma_wait3A_65] : memref<10000x16xf32, #tpu.memory_space<vmem_shared>> -> memref<10000x16xf32, #tpu.memory_space<vmem_shared>>
      tpu.wait_indirect_dma semaphore(%run_scoped3A : memref<!tpu.dma_semaphore, #tpu.memory_space<semaphore_mem>>) src(%arg13 : memref<128x16xf32, #tpu.memory_space<vmem>>) dst(%dma_wait3A_66 : memref<10000x16xf32, #tpu.memory_space<vmem_shared>>)
      tpu.yield
    }) : () -> ()
    %dma_wait3A_44 = arith.constant 0 : i32
    %dma_wait3A_45 = arith.constant 0 : i32
    %dma_wait3A_46 = tpu.memref_slice %arg16[%dma_wait3A_44, %dma_wait3A_45] : memref<10000x16xf32, #tpu.memory_space<vmem_shared>> -> memref<10000x16xf32, #tpu.memory_space<vmem_shared>>
    tpu.wait_indirect_dma semaphore(%arg21 : memref<!tpu.dma_semaphore, #tpu.memory_space<semaphore_mem>>) src(%dma_wait3A_46 : memref<10000x16xf32, #tpu.memory_space<vmem_shared>>) dst(%arg14 : memref<128x16xf32, #tpu.memory_space<vmem>>)
    "tpu.region"() ({
      %run_scoped3A = tpu.sem_alloc : memref<!tpu.dma_semaphore, #tpu.memory_space<semaphore_mem>>
      %dma_start3A_61 = arith.constant 0 : i32
      %dma_start3A_62 = arith.constant 0 : i32
      %dma_start3A_63 = tpu.memref_slice %arg17[%dma_start3A_61, %dma_start3A_62] : memref<10000x16xf32, #tpu.memory_space<vmem_shared>> -> memref<10000x16xf32, #tpu.memory_space<vmem_shared>>
      tpu.enqueue_indirect_dma source(%arg14 : memref<128x16xf32, #tpu.memory_space<vmem>>) target(%dma_start3A_63 : memref<10000x16xf32, #tpu.memory_space<vmem_shared>>) offsets(%arg10 : memref<128xi32, #tpu.memory_space<vmem>>) semaphore(%run_scoped3A : memref<!tpu.dma_semaphore, #tpu.memory_space<semaphore_mem>>) {add = true}
      %dma_wait3A_64 = arith.constant 0 : i32
      %dma_wait3A_65 = arith.constant 0 : i32
      %dma_wait3A_66 = tpu.memref_slice %arg17[%dma_wait3A_64, %dma_wait3A_65] : memref<10000x16xf32, #tpu.memory_space<vmem_shared>> -> memref<10000x16xf32, #tpu.memory_space<vmem_shared>>
      tpu.wait_indirect_dma semaphore(%run_scoped3A : memref<!tpu.dma_semaphore, #tpu.memory_space<semaphore_mem>>) src(%arg14 : memref<128x16xf32, #tpu.memory_space<vmem>>) dst(%dma_wait3A_66 : memref<10000x16xf32, #tpu.memory_space<vmem_shared>>)
      tpu.yield
    }) : () -> ()
    %add3A_47 = arith.constant 9984 : i32
    %add3A_48 = arith.addi %add3A, %add3A_47 : i32
    "tpu.region"() ({
      %run_scoped3A = tpu.sem_alloc : memref<!tpu.dma_semaphore, #tpu.memory_space<semaphore_mem>>
      %dma_start3A_61 = tpu.memref_slice %arg3[%add3A_48] : memref<320000xi32, #tpu.memory_space<hbm>> -> memref<16xi32, #tpu.memory_space<hbm>>
      %dma_start3A_62 = tpu.memref_slice %arg3[%add3A_48] : memref<320000xi32, #tpu.memory_space<hbm>> -> memref<16xi32, #tpu.memory_space<hbm>>
      tpu.enqueue_dma source(%dma_start3A_62 : memref<16xi32, #tpu.memory_space<hbm>>) target(%arg11 : memref<16xi32, #tpu.memory_space<vmem>>) target_semaphore(%run_scoped3A : memref<!tpu.dma_semaphore, #tpu.memory_space<semaphore_mem>>)
      %dma_wait3A_63 = tpu.memref_slice %arg3[%add3A_48] : memref<320000xi32, #tpu.memory_space<hbm>> -> memref<16xi32, #tpu.memory_space<hbm>>
      %dma_wait3A_64 = tpu.memref_slice %arg3[%add3A_48] : memref<320000xi32, #tpu.memory_space<hbm>> -> memref<16xi32, #tpu.memory_space<hbm>>
      tpu.wait_dma2 semaphore(%run_scoped3A : memref<!tpu.dma_semaphore, #tpu.memory_space<semaphore_mem>>) src(%dma_wait3A_64 : memref<16xi32, #tpu.memory_space<hbm>>) dst(%arg11 : memref<16xi32, #tpu.memory_space<vmem>>)
      tpu.yield
    }) : () -> ()
    "tpu.region"() ({
      %run_scoped3A = tpu.sem_alloc : memref<!tpu.dma_semaphore, #tpu.memory_space<semaphore_mem>>
      %dma_start3A_61 = tpu.memref_slice %arg4[%add3A_48] : memref<320000xi32, #tpu.memory_space<hbm>> -> memref<16xi32, #tpu.memory_space<hbm>>
      %dma_start3A_62 = tpu.memref_slice %arg4[%add3A_48] : memref<320000xi32, #tpu.memory_space<hbm>> -> memref<16xi32, #tpu.memory_space<hbm>>
      tpu.enqueue_dma source(%dma_start3A_62 : memref<16xi32, #tpu.memory_space<hbm>>) target(%arg12 : memref<16xi32, #tpu.memory_space<vmem>>) target_semaphore(%run_scoped3A : memref<!tpu.dma_semaphore, #tpu.memory_space<semaphore_mem>>)
      %dma_wait3A_63 = tpu.memref_slice %arg4[%add3A_48] : memref<320000xi32, #tpu.memory_space<hbm>> -> memref<16xi32, #tpu.memory_space<hbm>>
      %dma_wait3A_64 = tpu.memref_slice %arg4[%add3A_48] : memref<320000xi32, #tpu.memory_space<hbm>> -> memref<16xi32, #tpu.memory_space<hbm>>
      tpu.wait_dma2 semaphore(%run_scoped3A : memref<!tpu.dma_semaphore, #tpu.memory_space<semaphore_mem>>) src(%dma_wait3A_64 : memref<16xi32, #tpu.memory_space<hbm>>) dst(%arg12 : memref<16xi32, #tpu.memory_space<vmem>>)
      tpu.yield
    }) : () -> ()
    %dma_start3A_49 = arith.constant 0 : i32
    %dma_start3A_50 = arith.constant 0 : i32
    %dma_start3A_51 = tpu.memref_slice %arg16[%dma_start3A_49, %dma_start3A_50] : memref<10000x16xf32, #tpu.memory_space<vmem_shared>> -> memref<10000x16xf32, #tpu.memory_space<vmem_shared>>
    tpu.enqueue_indirect_dma source(%dma_start3A_51 : memref<10000x16xf32, #tpu.memory_space<vmem_shared>>) target(%arg15 : memref<16x16xf32, #tpu.memory_space<vmem>>) offsets(%arg11 : memref<16xi32, #tpu.memory_space<vmem>>) semaphore(%arg20 : memref<!tpu.dma_semaphore, #tpu.memory_space<semaphore_mem>>)
    %dma_wait3A_52 = arith.constant 0 : i32
    %dma_wait3A_53 = arith.constant 0 : i32
    %dma_wait3A_54 = tpu.memref_slice %arg16[%dma_wait3A_52, %dma_wait3A_53] : memref<10000x16xf32, #tpu.memory_space<vmem_shared>> -> memref<10000x16xf32, #tpu.memory_space<vmem_shared>>
    tpu.wait_indirect_dma semaphore(%arg20 : memref<!tpu.dma_semaphore, #tpu.memory_space<semaphore_mem>>) src(%dma_wait3A_54 : memref<10000x16xf32, #tpu.memory_space<vmem_shared>>) dst(%arg15 : memref<16x16xf32, #tpu.memory_space<vmem>>)
    "tpu.region"() ({
      %run_scoped3A = tpu.sem_alloc : memref<!tpu.dma_semaphore, #tpu.memory_space<semaphore_mem>>
      %dma_start3A_61 = arith.constant 0 : i32
      %dma_start3A_62 = arith.constant 0 : i32
      %dma_start3A_63 = tpu.memref_slice %arg17[%dma_start3A_61, %dma_start3A_62] : memref<10000x16xf32, #tpu.memory_space<vmem_shared>> -> memref<10000x16xf32, #tpu.memory_space<vmem_shared>>
      tpu.enqueue_indirect_dma source(%arg15 : memref<16x16xf32, #tpu.memory_space<vmem>>) target(%dma_start3A_63 : memref<10000x16xf32, #tpu.memory_space<vmem_shared>>) offsets(%arg12 : memref<16xi32, #tpu.memory_space<vmem>>) semaphore(%run_scoped3A : memref<!tpu.dma_semaphore, #tpu.memory_space<semaphore_mem>>) {add = true}
      %dma_wait3A_64 = arith.constant 0 : i32
      %dma_wait3A_65 = arith.constant 0 : i32
      %dma_wait3A_66 = tpu.memref_slice %arg17[%dma_wait3A_64, %dma_wait3A_65] : memref<10000x16xf32, #tpu.memory_space<vmem_shared>> -> memref<10000x16xf32, #tpu.memory_space<vmem_shared>>
      tpu.wait_indirect_dma semaphore(%run_scoped3A : memref<!tpu.dma_semaphore, #tpu.memory_space<semaphore_mem>>) src(%arg15 : memref<16x16xf32, #tpu.memory_space<vmem>>) dst(%dma_wait3A_66 : memref<10000x16xf32, #tpu.memory_space<vmem_shared>>)
      tpu.yield
    }) : () -> ()
    %barrier3A_55 = arith.constant 0 : index
    tpu.barrier barrier_id(%barrier3A_55)
    "tpu.region"() ({
      %run_scoped3A = tpu.sem_alloc : memref<!tpu.dma_semaphore, #tpu.memory_space<semaphore_mem>>
      %dma_start3A_61 = arith.constant 0 : i32
      %dma_start3A_62 = tpu.memref_slice %arg6[%arg0, %mul3A_0, %dma_start3A_61] : memref<2x10000x16xf32, #tpu.memory_space<hbm>> -> memref<1x624x16xf32, #tpu.memory_space<hbm>>
      %dma_start3A_63 = tpu.memref_squeeze %dma_start3A_62 : memref<1x624x16xf32, #tpu.memory_space<hbm>> -> memref<624x16xf32, #tpu.memory_space<hbm>>
      %dma_start3A_64 = arith.constant 0 : i32
      %dma_start3A_65 = tpu.memref_slice %arg17[%mul3A_0, %dma_start3A_64] : memref<10000x16xf32, #tpu.memory_space<vmem_shared>> -> memref<624x16xf32, #tpu.memory_space<vmem_shared>>
      tpu.enqueue_dma source(%dma_start3A_65 : memref<624x16xf32, #tpu.memory_space<vmem_shared>>) target(%dma_start3A_63 : memref<624x16xf32, #tpu.memory_space<hbm>>) target_semaphore(%run_scoped3A : memref<!tpu.dma_semaphore, #tpu.memory_space<semaphore_mem>>)
      %dma_wait3A_66 = arith.constant 0 : i32
      %dma_wait3A_67 = tpu.memref_slice %arg6[%arg0, %mul3A_0, %dma_wait3A_66] : memref<2x10000x16xf32, #tpu.memory_space<hbm>> -> memref<1x624x16xf32, #tpu.memory_space<hbm>>
      %dma_wait3A_68 = tpu.memref_squeeze %dma_wait3A_67 : memref<1x624x16xf32, #tpu.memory_space<hbm>> -> memref<624x16xf32, #tpu.memory_space<hbm>>
      %dma_wait3A_69 = arith.constant 0 : i32
      %dma_wait3A_70 = tpu.memref_slice %arg17[%mul3A_0, %dma_wait3A_69] : memref<10000x16xf32, #tpu.memory_space<vmem_shared>> -> memref<624x16xf32, #tpu.memory_space<vmem_shared>>
      tpu.wait_dma2 semaphore(%run_scoped3A : memref<!tpu.dma_semaphore, #tpu.memory_space<semaphore_mem>>) src(%dma_wait3A_70 : memref<624x16xf32, #tpu.memory_space<vmem_shared>>) dst(%dma_wait3A_68 : memref<624x16xf32, #tpu.memory_space<hbm>>)
      tpu.yield
    }) : () -> ()
    %eq3A_56 = arith.constant 15 : i32
    %eq3A_57 = arith.cmpi eq, %arg1, %eq3A_56 : i32
    %convert_element_type3A_58 = arith.extui %eq3A_57 : i1 to i32
    %cond3A_59 = arith.constant 0 : i32
    %cond3A_60 = arith.cmpi ne, %convert_element_type3A_58, %cond3A_59 : i32
    scf.if %cond3A_60 {
      "tpu.region"() ({
        %run_scoped3A = tpu.sem_alloc : memref<!tpu.dma_semaphore, #tpu.memory_space<semaphore_mem>>
        %dma_start3A_61 = arith.constant 9984 : i32
        %dma_start3A_62 = arith.constant 0 : i32
        %dma_start3A_63 = tpu.memref_slice %arg6[%arg0, %dma_start3A_61, %dma_start3A_62] : memref<2x10000x16xf32, #tpu.memory_space<hbm>> -> memref<1x16x16xf32, #tpu.memory_space<hbm>>
        %dma_start3A_64 = tpu.memref_squeeze %dma_start3A_63 : memref<1x16x16xf32, #tpu.memory_space<hbm>> -> memref<16x16xf32, #tpu.memory_space<hbm>>
        %dma_start3A_65 = arith.constant 9984 : i32
        %dma_start3A_66 = arith.constant 0 : i32
        %dma_start3A_67 = tpu.memref_slice %arg17[%dma_start3A_65, %dma_start3A_66] : memref<10000x16xf32, #tpu.memory_space<vmem_shared>> -> memref<16x16xf32, #tpu.memory_space<vmem_shared>>
        tpu.enqueue_dma source(%dma_start3A_67 : memref<16x16xf32, #tpu.memory_space<vmem_shared>>) target(%dma_start3A_64 : memref<16x16xf32, #tpu.memory_space<hbm>>) target_semaphore(%run_scoped3A : memref<!tpu.dma_semaphore, #tpu.memory_space<semaphore_mem>>)
        %dma_wait3A_68 = arith.constant 9984 : i32
        %dma_wait3A_69 = arith.constant 0 : i32
        %dma_wait3A_70 = tpu.memref_slice %arg6[%arg0, %dma_wait3A_68, %dma_wait3A_69] : memref<2x10000x16xf32, #tpu.memory_space<hbm>> -> memref<1x16x16xf32, #tpu.memory_space<hbm>>
        %dma_wait3A_71 = tpu.memref_squeeze %dma_wait3A_70 : memref<1x16x16xf32, #tpu.memory_space<hbm>> -> memref<16x16xf32, #tpu.memory_space<hbm>>
        %dma_wait3A_72 = arith.constant 9984 : i32
        %dma_wait3A_73 = arith.constant 0 : i32
        %dma_wait3A_74 = tpu.memref_slice %arg17[%dma_wait3A_72, %dma_wait3A_73] : memref<10000x16xf32, #tpu.memory_space<vmem_shared>> -> memref<16x16xf32, #tpu.memory_space<vmem_shared>>
        tpu.wait_dma2 semaphore(%run_scoped3A : memref<!tpu.dma_semaphore, #tpu.memory_space<semaphore_mem>>) src(%dma_wait3A_74 : memref<16x16xf32, #tpu.memory_space<vmem_shared>>) dst(%dma_wait3A_71 : memref<16x16xf32, #tpu.memory_space<hbm>>)
        tpu.yield
      }) : () -> ()
    } else {
    }
    return
  }
}

module attributes {stable_mosaic.version = 14 : i64} {
  func.func @_xw1_body(%arg0: memref<10000x128xf32, #tpu.memory_space<vmem>>, %arg1: memref<128x128xf32, #tpu.memory_space<vmem>>, %arg2: memref<10000x128xf32, #tpu.memory_space<vmem>>) attributes {dimension_semantics = [], scalar_prefetch = 0 : i64, scratch_operands = 0 : i64, tpu.core_type = #tpu.core_type<tc>} {
    %get3A = arith.constant 0 : index
    %get3A_0 = arith.constant 0 : index
    %get3A_1 = vector.load %arg0[%get3A, %get3A_0] : memref<10000x128xf32, #tpu.memory_space<vmem>>, vector<10000x128xf32>
    %get3A_2 = arith.constant 0 : index
    %get3A_3 = arith.constant 0 : index
    %get3A_4 = vector.load %arg1[%get3A_2, %get3A_3] : memref<128x128xf32, #tpu.memory_space<vmem>>, vector<128x128xf32>
    %dot_general3A = arith.constant dense<0.000000e+00> : vector<10000x128xf32>
    %dot_general3A_5 = tpu.matmul %get3A_1, %get3A_4, %dot_general3A {dimension_numbers = #tpu.dot_dimension_numbers<[1], [0], [0], [1], [0, 0, 1, 1], [], []>, transpose_lhs_hint = false} : vector<10000x128xf32>, vector<128x128xf32>, vector<10000x128xf32> -> vector<10000x128xf32>
    %swap3A = arith.constant 0 : index
    %swap3A_6 = arith.constant 0 : index
    %swap3A_7 = vector.load %arg2[%swap3A, %swap3A_6] : memref<10000x128xf32, #tpu.memory_space<vmem>>, vector<10000x128xf32>
    tpu.vector_store %arg2[%swap3A, %swap3A_6], %dot_general3A_5 {strides = array<i32>} : memref<10000x128xf32, #tpu.memory_space<vmem>>, vector<10000x128xf32>,
    return
  }
}

module attributes {stable_mosaic.version = 14 : i64} {
  func.func @_prescale_body(%arg0: memref<10000x128xf32, #tpu.memory_space<vmem>>, %arg1: memref<2x2x10000x16xf32, #tpu.memory_space<vmem>>, %arg2: memref<10000x128xf32, #tpu.memory_space<vmem>>, %arg3: memref<10000x1xf32, #tpu.memory_space<vmem>>, %arg4: memref<10000x1xf32, #tpu.memory_space<vmem>>) attributes {dimension_semantics = [], scalar_prefetch = 0 : i64, scratch_operands = 0 : i64, tpu.core_type = #tpu.core_type<tc>} {
    %get3A = arith.constant 0 : index
    %get3A_0 = arith.constant 0 : index
    %get3A_1 = arith.constant 0 : index
    %get3A_2 = arith.constant 0 : index
    %get3A_3 = vector.load %arg1[%get3A, %get3A_0, %get3A_1, %get3A_2] : memref<2x2x10000x16xf32, #tpu.memory_space<vmem>>, vector<1x2x10000x16xf32>
    %get3A_4 = vector.shape_cast %get3A_3 : vector<1x2x10000x16xf32> to vector<2x10000x16xf32>
    %get3A_5 = arith.constant 1 : index
    %get3A_6 = arith.constant 0 : index
    %get3A_7 = arith.constant 0 : index
    %get3A_8 = arith.constant 0 : index
    %get3A_9 = vector.load %arg1[%get3A_5, %get3A_6, %get3A_7, %get3A_8] : memref<2x2x10000x16xf32, #tpu.memory_space<vmem>>, vector<1x2x10000x16xf32>
    %get3A_10 = vector.shape_cast %get3A_9 : vector<1x2x10000x16xf32> to vector<2x10000x16xf32>
    %add3A = arith.addf %get3A_4, %get3A_10 : vector<2x10000x16xf32>
    %slice3A = vector.extract_strided_slice %add3A {offsets = [0, 0, 0], sizes = [1, 10000, 1], strides = [1, 1, 1]} : vector<2x10000x16xf32> to vector<1x10000x1xf32>
    %squeeze3A = vector.shape_cast %slice3A : vector<1x10000x1xf32> to vector<10000xf32>
    %max3A = arith.constant 1.000000e+00 : f32
    %max3A_11 = vector.broadcast %max3A : f32 to vector<10000xf32>
    %max3A_12 = arith.maximumf %squeeze3A, %max3A_11 : vector<10000xf32>
    %rsqrt3A = math.rsqrt %max3A_12 : vector<10000xf32>
    %reshape3A = vector.shape_cast %rsqrt3A : vector<10000xf32> to vector<10000x1xf32>
    %slice3A_13 = vector.extract_strided_slice %add3A {offsets = [1, 0, 0], sizes = [1, 10000, 1], strides = [1, 1, 1]} : vector<2x10000x16xf32> to vector<1x10000x1xf32>
    %squeeze3A_14 = vector.shape_cast %slice3A_13 : vector<1x10000x1xf32> to vector<10000xf32>
    %max3A_15 = arith.constant 1.000000e+00 : f32
    %max3A_16 = vector.broadcast %max3A_15 : f32 to vector<10000xf32>
    %max3A_17 = arith.maximumf %squeeze3A_14, %max3A_16 : vector<10000xf32>
    %rsqrt3A_18 = math.rsqrt %max3A_17 : vector<10000xf32>
    %reshape3A_19 = vector.shape_cast %rsqrt3A_18 : vector<10000xf32> to vector<10000x1xf32>
    %swap3A = arith.constant 0 : index
    %swap3A_20 = arith.constant 0 : index
    %swap3A_21 = vector.load %arg3[%swap3A, %swap3A_20] : memref<10000x1xf32, #tpu.memory_space<vmem>>, vector<10000x1xf32>
    tpu.vector_store %arg3[%swap3A, %swap3A_20], %reshape3A {strides = array<i32>} : memref<10000x1xf32, #tpu.memory_space<vmem>>, vector<10000x1xf32>,
    %swap3A_22 = arith.constant 0 : index
    %swap3A_23 = arith.constant 0 : index
    %swap3A_24 = vector.load %arg4[%swap3A_22, %swap3A_23] : memref<10000x1xf32, #tpu.memory_space<vmem>>, vector<10000x1xf32>
    tpu.vector_store %arg4[%swap3A_22, %swap3A_23], %reshape3A_19 {strides = array<i32>} : memref<10000x1xf32, #tpu.memory_space<vmem>>, vector<10000x1xf32>,
    %get3A_25 = arith.constant 0 : index
    %get3A_26 = arith.constant 0 : index
    %get3A_27 = vector.load %arg0[%get3A_25, %get3A_26] : memref<10000x128xf32, #tpu.memory_space<vmem>>, vector<10000x128xf32>
    %mul3A = vector.broadcast %reshape3A : vector<10000x1xf32> to vector<10000x128xf32>
    %mul3A_28 = arith.mulf %get3A_27, %mul3A : vector<10000x128xf32>
    %swap3A_29 = arith.constant 0 : index
    %swap3A_30 = arith.constant 0 : index
    %swap3A_31 = vector.load %arg2[%swap3A_29, %swap3A_30] : memref<10000x128xf32, #tpu.memory_space<vmem>>, vector<10000x128xf32>
    tpu.vector_store %arg2[%swap3A_29, %swap3A_30], %mul3A_28 {strides = array<i32>} : memref<10000x128xf32, #tpu.memory_space<vmem>>, vector<10000x128xf32>,
    return
  }
}

module attributes {stable_mosaic.version = 14 : i64} {
  func.func @_mlp_body(%arg0: memref<2x10000x128xf32, #tpu.memory_space<vmem>>, %arg1: memref<10000x1xf32, #tpu.memory_space<vmem>>, %arg2: memref<10000x1xf32, #tpu.memory_space<vmem>>, %arg3: memref<1x128xf32, #tpu.memory_space<vmem>>, %arg4: memref<128x16xf32, #tpu.memory_space<vmem>>, %arg5: memref<10000x16xf32, #tpu.memory_space<vmem>>) attributes {dimension_semantics = [], scalar_prefetch = 0 : i64, scratch_operands = 0 : i64, tpu.core_type = #tpu.core_type<tc>} {
    %get3A = arith.constant 0 : index
    %get3A_0 = arith.constant 0 : index
    %get3A_1 = arith.constant 0 : index
    %get3A_2 = vector.load %arg0[%get3A, %get3A_0, %get3A_1] : memref<2x10000x128xf32, #tpu.memory_space<vmem>>, vector<1x10000x128xf32>
    %get3A_3 = vector.shape_cast %get3A_2 : vector<1x10000x128xf32> to vector<10000x128xf32>
    %get3A_4 = arith.constant 1 : index
    %get3A_5 = arith.constant 0 : index
    %get3A_6 = arith.constant 0 : index
    %get3A_7 = vector.load %arg0[%get3A_4, %get3A_5, %get3A_6] : memref<2x10000x128xf32, #tpu.memory_space<vmem>>, vector<1x10000x128xf32>
    %get3A_8 = vector.shape_cast %get3A_7 : vector<1x10000x128xf32> to vector<10000x128xf32>
    %add3A = arith.addf %get3A_3, %get3A_8 : vector<10000x128xf32>
    %get3A_9 = arith.constant 0 : index
    %get3A_10 = arith.constant 0 : index
    %get3A_11 = vector.load %arg2[%get3A_9, %get3A_10] : memref<10000x1xf32, #tpu.memory_space<vmem>>, vector<10000x1xf32>
    %mul3A = vector.broadcast %get3A_11 : vector<10000x1xf32> to vector<10000x128xf32>
    %mul3A_12 = arith.mulf %add3A, %mul3A : vector<10000x128xf32>
    %get3A_13 = arith.constant 0 : index
    %get3A_14 = arith.constant 0 : index
    %get3A_15 = vector.load %arg3[%get3A_13, %get3A_14] : memref<1x128xf32, #tpu.memory_space<vmem>>, vector<1x128xf32>
    %add3A_16 = vector.broadcast %get3A_15 : vector<1x128xf32> to vector<10000x128xf32>
    %add3A_17 = arith.addf %mul3A_12, %add3A_16 : vector<10000x128xf32>
    %max3A = arith.constant 0.000000e+00 : f32
    %max3A_18 = vector.broadcast %max3A : f32 to vector<10000x128xf32>
    %max3A_19 = arith.maximumf %add3A_17, %max3A_18 : vector<10000x128xf32>
    %get3A_20 = arith.constant 0 : index
    %get3A_21 = arith.constant 0 : index
    %get3A_22 = vector.load %arg4[%get3A_20, %get3A_21] : memref<128x16xf32, #tpu.memory_space<vmem>>, vector<128x16xf32>
    %dot_general3A = arith.constant dense<0.000000e+00> : vector<10000x16xf32>
    %dot_general3A_23 = tpu.matmul %max3A_19, %get3A_22, %dot_general3A {dimension_numbers = #tpu.dot_dimension_numbers<[1], [0], [0], [1], [0, 0, 1, 1], [], []>, transpose_lhs_hint = false} : vector<10000x128xf32>, vector<128x16xf32>, vector<10000x16xf32> -> vector<10000x16xf32>
    %get3A_24 = arith.constant 0 : index
    %get3A_25 = arith.constant 0 : index
    %get3A_26 = vector.load %arg1[%get3A_24, %get3A_25] : memref<10000x1xf32, #tpu.memory_space<vmem>>, vector<10000x1xf32>
    %mul3A_27 = vector.broadcast %get3A_26 : vector<10000x1xf32> to vector<10000x16xf32>
    %mul3A_28 = arith.mulf %dot_general3A_23, %mul3A_27 : vector<10000x16xf32>
    %swap3A = arith.constant 0 : index
    %swap3A_29 = arith.constant 0 : index
    %swap3A_30 = vector.load %arg5[%swap3A, %swap3A_29] : memref<10000x16xf32, #tpu.memory_space<vmem>>, vector<10000x16xf32>
    tpu.vector_store %arg5[%swap3A, %swap3A_29], %mul3A_28 {strides = array<i32>} : memref<10000x16xf32, #tpu.memory_space<vmem>>, vector<10000x16xf32>,
    return
  }
}

module attributes {stable_mosaic.version = 14 : i64} {
  func.func @_readout_body(%arg0: memref<2x10000x16xf32, #tpu.memory_space<vmem>>, %arg1: memref<10000x1xf32, #tpu.memory_space<vmem>>, %arg2: memref<1x16xf32, #tpu.memory_space<vmem>>, %arg3: memref<1x16xf32, #tpu.memory_space<vmem>>) attributes {dimension_semantics = [], scalar_prefetch = 0 : i64, scratch_operands = 0 : i64, tpu.core_type = #tpu.core_type<tc>} {
    %get3A = arith.constant 0 : index
    %get3A_0 = arith.constant 0 : index
    %get3A_1 = arith.constant 0 : index
    %get3A_2 = vector.load %arg0[%get3A, %get3A_0, %get3A_1] : memref<2x10000x16xf32, #tpu.memory_space<vmem>>, vector<1x10000x16xf32>
    %get3A_3 = vector.shape_cast %get3A_2 : vector<1x10000x16xf32> to vector<10000x16xf32>
    %get3A_4 = arith.constant 1 : index
    %get3A_5 = arith.constant 0 : index
    %get3A_6 = arith.constant 0 : index
    %get3A_7 = vector.load %arg0[%get3A_4, %get3A_5, %get3A_6] : memref<2x10000x16xf32, #tpu.memory_space<vmem>>, vector<1x10000x16xf32>
    %get3A_8 = vector.shape_cast %get3A_7 : vector<1x10000x16xf32> to vector<10000x16xf32>
    %add3A = arith.addf %get3A_3, %get3A_8 : vector<10000x16xf32>
    %get3A_9 = arith.constant 0 : index
    %get3A_10 = arith.constant 0 : index
    %get3A_11 = vector.load %arg1[%get3A_9, %get3A_10] : memref<10000x1xf32, #tpu.memory_space<vmem>>, vector<10000x1xf32>
    %mul3A = vector.broadcast %get3A_11 : vector<10000x1xf32> to vector<10000x16xf32>
    %mul3A_12 = arith.mulf %add3A, %mul3A : vector<10000x16xf32>
    %get3A_13 = arith.constant 0 : index
    %get3A_14 = arith.constant 0 : index
    %get3A_15 = vector.load %arg2[%get3A_13, %get3A_14] : memref<1x16xf32, #tpu.memory_space<vmem>>, vector<1x16xf32>
    %add3A_16 = vector.broadcast %get3A_15 : vector<1x16xf32> to vector<10000x16xf32>
    %add3A_17 = arith.addf %mul3A_12, %add3A_16 : vector<10000x16xf32>
    %max3A = arith.constant 0.000000e+00 : f32
    %max3A_18 = vector.broadcast %max3A : f32 to vector<10000x16xf32>
    %max3A_19 = arith.maximumf %add3A_17, %max3A_18 : vector<10000x16xf32>
    %reduce_sum3A = arith.constant dense<0.000000e+00> : vector<16xf32>
    %reduce_sum3A_20 = vector.multi_reduction <add>, %max3A_19, %reduce_sum3A [0] : vector<10000x16xf32> to vector<16xf32>
    %broadcast_in_dim3A = vector.shape_cast %reduce_sum3A_20 : vector<16xf32> to vector<1x16xf32>
    %swap3A = arith.constant 0 : index
    %swap3A_21 = arith.constant 0 : index
    %swap3A_22 = vector.load %arg3[%swap3A, %swap3A_21] : memref<1x16xf32, #tpu.memory_space<vmem>>, vector<1x16xf32>
    tpu.vector_store %arg3[%swap3A, %swap3A_21], %broadcast_in_dim3A {strides = array<i32>} : memref<1x16xf32, #tpu.memory_space<vmem>>, vector<1x16xf32>,
    return
  }
}

</mosaic_0001>

<sc_bundles>
// kernel: kernel.12.cloned.1.call-start
scs
__scs_entry_jumppad:
0x0: {  	(pc) =	sbr.rel $0x88, $3  }
0x1: {  	(tag) =	ssettag $0x0;
	lr =	simm.s32 $0x1  }
0x2: {  	[smem:$0x3F9B] =	sst lr;
	_ =	strace $0xD0000000  }
0x3: {  	_ = 	snop  }
0x4: {  	_ = 	snop  }
0x5: {  	_ = 	snop  }
0x6: {  	_ = 	snop  }
0x7: {  	_ = 	snop  }
__scs_overlays_trampoline_lowered:
0x8: {  	[smem:$0x3FAA] =	sst s0  }
0x9: {  	[smem:$0x3FAB] =	sst s1  }
0xa: {  	[smem:$0x3FAC] =	sst s2  }
0xb: {  	[smem:$0x3FAD] =	sst s3  }
0xc: {  	[smem:$0x3FAE] =	sst s4  }
0xd: {  	[smem:$0x3FAF] =	sst s5  }
0xe: {  	[smem:$0x3FB0] =	sst s6  }
0xf: {  	[smem:$0x3FB1] =	sst s7  }
0x10: {  	[smem:$0x3FB2] =	sst s8  }
0x11: {  	[smem:$0x3FB3] =	sst s9;
	s0 =	simm.s32 @!p0 $0x0  }
0x12: {  	s1 =	sld [smem:$0x3F99];
	s0 =	simm.s32 @p0 $0x1  }
0x13: {  	[smem:$0x3FB4] =	sst s0;
	s0 =	simm.s32 @!p1 $0x0  }
0x14: {  	s2 =	sld [smem:$0x3F98];
	s0 =	simm.s32 @p1 $0x1  }
0x15: {  	[smem:$0x3FB5] =	sst s0;
	s0 =	simm.s32 @!p2 $0x0  }
0x16: {  	s3 =	sld [smem:$0x3FDB];
	s0 =	simm.s32 @p2 $0x1  }
0x17: {  	s4 =	simm.s32 $0x1BF5;
	[smem:$0x3FB7] =	sst s0  }
0x18: {  	s0 =	sld [smem:$0x3F9A];
	_ =	swait.ge [sflag:s4], $0x0  }
0x19: {  	s7 =	sld [smem:$0x3F9B]  }
0x1a: {  	s8 =	sadd.s32 $0xFFFFE003, lr  }
0x1b: {  	s9 =	sadd.s32 $0xFFFFFEF7, lr;
	s5 =	simm.s32 $0xFFFFFFFF;
	p2 =	slt.u32 s8, $0xFFFFF086  }
0x1c: {  	p1 =	slt.u32 s9, $0xF7A;
	s5 =	simm.s32 @!p2 $0x0  }
0x1d: {  	s5 =	simm.s32 @p1 $0x1;
	p0 =	seq.s32 s7, s2  }
0x1e: {  	s7 =	smul.u32 @!p0 $0xF7A, s2;
	p2 =	seq.s32 @!p0 s5, $0x0  }
0x1f: {  	s9 =	smul.u32 $0xF7A, s1;
	s8 =	simm.s32 @!p0 $0x1BF5;
	p2 =	por !p2, p0  }
0x20: {  	[sflag:s8] =	ssyncset.s32 @!p0 $0xFFFFF086;
	s6 =	sadd.s32 @!p0 s3, s7;
	s7 =	simm.s32 @!p0 $0x108  }
0x21: {  	s3 =	sadd.s32 s3, s9;
	s6 =	sadd.s32 @!p0 $0x88, s6;
	s7 =	simm.s32 @p2 $0x1082  }
0x22: {  	[simem:s7], [sflag:s8] =	dma.local @!p0 [hbm:s6], $0xF7A  }
0x23: {  	s9 =	sor.u32 $0xD0000000, s2;
	s6 =	simm.s32 $0x108;
	_ =	swait.ge @!p0 [sflag:s8], $0x0  }
0x24: {  	s3 =	sadd.s32 $0x88, s3;
	s6 =	simm.s32 @!p1 $0x1082;
	[sflag:s4] =	ssyncset.s32 $0xFFFFF086  }
0x25: {  	[simem:s6], [sflag:s4] =	dma.local [hbm:s3], $0xF7A  }
0x26: {  	[smem:$0x3F9B] =	sst s1;
	(tag) =	ssettag s2;
	_ =	strace s9  }
0x27: {  	s1 =	sld [smem:$0x3FAB]  }
0x28: {  	s2 =	sld [smem:$0x3FAC]  }
0x29: {  	s4 =	sld [smem:$0x3FAE]  }
0x2a: {  	p0 =	seq.s32 s5, $0x0;
	s5 =	sld [smem:$0x3FAF]  }
0x2b: {  	s6 =	sld [smem:$0x3FB0]  }
0x2c: {  	s7 =	sld [smem:$0x3FB1]  }
0x2d: {  	s3 =	simm.s32 $0x108;
	s8 =	sld [smem:$0x3FB2]  }
0x2e: {  	s3 =	simm.s32 @!p0 $0x1082;
	s9 =	sld [smem:$0x3FB3]  }
0x2f: {  	lr =	sadd.s32 s0, s3;
	s0 =	sld [smem:$0x3FAA]  }
0x30: {  	s3 =	sld [smem:$0x3FAD]  }
0x31: {  	[smem:$0x3FB6] =	sst s10  }
0x32: {  	s10 =	sld [smem:$0x3FB4];
	_ =	sdelay $0x3  }
0x33: {  	p0 =	seq.s32 s10, $0x1;
	s10 =	sld [smem:$0x3FB6];
	_ =	sdelay $0x3  }
0x34: {  	[smem:$0x3FB6] =	sst s10  }
0x35: {  	s10 =	sld [smem:$0x3FB5];
	_ =	sdelay $0x3  }
0x36: {  	p1 =	seq.s32 s10, $0x1;
	s10 =	sld [smem:$0x3FB6];
	_ =	sdelay $0x3  }
0x37: {  	[smem:$0x3FB6] =	sst s10  }
0x38: {  	s10 =	sld [smem:$0x3FB7]  }
0x39: {  	_ = 	snop;
	(pc) =	sbr.ind lr, $3  }
0x3a: {  	_ = 	snop  }
0x3b: {  	_ = 	snop  }
0x3c: {  	p2 =	seq.s32 s10, $0x1;
	s10 =	sld [smem:$0x3FB6]  }
0x3d: {  	_ =	shalt  }
0x3e: {  	_ =	shalt  }
0x3f: {  	_ =	shalt  }
0x40: {  	_ =	shalt  }
0x41: {  	_ =	shalt  }
0x42: {  	_ =	shalt  }
0x43: {  	_ =	shalt  }
0x44: {  	_ =	shalt  }
0x45: {  	_ =	shalt  }
0x46: {  	_ =	shalt  }
0x47: {  	_ =	shalt  }
0x48: {  	_ =	shalt  }
0x49: {  	_ =	shalt  }
0x4a: {  	_ =	shalt  }
0x4b: {  	_ =	shalt  }
0x4c: {  	_ =	shalt  }
0x4d: {  	_ =	shalt  }
0x4e: {  	_ =	shalt  }
0x4f: {  	_ =	shalt  }
0x50: {  	_ =	shalt  }
0x51: {  	_ =	shalt  }
0x52: {  	_ =	shalt  }
0x53: {  	_ =	shalt  }
0x54: {  	_ =	shalt  }
0x55: {  	_ =	shalt  }
0x56: {  	_ =	shalt  }
0x57: {  	_ =	shalt  }
0x58: {  	_ =	shalt  }
0x59: {  	_ =	shalt  }
0x5a: {  	_ =	shalt  }
0x5b: {  	_ =	shalt  }
0x5c: {  	_ =	shalt  }
0x5d: {  	_ =	shalt  }
0x5e: {  	_ =	shalt  }
0x5f: {  	_ =	shalt  }
0x60: {  	_ =	shalt  }
0x61: {  	_ =	shalt  }
0x62: {  	_ =	shalt  }
0x63: {  	_ =	shalt  }
0x64: {  	_ =	shalt  }
0x65: {  	_ =	shalt  }
0x66: {  	_ =	shalt  }
0x67: {  	_ =	shalt  }
0x68: {  	_ =	shalt  }
0x69: {  	_ =	shalt  }
0x6a: {  	_ =	shalt  }
0x6b: {  	_ =	shalt  }
0x6c: {  	_ =	shalt  }
0x6d: {  	_ =	shalt  }
0x6e: {  	_ =	shalt  }
0x6f: {  	_ =	shalt  }
0x70: {  	_ =	shalt  }
0x71: {  	_ =	shalt  }
0x72: {  	_ =	shalt  }
0x73: {  	_ =	shalt  }
0x74: {  	_ =	shalt  }
0x75: {  	_ =	shalt  }
0x76: {  	_ =	shalt  }
0x77: {  	_ =	shalt  }
0x78: {  	_ =	shalt  }
0x79: {  	_ =	shalt  }
0x7a: {  	_ =	shalt  }
0x7b: {  	_ =	shalt  }
0x7c: {  	_ =	shalt  }
0x7d: {  	_ =	shalt  }
0x7e: {  	_ =	shalt  }
0x7f: {  	_ =	shalt  }
0x80: {  	_ =	shalt  }
0x81: {  	_ =	shalt  }
0x82: {  	_ =	shalt  }
0x83: {  	_ =	shalt  }
0x84: {  	_ =	shalt  }
0x85: {  	_ =	shalt  }
0x86: {  	_ =	shalt  }
0x87: {  	_ =	shalt  }
.Lfunc_end0:
.L_simem_size_0:
called_computation.1_lowered:
.L_overlay_start_0:
0x88: {  	s2 =	sld [smem:$0x3FD9]  }
0x89: {  	s3 =	sld [smem:$0x3FFE];
	_ =	sdelay $0x1  }
0x8a: {  	s1 =	srdreg.scid  }
0x8b: {  	s0 =	sand.u32 $0x1, s1  }
0x8c: {  	s16 =	sshll.u32 s0, $0xA;
	s2 =	sadd.s32 s3, s2  }
0x8d: {  	s2 =	sadd.s32 s2, s16  }
0x8e: {  	[smem:$0x3FC2] =	sst s2  }
0x8f: {  	_ = 	snop  }
0x90: {  	(tm) =	ssettm $0x1  }
0x91: {  	s17 =	sld [smem:$0x3FFB];
	_ =	sdelay $0x3  }
0x92: {  	_ =	strace s17  }
0x93: {  	s2 =	sld [smem:$0x3FFC];
	_ =	sdelay $0x3  }
0x94: {  	_ =	strace s2  }
0x95: {  	s2 =	sld [smem:$0x3FFD];
	_ =	sdelay $0x3  }
0x96: {  	_ =	strace s2  }
0x97: {  	_ =	strace $0x8FFFFFFF  }
0x98: {  	s18 =	sld [smem:$0x3FDB];
	_ =	sdelay $0x1  }
0x99: {  	s19 =	simm.s32 $_scs_section_size  }
0x9a: {  	s4 =	simm.s32 $_size__tile_overlayer_lowered;
	s5 =	simm.s32 $_tile_overlayer_lowered  }
0x9b: {  	s22 =	simm.s32 $0x1BFF;
	s21 =	sshll.u32 s5, $0x1;
	s2 =	sadd.s32 s19, s18  }
0x9c: {  	s6 =	simm.s32 $0x0;
	s20 =	sshll.u32 s4, $0x1;
	s4 =	sadd.s32 s21, s2  }
0x9d: {  	[timem:s6], [sflag:s22] =	dma.local [hbm:s4], s20  }
0x9e: {  	_ =	swait.ge [sflag:s22], s20  }
0x9f: {  	s3 =	ssub.s32 $0x0, s20;
	[sflag:s22] =	ssyncset.done $0x0  }
0xa0: {  	[sflag:s22] =	ssyncadd.s32 s3;
	_ =	sdelay $0x1  }
0xa1: {  	s23 =	simm.s32 $0x1B8B  }
0xa2: {  	_ =	swait.ge [sflag:s23], $0x1  }
0xa3: {  	[sflag:s23] =	ssyncset.done $0x0  }
0xa4: {  	s25 =	simm.s32 $0x1B8E;
	s24 =	sld [smem:$0x3FFE];
	[sflag:s23] =	ssyncadd.s32 $0xFFFFFFFF  }
0xa5: {  	s26 =	simm.s32 $execute0_lowered;
	[smem:$0x3FD2] =	sst s25  }
0xa6: {  	s4 =	sshll.u32 s26, $0x1;
	_ =	strace $0x80000049;
	[dreg:$0x1] =	wrdreg $0xFFFFFFFF  }
0xa7: {  	s28 =	simm.s32 $_size_execute0_lowered;
	s2 =	sadd.s32 s2, s4;
	[dreg:$0x0] =	wrdreg $0x0  }
0xa8: {  	s4 =	sshll.u32 s28, $0x1;
	[dreg:$0x2] =	wrdreg s2  }
0xa9: {  	[dreg:$0x3] =	wrdreg s4  }
0xaa: {  	[dreg:$0x4] =	wrdreg $0xC0  }
0xab: {  	_ =	task [dreg:s6], $0x5FFFF  }
0xac: {  	[dreg:$0x1] =	wrdreg $0xFFFFFFFF  }
0xad: {  	[dreg:$0x0] =	wrdreg $0x60  }
0xae: {  	[dreg:$0x2] =	wrdreg s24  }
0xaf: {  	[dreg:$0x3] =	wrdreg $0x8B000  }
0xb0: {  	[dreg:$0x4] =	wrdreg $0x9  }
0xb1: {  	_ =	task.clear_ibuf [dreg:s6], $0x5FFFF;
	_ =	strace $0x90000049  }
0xb2: {  	s29 =	simm.s32 $0x9;
	_ =	strace $0x8000004B  }
0xb3: {  	_ =	swait.ge [sflag:s29], $0x1  }
0xb4: {  	[sflag:s29] =	ssyncadd.s32 $0xFFFFFFFF  }
0xb5: {  	_ =	strace $0x9000004B  }
0xb6: {  	_ =	sfence  }
0xb7: {  	s30 =	sld [smem:$0x0];
	_ =	sdelay $0x2  }
0xb8: {  	s31 =	sshll.u32 s1, $0xD;
	s1 =	sshrl.u32 s1, $0x2  }
0xb9: {  	s3 =	sand.u32 $0x4000, s31;
	s1 =	sadd.s32 s1, s30  }
0xba: {  	s0 =	sor.u32 s3, s0;
	s1 =	sshll.u32 s1, $0x11  }
0xbb: {  	s0 =	sor.u32 s1, s0  }
0xbc: {  	s0 =	sadd.s32 $0x8F2B, s0  }
0xbd: {  	[sflag:s0] =	ssyncadd.remote.s32 $0x1  }
0xbe: {  	_ =	sfence.sel $0xFFFF  }
0xbf: {  	[dreg:$0x0] =	wrdreg $0xFFFFFFFF;
	(pc) =	sbr.abs _section_cstart, $3  }
0xc0: {  	[dreg:$0x1] =	wrdreg $0xFFFFFFFF  }
0xc1: {  	_ =	task.clear_ibuf [dreg:s6], $0x2FFFF;
	_ =	strace $0x9FFFFFFF  }
0xc2: {  	(tm) =	ssettm $0x7FFFFFFF  }
0xc3: {  	_ =	shalt  }
tec
execute0_lowered:
.L_overlay_start_1:
0x0: {  	(tag) =	ssettag $0x1  }
0x1: {  	s0 =	rddreg [dreg:$0x0]  }
0x2: {  	s1 =	rddreg [dreg:$0x1]  }
0x3: {  	s3 =	simm.s32 $0x0;
	s15 =	stileid.u32;
	s7 =	srdreg.scid  }
0x4: {  	s28 =	simm.s32 $0x180;
	s29 =	simm.s32 $0x1;
	s30 =	simm.s32 $0x300  }
0x5: {  	s31 =	simm.s32 $0x2;
	[smem:$0x7FF] =	sst s3;
	s2 =	smul.u32 $0x13800, s15  }
0x6: {  	s4 =	sadd.s32 $0x1A400, s0;
	s5 =	sadd.s32 $0xB600, s0;
	s8 =	smul.u32 $0x4E000, s15  }
0x7: {  	s6 =	sadd.s32 $0x1800, s0;
	s7 =	sand.u32 $0x1, s7;
	s13 =	smul.u32 $0x2710, s15  }
0x8: {  	s14 =	sadd.s32 $0x68800, s0;
	s25 =	sshll.u32 s15, $0x6;
	p0 =	sne.s32 s15, $0xF  }
0x9: {  	_ =	strace $0x8000004A;
	s10 =	ssub.s32 $0x2, s7;
	s11 =	smul.u32 $0x27100, s7  }
0xa: {  	s7 =	smul.u32 $0x138800, s7;
	s9 =	sshrl.u32 s2, $0x3;
	s12 =	sshrl.u32 s10, $0x1  }
0xb: {  	s8 =	sshrl.u32 s8, $0x2;
	s9 =	sadd.s32 s9, s0;
	s10 =	ssub.s32 s10, s12  }
0xc: {  	s8 =	sadd.s32 s8, s1;
	s11 =	sadd.s32 s13, s11;
	s13 =	sadd.s32 $0x138000, s1  }
0xd: {  	s0 =	sadd.s32 $0x68600, s0;
	s21 =	sadd.s32 s2, s7;
	s22 =	sshrl.u32 s7, $0x3  }
0xe: {  	s2 =	simm.s32 $0x4300;
	s7 =	simm.s32 $0x4;
	[dreg:$0x3] =	wrdreg s8  }
0xf: {  	s12 =	simm.s32 $0x8300;
	s9 =	sadd.s32 $0x41600, s9;
	[dreg:$0x5] =	wrdreg s13  }
0x10: {  	s26 =	sshrl.u32 s11, $0x3;
	[dreg:$0x6] =	wrdreg s0;
	s23 =	sadd.s32 $0x180, s11  }
0x11: {  	s24 =	sadd.s32 s14, s22;
	s13 =	simm.s32 $0x0;
	[dreg:$0x4] =	wrdreg s9  }
0x12: {  	s9 =	sor.u32 $0x1C05, s25;
	s16 =	sadd.s32 s5, s26;
	s17 =	sadd.s32 s6, s26  }
0x13: {  	s18 =	sadd.s32 $0x10, s26;
	s20 =	sadd.s32 $0x4E0, s26;
	[dreg:$0x7] =	wrdreg s16  }
0x14: {  	s25 =	sshrl.u32 s23, $0x3;
	s26 =	smax.u32 s10, $0x1;
	[dreg:$0x8] =	wrdreg s17  }
0x15: {  	s23 =	sadd.s32 $0x100, s11;
	s19 =	sadd.s32 s5, s18;
	[dreg:$0xf] =	wrdreg s26  }
0x16: {  	s10 =	simm.s32 $0x280;
	s0 =	sadd.s32 s6, s18;
	[dreg:$0x9] =	wrdreg s19  }
0x17: {  	s11 =	simm.s32 $0x10;
	s8 =	sadd.s32 s5, s20;
	[dreg:$0xa] =	wrdreg s0  }
0x18: {  	s22 =	sadd.s32 s25, s5;
	[dreg:$0xb] =	wrdreg s8;
	s0 =	sadd.s32 s6, s20  }
0x19: {  	s26 =	simm.s32 $0x100;
	[dreg:$0xc] =	wrdreg s0;
	s0 =	sshrl.u32 s21, $0x3  }
0x1a: {  	s8 =	simm.s32 $0x200;
	s21 =	sadd.s32 s25, s6;
	s0 =	sadd.s32 s14, s0  }
0x1b: {  	s25 =	simm.s32 $0x80;
	[dreg:$0xd] =	wrdreg s0;
	s0 =	sadd.s32 $0x27000, s24  }
0x1c: {  	s24 =	simm.s32 $0x5;
	[dreg:$0xe] =	wrdreg s0;
	s0 =	simm.s32 $0x3  }
.LBB2_1:
0x1d: {  	s14 =	rddreg [dreg:$0x3]  }
0x1e: {  	s15 =	rddreg [dreg:$0x4];
	s14 =	sshrl.u32 s14, $0x3  }
0x1f: {  	[spmem:s14], [sflag:s9] =	dma.local [hbm:s15], $0x2700  }
0x20: {  	_ =	swait.ge [sflag:s24], $0x2700  }
0x21: {  	[sflag:s24] =	ssyncset.done $0x0;
	s15 =	rddreg [dreg:$0x5]  }
0x22: {  	s16 =	rddreg [dreg:$0x6];
	[sflag:s24] =	ssyncadd.s32 $0xFFFFD900;
	s15 =	sshrl.u32 @!p0 s15, $0x3  }
0x23: {  	[spmem:s15], [sflag:s9] =	dma.local @!p0 [hbm:s16], $0x100  }
0x24: {  	s16 =	simm.s32 @!p0 $0x5  }
0x25: {  	_ =	swait.ge @!p0 [sflag:s16], $0x100  }
0x26: {  	[sflag:s16] =	ssyncset.done @!p0 $0x0  }
0x27: {  	[sflag:s16] =	ssyncadd.s32 @!p0 $0xFFFFFF00  }
0x28: {  	[bflag:$0x0] =	sbarrier.arrive $0xFFFF  }
0x29: {  	s19 =	rddreg [dreg:$0x7]  }
0x2a: {  	[tilespmem:s3], [sflag:$0x1] =	stream.linear.gather [hbm4b:s19+s3], $0x80, $0x38;
	[tilespmem:$0x1C380] =	vst v63  }
0x2b: {  	s20 =	rddreg [dreg:$0x8]  }
0x2c: {  	[tilespmem:s25], [sflag:$0x1] =	stream.linear.gather [hbm4b:s20+s3], $0x80, $0x38;
	[tilespmem:$0x1C380] =	vst v63  }
0x2d: {  	s17 =	rddreg [dreg:$0x9]  }
0x2e: {  	[tilespmem:s26], [sflag:$0x2] =	stream.linear.gather [hbm4b:s17+s3], $0x80, $0x38;
	[tilespmem:$0x1C380] =	vst v63  }
0x2f: {  	s18 =	rddreg [dreg:$0xa]  }
0x30: {  	[tilespmem:s28], [sflag:$0x2] =	stream.linear.gather [hbm4b:s18+s3], $0x80, $0x38;
	[tilespmem:$0x1C380] =	vst v63  }
0x31: {  	_ =	swait.ge [sflag:s29], $0x80  }
0x32: {  	[sflag:s29] =	ssyncset.done $0x0  }
0x33: {  	[sflag:s29] =	ssyncadd.s32 $0xFFFFFF80  }
0x34: {  	_ =	swait.ge [sflag:s29], $0x80  }
0x35: {  	[sflag:s29] =	ssyncset.done $0x0  }
0x36: {  	[sflag:s29] =	ssyncadd.s32 $0xFFFFFF80  }
0x37: {  	[tilespmem:s30], [sflag:$0x3] =	stream.indirect.gather [hbm4b:s4+s25], $0x80, s3, s25, $0xb8;
	[tilespmem:$0x1C380] =	vst v63  }
0x38: {  	_ =	swait.ge [sflag:s31], $0x80  }
0x39: {  	[sflag:s31] =	ssyncset.done $0x0  }
0x3a: {  	[sflag:s31] =	ssyncadd.s32 $0xFFFFFF80  }
0x3b: {  	_ =	swait.ge [sflag:s31], $0x80  }
0x3c: {  	[sflag:s31] =	ssyncset.done $0x0  }
0x3d: {  	[sflag:s31] =	ssyncadd.s32 $0xFFFFFF80  }
0x3e: {  	_ =	swait.ge [sflag:s0], $0x4000  }
0x3f: {  	[sflag:s0] =	ssyncset.done $0x0  }
0x40: {  	[sflag:s0] =	ssyncadd.s32 $0xFFFFC000  }
0x41: {  	[tilespmem:s2], [sflag:$0x4] =	stream.indirect.gather [hbm4b:s4+s25], $0x80, s26, s25, $0xb8;
	[tilespmem:$0x1C380] =	vst v63  }
0x42: {  	_ = 	snop  }
0x43: {  	[spmem:s1] =	stream.indirect.scatter.add.f32 [tilespmem:s30], [sflag:$0x5], $0x80, s25, s25, $0xb8;
	[tilespmem:$0x1C380] =	vst v63  }
0x44: {  	_ =	swait.ge [sflag:s24], $0x4000  }
0x45: {  	s19 =	sshrl.u32 s23, $0x3;
	[sflag:s24] =	ssyncset.done $0x0  }
0x46: {  	s17 =	sadd.s32 s5, s19;
	[sflag:s24] =	ssyncadd.s32 $0xFFFFC000  }
0x47: {  	[tilespmem:s3], [sflag:$0x1] =	stream.linear.gather [hbm4b:s17+s3], $0x80, $0x38;
	[tilespmem:$0x1C380] =	vst v63  }
0x48: {  	s16 =	sadd.s32 s6, s19  }
0x49: {  	[tilespmem:s25], [sflag:$0x1] =	stream.linear.gather [hbm4b:s16+s3], $0x80, $0x38;
	[tilespmem:$0x1C380] =	vst v63  }
0x4a: {  	_ =	swait.ge [sflag:s29], $0x80  }
0x4b: {  	[sflag:s29] =	ssyncset.done $0x0  }
0x4c: {  	[sflag:s29] =	ssyncadd.s32 $0xFFFFFF80  }
0x4d: {  	_ =	swait.ge [sflag:s29], $0x80  }
0x4e: {  	[sflag:s29] =	ssyncset.done $0x0  }
0x4f: {  	[sflag:s29] =	ssyncadd.s32 $0xFFFFFF80  }
0x50: {  	_ =	swait.ge [sflag:s7], $0x4000  }
0x51: {  	[sflag:s7] =	ssyncset.done $0x0  }
0x52: {  	[sflag:s7] =	ssyncadd.s32 $0xFFFFC000  }
0x53: {  	[tilespmem:s30], [sflag:$0x3] =	stream.indirect.gather [hbm4b:s4+s25], $0x80, s3, s25, $0xb8;
	[tilespmem:$0x1C380] =	vst v63  }
0x54: {  	_ = 	snop  }
0x55: {  	[spmem:s1] =	stream.indirect.scatter.add.f32 [tilespmem:s2], [sflag:$0x5], $0x80, s28, s25, $0xb8;
	[tilespmem:$0x1C380] =	vst v63  }
0x56: {  	_ =	swait.ge [sflag:s24], $0x4000  }
0x57: {  	s20 =	sadd.s32 $0x0, s22;
	s18 =	sadd.s32 $0x0, s21;
	[sflag:s24] =	ssyncset.done $0x0  }
0x58: {  	s17 =	sadd.s32 $0x100, s23;
	s16 =	simm.s32 $0x20;
	[sflag:s24] =	ssyncadd.s32 $0xFFFFC000  }
0x59: {  	[tilespmem:s26], [sflag:$0x2] =	stream.linear.gather [hbm4b:s20+s3], $0x80, $0x38;
	[tilespmem:$0x1C380] =	vst v63  }
.LBB2_2:
0x5a: {  	[tilespmem:s28], [sflag:$0x2] =	stream.linear.gather [hbm4b:s18+s3], $0x80, $0x38;
	[tilespmem:$0x1C380] =	vst v63  }
0x5b: {  	s18 =	smov.u32 s16  }
0x5c: {  	p1 =	sne.s32 s16, $0x4A0;
	s16 =	sadd.s32 $0x20, s16;
	_ =	swait.ge [sflag:s31], $0x80  }
0x5d: {  	[sflag:s31] =	ssyncset.done $0x0  }
0x5e: {  	[sflag:s31] =	ssyncadd.s32 $0xFFFFFF80  }
0x5f: {  	_ =	swait.ge [sflag:s31], $0x80  }
0x60: {  	[sflag:s31] =	ssyncset.done $0x0  }
0x61: {  	[sflag:s31] =	ssyncadd.s32 $0xFFFFFF80  }
0x62: {  	_ =	swait.ge [sflag:s0], $0x4000  }
0x63: {  	[sflag:s0] =	ssyncset.done $0x0  }
0x64: {  	[sflag:s0] =	ssyncadd.s32 $0xFFFFC000  }
0x65: {  	[tilespmem:s2], [sflag:$0x4] =	stream.indirect.gather [hbm4b:s4+s25], $0x80, s26, s25, $0xb8;
	[tilespmem:$0x1C380] =	vst v63  }
0x66: {  	_ = 	snop  }
0x67: {  	[spmem:s1] =	stream.indirect.scatter.add.f32 [tilespmem:s30], [sflag:$0x5], $0x80, s25, s25, $0xb8;
	[tilespmem:$0x1C380] =	vst v63  }
0x68: {  	_ =	swait.ge [sflag:s24], $0x4000  }
0x69: {  	s19 =	sshrl.u32 s17, $0x3;
	[sflag:s24] =	ssyncset.done $0x0  }
0x6a: {  	s20 =	sadd.s32 s5, s19;
	[sflag:s24] =	ssyncadd.s32 $0xFFFFC000  }
0x6b: {  	[tilespmem:s3], [sflag:$0x1] =	stream.linear.gather [hbm4b:s20+s3], $0x80, $0x38;
	[tilespmem:$0x1C380] =	vst v63  }
0x6c: {  	s19 =	sadd.s32 s6, s19  }
0x6d: {  	[tilespmem:s25], [sflag:$0x1] =	stream.linear.gather [hbm4b:s19+s3], $0x80, $0x38;
	[tilespmem:$0x1C380] =	vst v63  }
0x6e: {  	_ =	swait.ge [sflag:s29], $0x80  }
0x6f: {  	[sflag:s29] =	ssyncset.done $0x0  }
0x70: {  	[sflag:s29] =	ssyncadd.s32 $0xFFFFFF80  }
0x71: {  	_ =	swait.ge [sflag:s29], $0x80  }
0x72: {  	[sflag:s29] =	ssyncset.done $0x0  }
0x73: {  	[sflag:s29] =	ssyncadd.s32 $0xFFFFFF80  }
0x74: {  	_ =	swait.ge [sflag:s7], $0x4000  }
0x75: {  	[sflag:s7] =	ssyncset.done $0x0  }
0x76: {  	[sflag:s7] =	ssyncadd.s32 $0xFFFFC000  }
0x77: {  	[tilespmem:s30], [sflag:$0x3] =	stream.indirect.gather [hbm4b:s4+s25], $0x80, s3, s25, $0xb8;
	[tilespmem:$0x1C380] =	vst v63  }
0x78: {  	_ = 	snop  }
0x79: {  	[spmem:s1] =	stream.indirect.scatter.add.f32 [tilespmem:s2], [sflag:$0x5], $0x80, s28, s25, $0xb8;
	[tilespmem:$0x1C380] =	vst v63  }
.Ltmp0:
0x7a: {  	_ =	swait.ge [sflag:s24], $0x4000;
	(pc) =	sbr.rel @p1 .LBB2_2-.Ltmp0, $4  }
0x7b: {  	[sflag:s24] =	ssyncset.done $0x0  }
0x7c: {  	s19 =	sadd.s32 s18, s22;
	[sflag:s24] =	ssyncadd.s32 $0xFFFFC000  }
0x7d: {  	[tilespmem:s26], [sflag:$0x2] =	stream.linear.gather [hbm4b:s19+s3], $0x80, $0x38;
	[tilespmem:$0x1C380] =	vst v63  }
0x7e: {  	s17 =	sadd.s32 $0x100, s17;
	s18 =	sadd.s32 s18, s21  }
0x7f: {  	[tilespmem:s28], [sflag:$0x2] =	stream.linear.gather [hbm4b:s18+s3], $0x80, $0x38;
	[tilespmem:$0x1C380] =	vst v63  }
0x80: {  	_ =	swait.ge [sflag:s31], $0x80  }
0x81: {  	[sflag:s31] =	ssyncset.done $0x0  }
0x82: {  	[sflag:s31] =	ssyncadd.s32 $0xFFFFFF80  }
0x83: {  	_ =	swait.ge [sflag:s31], $0x80  }
0x84: {  	[sflag:s31] =	ssyncset.done $0x0  }
0x85: {  	[sflag:s31] =	ssyncadd.s32 $0xFFFFFF80  }
0x86: {  	_ =	swait.ge [sflag:s0], $0x4000  }
0x87: {  	[sflag:s0] =	ssyncset.done $0x0  }
0x88: {  	[sflag:s0] =	ssyncadd.s32 $0xFFFFC000  }
0x89: {  	[tilespmem:s2], [sflag:$0x4] =	stream.indirect.gather [hbm4b:s4+s25], $0x80, s26, s25, $0xb8;
	[tilespmem:$0x1C380] =	vst v63  }
0x8a: {  	_ = 	snop  }
0x8b: {  	[spmem:s1] =	stream.indirect.scatter.add.f32 [tilespmem:s30], [sflag:$0x5], $0x80, s25, s25, $0xb8;
	[tilespmem:$0x1C380] =	vst v63  }
0x8c: {  	_ =	swait.ge [sflag:s24], $0x4000  }
0x8d: {  	[sflag:s24] =	ssyncset.done $0x0  }
0x8e: {  	[sflag:s24] =	ssyncadd.s32 $0xFFFFC000  }
0x8f: {  	_ =	swait.ge [sflag:s7], $0x4000  }
0x90: {  	[sflag:s7] =	ssyncset.done $0x0  }
0x91: {  	[sflag:s7] =	ssyncadd.s32 $0xFFFFC000  }
0x92: {  	[spmem:s1] =	stream.indirect.scatter.add.f32 [tilespmem:s2], [sflag:$0x5], $0x80, s28, s25, $0xb8;
	[tilespmem:$0x1C380] =	vst v63  }
0x93: {  	_ =	swait.ge [sflag:s24], $0x4000  }
0x94: {  	[sflag:s24] =	ssyncset.done $0x0  }
0x95: {  	s16 =	rddreg [dreg:$0xb];
	[sflag:s24] =	ssyncadd.s32 $0xFFFFC000  }
0x96: {  	[tilespmem:s8], [sflag:$0x5] =	stream.linear.gather [hbm4b:s16+s3], $0x10, $0x38;
	[tilespmem:$0x1C380] =	vst v63  }
0x97: {  	_ =	swait.ge [sflag:s24], $0x10  }
0x98: {  	[sflag:s24] =	ssyncset.done $0x0  }
0x99: {  	s18 =	rddreg [dreg:$0xc];
	[sflag:s24] =	ssyncadd.s32 $0xFFFFFFF0  }
0x9a: {  	[tilespmem:s10], [sflag:$0x5] =	stream.linear.gather [hbm4b:s18+s3], $0x10, $0x38;
	[tilespmem:$0x1C380] =	vst v63  }
0x9b: {  	_ =	swait.ge [sflag:s24], $0x10  }
0x9c: {  	[sflag:s24] =	ssyncset.done $0x0  }
0x9d: {  	[sflag:s24] =	ssyncadd.s32 $0xFFFFFFF0  }
0x9e: {  	[tilespmem:s12], [sflag:$0x3] =	stream.indirect.gather [hbm4b:s4+s11], $0x80, s8, s11, $0xb8;
	[tilespmem:$0x1C380] =	vst v63  }
0x9f: {  	_ =	swait.ge [sflag:s0], $0x800  }
0xa0: {  	[sflag:s0] =	ssyncset.done $0x0  }
0xa1: {  	[sflag:s0] =	ssyncadd.s32 $0xFFFFF800  }
0xa2: {  	[spmem:s1] =	stream.indirect.scatter.add.f32 [tilespmem:s12], [sflag:$0x5], $0x80, s10, s11, $0xb8;
	[tilespmem:$0x1C380] =	vst v63  }
0xa3: {  	_ =	swait.ge [sflag:s24], $0x800  }
0xa4: {  	[sflag:s24] =	ssyncset.done $0x0  }
0xa5: {  	[sflag:s24] =	ssyncadd.s32 $0xFFFFF800  }
0xa6: {  	[bflag:$0x0] =	sbarrier.arrive $0xFFFF  }
0xa7: {  	s19 =	rddreg [dreg:$0xd]  }
0xa8: {  	[hbm:s19], [sflag:s9] =	dma.local [spmem:s14], $0x2700  }
0xa9: {  	_ =	swait.ge [sflag:s24], $0x2700  }
0xaa: {  	[sflag:s24] =	ssyncset.done $0x0  }
0xab: {  	s14 =	rddreg [dreg:$0xe];
	[sflag:s24] =	ssyncadd.s32 $0xFFFFD900  }
0xac: {  	[hbm:s14], [sflag:s9] =	dma.local @!p0 [spmem:s15], $0x100  }
0xad: {  	s14 =	simm.s32 @!p0 $0x5  }
0xae: {  	_ =	swait.ge @!p0 [sflag:s14], $0x100  }
0xaf: {  	s13 =	sadd.s32 $0x1, s13;
	s20 =	rddreg [dreg:$0xf]  }
0xb0: {  	p1 =	sne.s32 s13, s20  }
.Ltmp1:
0xb1: {  	_ = 	snop;
	(pc) =	sbr.rel @p1 .LBB2_1-.Ltmp1, $3  }
0xb2: {  	_ =	sdelay $0x1  }
0xb3: {  	[sflag:s14] =	ssyncset.done @!p0 $0x0  }
0xb4: {  	[sflag:s14] =	ssyncadd.s32 @!p0 $0xFFFFFF00  }
0xb5: {  	_ =	sfence.sel $0x180000  }
0xb6: {  	[bflag:$0x0] =	sbarrier.arrive $0xFFFF  }
0xb7: {  	_ =	strace $0x9000004A  }
0xb8: {  	s0 =	stileid.u32;
	[bflag:$0x2] =	sbarrier.arrive $0xFFFF  }
0xb9: {  	p0 =	sne.s32 s0, $0x0;
	s0 =	rddreg [dreg:$0x2]  }
0xba: {  	s0 =	sadd.s32 @!p0 $0x100000, s0  }
0xbb: {  	[sflag:s0] =	ssyncadd.tile.s32 @!p0 $0x1;
	_ =	shalt  }
.Lfunc_end2:
_tile_overlayer_lowered:
.L_overlay_start_2:
0xbc: {  	(tag) =	ssettag $0x2  }
0xbd: {  	s0 =	rddreg [dreg:$0x0];
	s2 =	stileid.u32  }
0xbe: {  	s1 =	rddreg [dreg:$0x1];
	p0 =	sne.s32 s2, $0x0  }
0xbf: {  	s3 =	rddreg [dreg:$0x2];
	[bflag:$0x3] =	sbarrier.arrive $0xFFFF;
	s2 =	simm.s32 @!p0 $0x1C05  }
0xc0: {  	[timem:s3], [sflag:s2] =	dma.local @!p0 [hbm:s0], s1  }
0xc1: {  	s0 =	simm.s32 @!p0 $0x5  }
0xc2: {  	_ =	swait.ge @!p0 [sflag:s0], s1  }
0xc3: {  	s1 =	ssub.s32 @!p0 $0x0, s1;
	[sflag:s0] =	ssyncset.done @!p0 $0x0  }
0xc4: {  	[sflag:s0] =	ssyncadd.s32 @!p0 s1  }
0xc5: {  	[bflag:$0x3] =	sbarrier.arrive $0xFFFF  }
0xc6: {  	_ =	shalt  }

// kernel: kernel.15.cloned.1.call-start
scs
__scs_entry_jumppad:
0x0: {  	(pc) =	sbr.rel $0x88, $3  }
0x1: {  	(tag) =	ssettag $0x0;
	lr =	simm.s32 $0x1  }
0x2: {  	[smem:$0x3F9B] =	sst lr;
	_ =	strace $0xD0000000  }
0x3: {  	_ = 	snop  }
0x4: {  	_ = 	snop  }
0x5: {  	_ = 	snop  }
0x6: {  	_ = 	snop  }
0x7: {  	_ = 	snop  }
__scs_overlays_trampoline_lowered:
0x8: {  	[smem:$0x3FAA] =	sst s0  }
0x9: {  	[smem:$0x3FAB] =	sst s1  }
0xa: {  	[smem:$0x3FAC] =	sst s2  }
0xb: {  	[smem:$0x3FAD] =	sst s3  }
0xc: {  	[smem:$0x3FAE] =	sst s4  }
0xd: {  	[smem:$0x3FAF] =	sst s5  }
0xe: {  	[smem:$0x3FB0] =	sst s6  }
0xf: {  	[smem:$0x3FB1] =	sst s7  }
0x10: {  	[smem:$0x3FB2] =	sst s8  }
0x11: {  	[smem:$0x3FB3] =	sst s9;
	s0 =	simm.s32 @!p0 $0x0  }
0x12: {  	s1 =	sld [smem:$0x3F99];
	s0 =	simm.s32 @p0 $0x1  }
0x13: {  	[smem:$0x3FB4] =	sst s0;
	s0 =	simm.s32 @!p1 $0x0  }
0x14: {  	s2 =	sld [smem:$0x3F98];
	s0 =	simm.s32 @p1 $0x1  }
0x15: {  	[smem:$0x3FB5] =	sst s0;
	s0 =	simm.s32 @!p2 $0x0  }
0x16: {  	s3 =	sld [smem:$0x3FDB];
	s0 =	simm.s32 @p2 $0x1  }
0x17: {  	s4 =	simm.s32 $0x1BF5;
	[smem:$0x3FB7] =	sst s0  }
0x18: {  	s0 =	sld [smem:$0x3F9A];
	_ =	swait.ge [sflag:s4], $0x0  }
0x19: {  	s7 =	sld [smem:$0x3F9B]  }
0x1a: {  	s8 =	sadd.s32 $0xFFFFE003, lr  }
0x1b: {  	s9 =	sadd.s32 $0xFFFFFEF7, lr;
	s5 =	simm.s32 $0xFFFFFFFF;
	p2 =	slt.u32 s8, $0xFFFFF086  }
0x1c: {  	p1 =	slt.u32 s9, $0xF7A;
	s5 =	simm.s32 @!p2 $0x0  }
0x1d: {  	s5 =	simm.s32 @p1 $0x1;
	p0 =	seq.s32 s7, s2  }
0x1e: {  	s7 =	smul.u32 @!p0 $0xF7A, s2;
	p2 =	seq.s32 @!p0 s5, $0x0  }
0x1f: {  	s9 =	smul.u32 $0xF7A, s1;
	s8 =	simm.s32 @!p0 $0x1BF5;
	p2 =	por !p2, p0  }
0x20: {  	[sflag:s8] =	ssyncset.s32 @!p0 $0xFFFFF086;
	s6 =	sadd.s32 @!p0 s3, s7;
	s7 =	simm.s32 @!p0 $0x108  }
0x21: {  	s3 =	sadd.s32 s3, s9;
	s6 =	sadd.s32 @!p0 $0x88, s6;
	s7 =	simm.s32 @p2 $0x1082  }
0x22: {  	[simem:s7], [sflag:s8] =	dma.local @!p0 [hbm:s6], $0xF7A  }
0x23: {  	s9 =	sor.u32 $0xD0000000, s2;
	s6 =	simm.s32 $0x108;
	_ =	swait.ge @!p0 [sflag:s8], $0x0  }
0x24: {  	s3 =	sadd.s32 $0x88, s3;
	s6 =	simm.s32 @!p1 $0x1082;
	[sflag:s4] =	ssyncset.s32 $0xFFFFF086  }
0x25: {  	[simem:s6], [sflag:s4] =	dma.local [hbm:s3], $0xF7A  }
0x26: {  	[smem:$0x3F9B] =	sst s1;
	(tag) =	ssettag s2;
	_ =	strace s9  }
0x27: {  	s1 =	sld [smem:$0x3FAB]  }
0x28: {  	s2 =	sld [smem:$0x3FAC]  }
0x29: {  	s4 =	sld [smem:$0x3FAE]  }
0x2a: {  	p0 =	seq.s32 s5, $0x0;
	s5 =	sld [smem:$0x3FAF]  }
0x2b: {  	s6 =	sld [smem:$0x3FB0]  }
0x2c: {  	s7 =	sld [smem:$0x3FB1]  }
0x2d: {  	s3 =	simm.s32 $0x108;
	s8 =	sld [smem:$0x3FB2]  }
0x2e: {  	s3 =	simm.s32 @!p0 $0x1082;
	s9 =	sld [smem:$0x3FB3]  }
0x2f: {  	lr =	sadd.s32 s0, s3;
	s0 =	sld [smem:$0x3FAA]  }
0x30: {  	s3 =	sld [smem:$0x3FAD]  }
0x31: {  	[smem:$0x3FB6] =	sst s10  }
0x32: {  	s10 =	sld [smem:$0x3FB4];
	_ =	sdelay $0x3  }
0x33: {  	p0 =	seq.s32 s10, $0x1;
	s10 =	sld [smem:$0x3FB6];
	_ =	sdelay $0x3  }
0x34: {  	[smem:$0x3FB6] =	sst s10  }
0x35: {  	s10 =	sld [smem:$0x3FB5];
	_ =	sdelay $0x3  }
0x36: {  	p1 =	seq.s32 s10, $0x1;
	s10 =	sld [smem:$0x3FB6];
	_ =	sdelay $0x3  }
0x37: {  	[smem:$0x3FB6] =	sst s10  }
0x38: {  	s10 =	sld [smem:$0x3FB7]  }
0x39: {  	_ = 	snop;
	(pc) =	sbr.ind lr, $3  }
0x3a: {  	_ = 	snop  }
0x3b: {  	_ = 	snop  }
0x3c: {  	p2 =	seq.s32 s10, $0x1;
	s10 =	sld [smem:$0x3FB6]  }
0x3d: {  	_ =	shalt  }
0x3e: {  	_ =	shalt  }
0x3f: {  	_ =	shalt  }
0x40: {  	_ =	shalt  }
0x41: {  	_ =	shalt  }
0x42: {  	_ =	shalt  }
0x43: {  	_ =	shalt  }
0x44: {  	_ =	shalt  }
0x45: {  	_ =	shalt  }
0x46: {  	_ =	shalt  }
0x47: {  	_ =	shalt  }
0x48: {  	_ =	shalt  }
0x49: {  	_ =	shalt  }
0x4a: {  	_ =	shalt  }
0x4b: {  	_ =	shalt  }
0x4c: {  	_ =	shalt  }
0x4d: {  	_ =	shalt  }
0x4e: {  	_ =	shalt  }
0x4f: {  	_ =	shalt  }
0x50: {  	_ =	shalt  }
0x51: {  	_ =	shalt  }
0x52: {  	_ =	shalt  }
0x53: {  	_ =	shalt  }
0x54: {  	_ =	shalt  }
0x55: {  	_ =	shalt  }
0x56: {  	_ =	shalt  }
0x57: {  	_ =	shalt  }
0x58: {  	_ =	shalt  }
0x59: {  	_ =	shalt  }
0x5a: {  	_ =	shalt  }
0x5b: {  	_ =	shalt  }
0x5c: {  	_ =	shalt  }
0x5d: {  	_ =	shalt  }
0x5e: {  	_ =	shalt  }
0x5f: {  	_ =	shalt  }
0x60: {  	_ =	shalt  }
0x61: {  	_ =	shalt  }
0x62: {  	_ =	shalt  }
0x63: {  	_ =	shalt  }
0x64: {  	_ =	shalt  }
0x65: {  	_ =	shalt  }
0x66: {  	_ =	shalt  }
0x67: {  	_ =	shalt  }
0x68: {  	_ =	shalt  }
0x69: {  	_ =	shalt  }
0x6a: {  	_ =	shalt  }
0x6b: {  	_ =	shalt  }
0x6c: {  	_ =	shalt  }
0x6d: {  	_ =	shalt  }
0x6e: {  	_ =	shalt  }
0x6f: {  	_ =	shalt  }
0x70: {  	_ =	shalt  }
0x71: {  	_ =	shalt  }
0x72: {  	_ =	shalt  }
0x73: {  	_ =	shalt  }
0x74: {  	_ =	shalt  }
0x75: {  	_ =	shalt  }
0x76: {  	_ =	shalt  }
0x77: {  	_ =	shalt  }
0x78: {  	_ =	shalt  }
0x79: {  	_ =	shalt  }
0x7a: {  	_ =	shalt  }
0x7b: {  	_ =	shalt  }
0x7c: {  	_ =	shalt  }
0x7d: {  	_ =	shalt  }
0x7e: {  	_ =	shalt  }
0x7f: {  	_ =	shalt  }
0x80: {  	_ =	shalt  }
0x81: {  	_ =	shalt  }
0x82: {  	_ =	shalt  }
0x83: {  	_ =	shalt  }
0x84: {  	_ =	shalt  }
0x85: {  	_ =	shalt  }
0x86: {  	_ =	shalt  }
0x87: {  	_ =	shalt  }
.Lfunc_end0:
.L_simem_size_0:
called_computation.2_lowered:
.L_overlay_start_0:
0x88: {  	s2 =	sld [smem:$0x3FD9]  }
0x89: {  	s3 =	sld [smem:$0x3FFE];
	_ =	sdelay $0x1  }
0x8a: {  	s1 =	srdreg.scid  }
0x8b: {  	s0 =	sand.u32 $0x1, s1  }
0x8c: {  	s16 =	sshll.u32 s0, $0xA;
	s2 =	sadd.s32 s3, s2  }
0x8d: {  	s2 =	sadd.s32 s2, s16  }
0x8e: {  	[smem:$0x3FC2] =	sst s2  }
0x8f: {  	_ = 	snop  }
0x90: {  	(tm) =	ssettm $0x1  }
0x91: {  	s17 =	sld [smem:$0x3FFB];
	_ =	sdelay $0x3  }
0x92: {  	_ =	strace s17  }
0x93: {  	s2 =	sld [smem:$0x3FFC];
	_ =	sdelay $0x3  }
0x94: {  	_ =	strace s2  }
0x95: {  	s2 =	sld [smem:$0x3FFD];
	_ =	sdelay $0x3  }
0x96: {  	_ =	strace s2  }
0x97: {  	_ =	strace $0x8FFFFFFF  }
0x98: {  	s18 =	sld [smem:$0x3FDB];
	_ =	sdelay $0x1  }
0x99: {  	s19 =	simm.s32 $_scs_section_size  }
0x9a: {  	s4 =	simm.s32 $_size__tile_overlayer_lowered;
	s5 =	simm.s32 $_tile_overlayer_lowered  }
0x9b: {  	s22 =	simm.s32 $0x1BFF;
	s21 =	sshll.u32 s5, $0x1;
	s2 =	sadd.s32 s19, s18  }
0x9c: {  	s6 =	simm.s32 $0x0;
	s20 =	sshll.u32 s4, $0x1;
	s4 =	sadd.s32 s21, s2  }
0x9d: {  	[timem:s6], [sflag:s22] =	dma.local [hbm:s4], s20  }
0x9e: {  	_ =	swait.ge [sflag:s22], s20  }
0x9f: {  	s3 =	ssub.s32 $0x0, s20;
	[sflag:s22] =	ssyncset.done $0x0  }
0xa0: {  	[sflag:s22] =	ssyncadd.s32 s3;
	_ =	sdelay $0x1  }
0xa1: {  	s23 =	simm.s32 $0x1B8B  }
0xa2: {  	_ =	swait.ge [sflag:s23], $0x1  }
0xa3: {  	[sflag:s23] =	ssyncset.done $0x0  }
0xa4: {  	s25 =	simm.s32 $0x1B8E;
	s24 =	sld [smem:$0x3FFE];
	[sflag:s23] =	ssyncadd.s32 $0xFFFFFFFF  }
0xa5: {  	s26 =	simm.s32 $execute0_lowered;
	[smem:$0x3FD2] =	sst s25  }
0xa6: {  	s4 =	sshll.u32 s26, $0x1;
	_ =	strace $0x8000004C;
	[dreg:$0x1] =	wrdreg $0xFFFFFFFF  }
0xa7: {  	s28 =	simm.s32 $_size_execute0_lowered;
	s2 =	sadd.s32 s2, s4;
	[dreg:$0x0] =	wrdreg $0x0  }
0xa8: {  	s4 =	sshll.u32 s28, $0x1;
	[dreg:$0x2] =	wrdreg s2  }
0xa9: {  	[dreg:$0x3] =	wrdreg s4  }
0xaa: {  	[dreg:$0x4] =	wrdreg $0xC0  }
0xab: {  	_ =	task [dreg:s6], $0x5FFFF  }
0xac: {  	[dreg:$0x1] =	wrdreg $0xFFFFFFFF  }
0xad: {  	[dreg:$0x0] =	wrdreg $0x60  }
0xae: {  	[dreg:$0x2] =	wrdreg s24  }
0xaf: {  	[dreg:$0x3] =	wrdreg $0x13200  }
0xb0: {  	[dreg:$0x4] =	wrdreg $0x3A300  }
0xb1: {  	[dreg:$0x5] =	wrdreg $0x9  }
0xb2: {  	_ =	task.clear_ibuf [dreg:s6], $0x6FFFF;
	_ =	strace $0x9000004C  }
0xb3: {  	s29 =	simm.s32 $0x9;
	_ =	strace $0x8000004E  }
0xb4: {  	_ =	swait.ge [sflag:s29], $0x1  }
0xb5: {  	[sflag:s29] =	ssyncadd.s32 $0xFFFFFFFF  }
0xb6: {  	_ =	strace $0x9000004E  }
0xb7: {  	_ =	sfence  }
0xb8: {  	s30 =	sld [smem:$0x0];
	_ =	sdelay $0x2  }
0xb9: {  	s31 =	sshll.u32 s1, $0xD;
	s1 =	sshrl.u32 s1, $0x2  }
0xba: {  	s3 =	sand.u32 $0x4000, s31;
	s1 =	sadd.s32 s1, s30  }
0xbb: {  	s0 =	sor.u32 s3, s0;
	s1 =	sshll.u32 s1, $0x11  }
0xbc: {  	s0 =	sor.u32 s1, s0  }
0xbd: {  	s0 =	sadd.s32 $0x8F2B, s0  }
0xbe: {  	[sflag:s0] =	ssyncadd.remote.s32 $0x1  }
0xbf: {  	_ =	sfence.sel $0xFFFF  }
0xc0: {  	[dreg:$0x0] =	wrdreg $0xFFFFFFFF;
	(pc) =	sbr.abs _section_cstart, $3  }
0xc1: {  	[dreg:$0x1] =	wrdreg $0xFFFFFFFF  }
0xc2: {  	_ =	task.clear_ibuf [dreg:s6], $0x2FFFF;
	_ =	strace $0x9FFFFFFF  }
0xc3: {  	(tm) =	ssettm $0x7FFFFFFF  }
tec
execute0_lowered:
.L_overlay_start_1:
0x0: {  	(tag) =	ssettag $0x1  }
0x1: {  	s0 =	rddreg [dreg:$0x0]  }
0x2: {  	s2 =	rddreg [dreg:$0x1]  }
0x3: {  	s3 =	rddreg [dreg:$0x2]  }
0x4: {  	s4 =	simm.s32 $0x0;
	s14 =	stileid.u32;
	s7 =	srdreg.scid  }
0x5: {  	s29 =	simm.s32 $0x5;
	s30 =	simm.s32 $0x80;
	s31 =	simm.s32 $0x100  }
0x6: {  	[smem:$0x7FF] =	sst s4;
	s1 =	smul.u32 $0x2700, s14;
	s5 =	sadd.s32 $0xB600, s0  }
0x7: {  	s6 =	sadd.s32 $0x1800, s0;
	s7 =	sand.u32 $0x1, s7;
	s10 =	sadd.s32 $0x1F400, s0  }
0x8: {  	s12 =	smul.u32 $0x2710, s14;
	s23 =	sshll.u32 s14, $0x6;
	s26 =	sadd.s32 $0x1F200, s0  }
0x9: {  	p0 =	sne.s32 s14, $0xF;
	s14 =	simm.s32 $0x210;
	_ =	strace $0x8000004D  }
0xa: {  	s22 =	ssub.s32 $0x2, s7;
	s7 =	smul.u32 $0x27100, s7;
	[dreg:$0x7] =	wrdreg s26  }
0xb: {  	s8 =	sshrl.u32 s1, $0x3;
	s11 =	sshrl.u32 s22, $0x1;
	s13 =	sadd.s32 s1, s2  }
0xc: {  	s24 =	sadd.s32 s1, s3;
	s9 =	sadd.s32 s8, s0;
	s11 =	ssub.s32 s22, s11  }
0xd: {  	s8 =	sor.u32 $0x1C05, s23;
	s12 =	sadd.s32 s12, s7;
	[dreg:$0x5] =	wrdreg s24  }
0xe: {  	s0 =	sadd.s32 $0x1A200, s0;
	s20 =	sadd.s32 s1, s7;
	s21 =	sshrl.u32 s7, $0x3  }
0xf: {  	s26 =	sshrl.u32 s13, $0x3;
	s7 =	simm.s32 $0x220;
	[dreg:$0x8] =	wrdreg s0  }
0x10: {  	s13 =	simm.s32 $0x200;
	s15 =	sadd.s32 $0x1A400, s9;
	[dreg:$0x12] =	wrdreg s26  }
0x11: {  	s9 =	sadd.s32 $0x15400, s9;
	s25 =	sshrl.u32 s12, $0x3;
	[dreg:$0x4] =	wrdreg s15  }
0x12: {  	s1 =	sadd.s32 s10, s21;
	s22 =	sadd.s32 $0x180, s12;
	[dreg:$0x6] =	wrdreg s9  }
0x13: {  	s28 =	sadd.s32 s5, s25;
	s15 =	sadd.s32 s6, s25;
	s16 =	sadd.s32 $0x10, s25  }
0x14: {  	s9 =	sadd.s32 $0x4E0, s25;
	s23 =	sadd.s32 $0x4E00, s1;
	s24 =	sshrl.u32 s22, $0x3  }
0x15: {  	s25 =	smax.u32 s11, $0x1;
	s1 =	simm.s32 $0x1;
	[dreg:$0x9] =	wrdreg s28  }
0x16: {  	s11 =	simm.s32 $0xA20;
	[dreg:$0xa] =	wrdreg s15;
	s17 =	sadd.s32 s5, s16  }
0x17: {  	s0 =	sadd.s32 s6, s16;
	s18 =	sadd.s32 s5, s9;
	[dreg:$0x10] =	wrdreg s23  }
0x18: {  	s19 =	sadd.s32 s6, s9;
	[dreg:$0x11] =	wrdreg s25;
	s22 =	sadd.s32 s24, s6  }
0x19: {  	s23 =	sadd.s32 s24, s5;
	s24 =	sadd.s32 $0x100, s12;
	[dreg:$0xb] =	wrdreg s17  }
0x1a: {  	s28 =	sadd.s32 $0x27000, s3;
	s9 =	simm.s32 $0x2;
	[dreg:$0xc] =	wrdreg s0  }
0x1b: {  	s12 =	simm.s32 $0x4;
	[dreg:$0xd] =	wrdreg s18;
	s0 =	sshrl.u32 s20, $0x3  }
0x1c: {  	s15 =	simm.s32 $0x10;
	[dreg:$0xe] =	wrdreg s19;
	s0 =	sadd.s32 s10, s0  }
0x1d: {  	s16 =	simm.s32 $0x1220;
	[dreg:$0xf] =	wrdreg s0;
	s0 =	sadd.s32 $0x27000, s2  }
0x1e: {  	[dreg:$0x14] =	wrdreg s28;
	s17 =	simm.s32 $0x0;
	s0 =	sshrl.u32 @!p0 s0, $0x3  }
0x1f: {  	s10 =	simm.s32 $0x3;
	[dreg:$0x13] =	wrdreg s0;
	s0 =	simm.s32 $0x180  }
.LBB2_1:
0x20: {  	s18 =	rddreg [dreg:$0x4]  }
0x21: {  	s19 =	rddreg [dreg:$0x12]  }
0x22: {  	[spmem:s19], [sflag:s8] =	dma.local [hbm:s18], $0x4E0  }
0x23: {  	_ =	swait.ge [sflag:s29], $0x4E0  }
0x24: {  	[sflag:s29] =	ssyncset.done $0x0;
	s20 =	rddreg [dreg:$0x5]  }
0x25: {  	s21 =	rddreg [dreg:$0x6];
	[sflag:s29] =	ssyncadd.s32 $0xFFFFFB20;
	s18 =	sshrl.u32 s20, $0x3  }
0x26: {  	[spmem:s18], [sflag:s8] =	dma.local [hbm:s21], $0x4E0  }
0x27: {  	_ =	swait.ge [sflag:s29], $0x4E0  }
0x28: {  	[sflag:s29] =	ssyncset.done $0x0;
	s19 =	rddreg [dreg:$0x7]  }
0x29: {  	s20 =	rddreg [dreg:$0x13];
	[sflag:s29] =	ssyncadd.s32 $0xFFFFFB20  }
0x2a: {  	[spmem:s20], [sflag:s8] =	dma.local @!p0 [hbm:s19], $0x20  }
0x2b: {  	s20 =	simm.s32 @!p0 $0x5  }
0x2c: {  	_ =	swait.ge @!p0 [sflag:s20], $0x20  }
0x2d: {  	[sflag:s20] =	ssyncset.done @!p0 $0x0;
	s19 =	rddreg [dreg:$0x14]  }
0x2e: {  	s21 =	rddreg [dreg:$0x8];
	[sflag:s20] =	ssyncadd.s32 @!p0 $0xFFFFFFE0;
	s19 =	sshrl.u32 @!p0 s19, $0x3  }
0x2f: {  	[spmem:s19], [sflag:s8] =	dma.local @!p0 [hbm:s21], $0x20  }
0x30: {  	_ =	swait.ge @!p0 [sflag:s20], $0x20  }
0x31: {  	[sflag:s20] =	ssyncset.done @!p0 $0x0  }
0x32: {  	[sflag:s20] =	ssyncadd.s32 @!p0 $0xFFFFFFE0  }
0x33: {  	[bflag:$0x0] =	sbarrier.arrive $0xFFFF  }
0x34: {  	s25 =	rddreg [dreg:$0x9]  }
0x35: {  	[tilespmem:s4], [sflag:$0x1] =	stream.linear.gather [hbm4b:s25+s4], $0x80, $0x38;
	[tilespmem:$0x6140] =	vst v63  }
0x36: {  	s26 =	rddreg [dreg:$0xa]  }
0x37: {  	[tilespmem:s30], [sflag:$0x1] =	stream.linear.gather [hbm4b:s26+s4], $0x80, $0x38;
	[tilespmem:$0x6140] =	vst v63  }
0x38: {  	s28 =	rddreg [dreg:$0xb]  }
0x39: {  	[tilespmem:s31], [sflag:$0x2] =	stream.linear.gather [hbm4b:s28+s4], $0x80, $0x38;
	[tilespmem:$0x6140] =	vst v63  }
0x3a: {  	s21 =	rddreg [dreg:$0xc]  }
0x3b: {  	[tilespmem:s0], [sflag:$0x2] =	stream.linear.gather [hbm4b:s21+s4], $0x80, $0x38;
	[tilespmem:$0x6140] =	vst v63  }
0x3c: {  	_ =	swait.ge [sflag:s1], $0x80  }
0x3d: {  	[sflag:s1] =	ssyncset.done $0x0  }
0x3e: {  	[sflag:s1] =	ssyncadd.s32 $0xFFFFFF80  }
0x3f: {  	_ =	swait.ge [sflag:s1], $0x80  }
0x40: {  	[sflag:s1] =	ssyncset.done $0x0  }
0x41: {  	[sflag:s1] =	ssyncadd.s32 $0xFFFFFF80  }
0x42: {  	[tilespmem:s7], [sflag:$0x3] =	stream.indirect.gather [spmem:s2], $0x10, s4, s30, $0xb8;
	[tilespmem:$0x6140] =	vst v63  }
0x43: {  	_ =	swait.ge [sflag:s9], $0x80  }
0x44: {  	[sflag:s9] =	ssyncset.done $0x0  }
0x45: {  	[sflag:s9] =	ssyncadd.s32 $0xFFFFFF80  }
0x46: {  	_ =	swait.ge [sflag:s9], $0x80  }
0x47: {  	[sflag:s9] =	ssyncset.done $0x0  }
0x48: {  	[sflag:s9] =	ssyncadd.s32 $0xFFFFFF80  }
0x49: {  	_ =	swait.ge [sflag:s10], $0x800  }
0x4a: {  	[sflag:s10] =	ssyncset.done $0x0  }
0x4b: {  	[sflag:s10] =	ssyncadd.s32 $0xFFFFF800  }
0x4c: {  	[tilespmem:s11], [sflag:$0x4] =	stream.indirect.gather [spmem:s2], $0x10, s31, s30, $0xb8;
	[tilespmem:$0x6140] =	vst v63  }
0x4d: {  	_ = 	snop  }
0x4e: {  	[spmem:s3] =	stream.indirect.scatter.add.f32 [tilespmem:s7], [sflag:$0x5], $0x10, s30, s30, $0xb8;
	[tilespmem:$0x6140] =	vst v63  }
0x4f: {  	_ =	swait.ge [sflag:s29], $0x800  }
0x50: {  	s25 =	sshrl.u32 s24, $0x3;
	[sflag:s29] =	ssyncset.done $0x0  }
0x51: {  	s26 =	sadd.s32 s5, s25;
	[sflag:s29] =	ssyncadd.s32 $0xFFFFF800  }
0x52: {  	[tilespmem:s4], [sflag:$0x1] =	stream.linear.gather [hbm4b:s26+s4], $0x80, $0x38;
	[tilespmem:$0x6140] =	vst v63  }
0x53: {  	s20 =	sadd.s32 s6, s25  }
0x54: {  	[tilespmem:s30], [sflag:$0x1] =	stream.linear.gather [hbm4b:s20+s4], $0x80, $0x38;
	[tilespmem:$0x6140] =	vst v63  }
0x55: {  	_ =	swait.ge [sflag:s1], $0x80  }
0x56: {  	[sflag:s1] =	ssyncset.done $0x0  }
0x57: {  	[sflag:s1] =	ssyncadd.s32 $0xFFFFFF80  }
0x58: {  	_ =	swait.ge [sflag:s1], $0x80  }
0x59: {  	[sflag:s1] =	ssyncset.done $0x0  }
0x5a: {  	[sflag:s1] =	ssyncadd.s32 $0xFFFFFF80  }
0x5b: {  	_ =	swait.ge [sflag:s12], $0x800  }
0x5c: {  	[sflag:s12] =	ssyncset.done $0x0  }
0x5d: {  	[sflag:s12] =	ssyncadd.s32 $0xFFFFF800  }
0x5e: {  	[tilespmem:s7], [sflag:$0x3] =	stream.indirect.gather [spmem:s2], $0x10, s4, s30, $0xb8;
	[tilespmem:$0x6140] =	vst v63  }
0x5f: {  	_ = 	snop  }
0x60: {  	[spmem:s3] =	stream.indirect.scatter.add.f32 [tilespmem:s11], [sflag:$0x5], $0x10, s0, s30, $0xb8;
	[tilespmem:$0x6140] =	vst v63  }
0x61: {  	_ =	swait.ge [sflag:s29], $0x800  }
0x62: {  	s25 =	sadd.s32 $0x0, s22;
	s28 =	sadd.s32 $0x0, s23;
	[sflag:s29] =	ssyncset.done $0x0  }
0x63: {  	s21 =	sadd.s32 $0x100, s24;
	s20 =	simm.s32 $0x20;
	[sflag:s29] =	ssyncadd.s32 $0xFFFFF800  }
0x64: {  	[tilespmem:s31], [sflag:$0x2] =	stream.linear.gather [hbm4b:s28+s4], $0x80, $0x38;
	[tilespmem:$0x6140] =	vst v63  }
.LBB2_2:
0x65: {  	[tilespmem:s0], [sflag:$0x2] =	stream.linear.gather [hbm4b:s25+s4], $0x80, $0x38;
	[tilespmem:$0x6140] =	vst v63  }
0x66: {  	s25 =	smov.u32 s20  }
0x67: {  	p1 =	sne.s32 s20, $0x4A0;
	s20 =	sadd.s32 $0x20, s20;
	_ =	swait.ge [sflag:s9], $0x80  }
0x68: {  	[sflag:s9] =	ssyncset.done $0x0  }
0x69: {  	[sflag:s9] =	ssyncadd.s32 $0xFFFFFF80  }
0x6a: {  	_ =	swait.ge [sflag:s9], $0x80  }
0x6b: {  	[sflag:s9] =	ssyncset.done $0x0  }
0x6c: {  	[sflag:s9] =	ssyncadd.s32 $0xFFFFFF80  }
0x6d: {  	_ =	swait.ge [sflag:s10], $0x800  }
0x6e: {  	[sflag:s10] =	ssyncset.done $0x0  }
0x6f: {  	[sflag:s10] =	ssyncadd.s32 $0xFFFFF800  }
0x70: {  	[tilespmem:s11], [sflag:$0x4] =	stream.indirect.gather [spmem:s2], $0x10, s31, s30, $0xb8;
	[tilespmem:$0x6140] =	vst v63  }
0x71: {  	_ = 	snop  }
0x72: {  	[spmem:s3] =	stream.indirect.scatter.add.f32 [tilespmem:s7], [sflag:$0x5], $0x10, s30, s30, $0xb8;
	[tilespmem:$0x6140] =	vst v63  }
0x73: {  	_ =	swait.ge [sflag:s29], $0x800  }
0x74: {  	s26 =	sshrl.u32 s21, $0x3;
	[sflag:s29] =	ssyncset.done $0x0  }
0x75: {  	s28 =	sadd.s32 s5, s26;
	[sflag:s29] =	ssyncadd.s32 $0xFFFFF800  }
0x76: {  	[tilespmem:s4], [sflag:$0x1] =	stream.linear.gather [hbm4b:s28+s4], $0x80, $0x38;
	[tilespmem:$0x6140] =	vst v63  }
0x77: {  	s26 =	sadd.s32 s6, s26  }
0x78: {  	[tilespmem:s30], [sflag:$0x1] =	stream.linear.gather [hbm4b:s26+s4], $0x80, $0x38;
	[tilespmem:$0x6140] =	vst v63  }
0x79: {  	_ =	swait.ge [sflag:s1], $0x80  }
0x7a: {  	[sflag:s1] =	ssyncset.done $0x0  }
0x7b: {  	[sflag:s1] =	ssyncadd.s32 $0xFFFFFF80  }
0x7c: {  	_ =	swait.ge [sflag:s1], $0x80  }
0x7d: {  	[sflag:s1] =	ssyncset.done $0x0  }
0x7e: {  	[sflag:s1] =	ssyncadd.s32 $0xFFFFFF80  }
0x7f: {  	_ =	swait.ge [sflag:s12], $0x800  }
0x80: {  	[sflag:s12] =	ssyncset.done $0x0  }
0x81: {  	[sflag:s12] =	ssyncadd.s32 $0xFFFFF800  }
0x82: {  	[tilespmem:s7], [sflag:$0x3] =	stream.indirect.gather [spmem:s2], $0x10, s4, s30, $0xb8;
	[tilespmem:$0x6140] =	vst v63  }
0x83: {  	_ = 	snop  }
0x84: {  	[spmem:s3] =	stream.indirect.scatter.add.f32 [tilespmem:s11], [sflag:$0x5], $0x10, s0, s30, $0xb8;
	[tilespmem:$0x6140] =	vst v63  }
.Ltmp0:
0x85: {  	_ =	swait.ge [sflag:s29], $0x800;
	(pc) =	sbr.rel @p1 .LBB2_2-.Ltmp0, $4  }
0x86: {  	[sflag:s29] =	ssyncset.done $0x0  }
0x87: {  	s26 =	sadd.s32 s25, s23;
	[sflag:s29] =	ssyncadd.s32 $0xFFFFF800  }
0x88: {  	[tilespmem:s31], [sflag:$0x2] =	stream.linear.gather [hbm4b:s26+s4], $0x80, $0x38;
	[tilespmem:$0x6140] =	vst v63  }
0x89: {  	s21 =	sadd.s32 $0x100, s21;
	s25 =	sadd.s32 s25, s22  }
0x8a: {  	[tilespmem:s0], [sflag:$0x2] =	stream.linear.gather [hbm4b:s25+s4], $0x80, $0x38;
	[tilespmem:$0x6140] =	vst v63  }
0x8b: {  	_ =	swait.ge [sflag:s9], $0x80  }
0x8c: {  	[sflag:s9] =	ssyncset.done $0x0  }
0x8d: {  	[sflag:s9] =	ssyncadd.s32 $0xFFFFFF80  }
0x8e: {  	_ =	swait.ge [sflag:s9], $0x80  }
0x8f: {  	[sflag:s9] =	ssyncset.done $0x0  }
0x90: {  	[sflag:s9] =	ssyncadd.s32 $0xFFFFFF80  }
0x91: {  	_ =	swait.ge [sflag:s10], $0x800  }
0x92: {  	[sflag:s10] =	ssyncset.done $0x0  }
0x93: {  	[sflag:s10] =	ssyncadd.s32 $0xFFFFF800  }
0x94: {  	[tilespmem:s11], [sflag:$0x4] =	stream.indirect.gather [spmem:s2], $0x10, s31, s30, $0xb8;
	[tilespmem:$0x6140] =	vst v63  }
0x95: {  	_ = 	snop  }
0x96: {  	[spmem:s3] =	stream.indirect.scatter.add.f32 [tilespmem:s7], [sflag:$0x5], $0x10, s30, s30, $0xb8;
	[tilespmem:$0x6140] =	vst v63  }
0x97: {  	_ =	swait.ge [sflag:s29], $0x800  }
0x98: {  	[sflag:s29] =	ssyncset.done $0x0  }
0x99: {  	[sflag:s29] =	ssyncadd.s32 $0xFFFFF800  }
0x9a: {  	_ =	swait.ge [sflag:s12], $0x800  }
0x9b: {  	[sflag:s12] =	ssyncset.done $0x0  }
0x9c: {  	[sflag:s12] =	ssyncadd.s32 $0xFFFFF800  }
0x9d: {  	[spmem:s3] =	stream.indirect.scatter.add.f32 [tilespmem:s11], [sflag:$0x5], $0x10, s0, s30, $0xb8;
	[tilespmem:$0x6140] =	vst v63  }
0x9e: {  	_ =	swait.ge [sflag:s29], $0x800  }
0x9f: {  	[sflag:s29] =	ssyncset.done $0x0  }
0xa0: {  	s20 =	rddreg [dreg:$0xd];
	[sflag:s29] =	ssyncadd.s32 $0xFFFFF800  }
0xa1: {  	[tilespmem:s13], [sflag:$0x5] =	stream.linear.gather [hbm4b:s20+s4], $0x10, $0x38;
	[tilespmem:$0x6140] =	vst v63  }
0xa2: {  	_ =	swait.ge [sflag:s29], $0x10  }
0xa3: {  	[sflag:s29] =	ssyncset.done $0x0  }
0xa4: {  	s25 =	rddreg [dreg:$0xe];
	[sflag:s29] =	ssyncadd.s32 $0xFFFFFFF0  }
0xa5: {  	[tilespmem:s14], [sflag:$0x5] =	stream.linear.gather [hbm4b:s25+s4], $0x10, $0x38;
	[tilespmem:$0x6140] =	vst v63  }
0xa6: {  	_ =	swait.ge [sflag:s29], $0x10  }
0xa7: {  	[sflag:s29] =	ssyncset.done $0x0  }
0xa8: {  	[sflag:s29] =	ssyncadd.s32 $0xFFFFFFF0  }
0xa9: {  	[tilespmem:s16], [sflag:$0x3] =	stream.indirect.gather [spmem:s2], $0x10, s13, s15, $0xb8;
	[tilespmem:$0x6140] =	vst v63  }
0xaa: {  	_ =	swait.ge [sflag:s10], $0x100  }
0xab: {  	[sflag:s10] =	ssyncset.done $0x0  }
0xac: {  	[sflag:s10] =	ssyncadd.s32 $0xFFFFFF00  }
0xad: {  	[spmem:s3] =	stream.indirect.scatter.add.f32 [tilespmem:s16], [sflag:$0x5], $0x10, s14, s15, $0xb8;
	[tilespmem:$0x6140] =	vst v63  }
0xae: {  	_ =	swait.ge [sflag:s29], $0x100  }
0xaf: {  	[sflag:s29] =	ssyncset.done $0x0  }
0xb0: {  	[sflag:s29] =	ssyncadd.s32 $0xFFFFFF00  }
0xb1: {  	[bflag:$0x0] =	sbarrier.arrive $0xFFFF  }
0xb2: {  	s26 =	rddreg [dreg:$0xf]  }
0xb3: {  	[hbm:s26], [sflag:s8] =	dma.local [spmem:s18], $0x4E0  }
0xb4: {  	_ =	swait.ge [sflag:s29], $0x4E0  }
0xb5: {  	[sflag:s29] =	ssyncset.done $0x0  }
0xb6: {  	s18 =	rddreg [dreg:$0x10];
	[sflag:s29] =	ssyncadd.s32 $0xFFFFFB20  }
0xb7: {  	[hbm:s18], [sflag:s8] =	dma.local @!p0 [spmem:s19], $0x20  }
0xb8: {  	s18 =	simm.s32 @!p0 $0x5  }
0xb9: {  	_ =	swait.ge @!p0 [sflag:s18], $0x20  }
0xba: {  	s17 =	sadd.s32 $0x1, s17;
	s28 =	rddreg [dreg:$0x11]  }
0xbb: {  	p1 =	sne.s32 s17, s28  }
.Ltmp1:
0xbc: {  	_ = 	snop;
	(pc) =	sbr.rel @p1 .LBB2_1-.Ltmp1, $3  }
0xbd: {  	_ =	sdelay $0x1  }
0xbe: {  	[sflag:s18] =	ssyncset.done @!p0 $0x0  }
0xbf: {  	[sflag:s18] =	ssyncadd.s32 @!p0 $0xFFFFFFE0  }
0xc0: {  	_ =	sfence.sel $0x180000  }
0xc1: {  	[bflag:$0x0] =	sbarrier.arrive $0xFFFF  }
0xc2: {  	_ =	strace $0x9000004D  }
0xc3: {  	s0 =	stileid.u32;
	[bflag:$0x2] =	sbarrier.arrive $0xFFFF  }
0xc4: {  	p0 =	sne.s32 s0, $0x0;
	s0 =	rddreg [dreg:$0x3]  }
0xc5: {  	s0 =	sadd.s32 @!p0 $0x100000, s0  }
0xc6: {  	[sflag:s0] =	ssyncadd.tile.s32 @!p0 $0x1;
	_ =	shalt  }
.Lfunc_end2:
_tile_overlayer_lowered:
.L_overlay_start_2:
0xc7: {  	(tag) =	ssettag $0x2  }
0xc8: {  	s0 =	rddreg [dreg:$0x0];
	s2 =	stileid.u32  }
0xc9: {  	s1 =	rddreg [dreg:$0x1];
	p0 =	sne.s32 s2, $0x0  }
0xca: {  	s3 =	rddreg [dreg:$0x2];
	[bflag:$0x3] =	sbarrier.arrive $0xFFFF;
	s2 =	simm.s32 @!p0 $0x1C05  }
0xcb: {  	[timem:s3], [sflag:s2] =	dma.local @!p0 [hbm:s0], s1  }
0xcc: {  	s0 =	simm.s32 @!p0 $0x5  }
0xcd: {  	_ =	swait.ge @!p0 [sflag:s0], s1  }
0xce: {  	s1 =	ssub.s32 @!p0 $0x0, s1;
	[sflag:s0] =	ssyncset.done @!p0 $0x0  }
0xcf: {  	[sflag:s0] =	ssyncadd.s32 @!p0 s1  }
0xd0: {  	[bflag:$0x3] =	sbarrier.arrive $0xFFFF  }
0xd1: {  	_ =	shalt  }

// kernel: kernel.9.cloned.1.call-start
scs
__scs_entry_jumppad:
0x0: {  	(pc) =	sbr.rel $0x88, $3  }
0x1: {  	(tag) =	ssettag $0x0;
	lr =	simm.s32 $0x1  }
0x2: {  	[smem:$0x3F9B] =	sst lr;
	_ =	strace $0xD0000000  }
0x3: {  	_ = 	snop  }
0x4: {  	_ = 	snop  }
0x5: {  	_ = 	snop  }
0x6: {  	_ = 	snop  }
0x7: {  	_ = 	snop  }
__scs_overlays_trampoline_lowered:
0x8: {  	[smem:$0x3FAA] =	sst s0  }
0x9: {  	[smem:$0x3FAB] =	sst s1  }
0xa: {  	[smem:$0x3FAC] =	sst s2  }
0xb: {  	[smem:$0x3FAD] =	sst s3  }
0xc: {  	[smem:$0x3FAE] =	sst s4  }
0xd: {  	[smem:$0x3FAF] =	sst s5  }
0xe: {  	[smem:$0x3FB0] =	sst s6  }
0xf: {  	[smem:$0x3FB1] =	sst s7  }
0x10: {  	[smem:$0x3FB2] =	sst s8  }
0x11: {  	[smem:$0x3FB3] =	sst s9;
	s0 =	simm.s32 @!p0 $0x0  }
0x12: {  	s1 =	sld [smem:$0x3F99];
	s0 =	simm.s32 @p0 $0x1  }
0x13: {  	[smem:$0x3FB4] =	sst s0;
	s0 =	simm.s32 @!p1 $0x0  }
0x14: {  	s2 =	sld [smem:$0x3F98];
	s0 =	simm.s32 @p1 $0x1  }
0x15: {  	[smem:$0x3FB5] =	sst s0;
	s0 =	simm.s32 @!p2 $0x0  }
0x16: {  	s3 =	sld [smem:$0x3FDB];
	s0 =	simm.s32 @p2 $0x1  }
0x17: {  	s4 =	simm.s32 $0x1BF5;
	[smem:$0x3FB7] =	sst s0  }
0x18: {  	s0 =	sld [smem:$0x3F9A];
	_ =	swait.ge [sflag:s4], $0x0  }
0x19: {  	s7 =	sld [smem:$0x3F9B]  }
0x1a: {  	s8 =	sadd.s32 $0xFFFFE003, lr  }
0x1b: {  	s9 =	sadd.s32 $0xFFFFFEF7, lr;
	s5 =	simm.s32 $0xFFFFFFFF;
	p2 =	slt.u32 s8, $0xFFFFF086  }
0x1c: {  	p1 =	slt.u32 s9, $0xF7A;
	s5 =	simm.s32 @!p2 $0x0  }
0x1d: {  	s5 =	simm.s32 @p1 $0x1;
	p0 =	seq.s32 s7, s2  }
0x1e: {  	s7 =	smul.u32 @!p0 $0xF7A, s2;
	p2 =	seq.s32 @!p0 s5, $0x0  }
0x1f: {  	s9 =	smul.u32 $0xF7A, s1;
	s8 =	simm.s32 @!p0 $0x1BF5;
	p2 =	por !p2, p0  }
0x20: {  	[sflag:s8] =	ssyncset.s32 @!p0 $0xFFFFF086;
	s6 =	sadd.s32 @!p0 s3, s7;
	s7 =	simm.s32 @!p0 $0x108  }
0x21: {  	s3 =	sadd.s32 s3, s9;
	s6 =	sadd.s32 @!p0 $0x88, s6;
	s7 =	simm.s32 @p2 $0x1082  }
0x22: {  	[simem:s7], [sflag:s8] =	dma.local @!p0 [hbm:s6], $0xF7A  }
0x23: {  	s9 =	sor.u32 $0xD0000000, s2;
	s6 =	simm.s32 $0x108;
	_ =	swait.ge @!p0 [sflag:s8], $0x0  }
0x24: {  	s3 =	sadd.s32 $0x88, s3;
	s6 =	simm.s32 @!p1 $0x1082;
	[sflag:s4] =	ssyncset.s32 $0xFFFFF086  }
0x25: {  	[simem:s6], [sflag:s4] =	dma.local [hbm:s3], $0xF7A  }
0x26: {  	[smem:$0x3F9B] =	sst s1;
	(tag) =	ssettag s2;
	_ =	strace s9  }
0x27: {  	s1 =	sld [smem:$0x3FAB]  }
0x28: {  	s2 =	sld [smem:$0x3FAC]  }
0x29: {  	s4 =	sld [smem:$0x3FAE]  }
0x2a: {  	p0 =	seq.s32 s5, $0x0;
	s5 =	sld [smem:$0x3FAF]  }
0x2b: {  	s6 =	sld [smem:$0x3FB0]  }
0x2c: {  	s7 =	sld [smem:$0x3FB1]  }
0x2d: {  	s3 =	simm.s32 $0x108;
	s8 =	sld [smem:$0x3FB2]  }
0x2e: {  	s3 =	simm.s32 @!p0 $0x1082;
	s9 =	sld [smem:$0x3FB3]  }
0x2f: {  	lr =	sadd.s32 s0, s3;
	s0 =	sld [smem:$0x3FAA]  }
0x30: {  	s3 =	sld [smem:$0x3FAD]  }
0x31: {  	[smem:$0x3FB6] =	sst s10  }
0x32: {  	s10 =	sld [smem:$0x3FB4];
	_ =	sdelay $0x3  }
0x33: {  	p0 =	seq.s32 s10, $0x1;
	s10 =	sld [smem:$0x3FB6];
	_ =	sdelay $0x3  }
0x34: {  	[smem:$0x3FB6] =	sst s10  }
0x35: {  	s10 =	sld [smem:$0x3FB5];
	_ =	sdelay $0x3  }
0x36: {  	p1 =	seq.s32 s10, $0x1;
	s10 =	sld [smem:$0x3FB6];
	_ =	sdelay $0x3  }
0x37: {  	[smem:$0x3FB6] =	sst s10  }
0x38: {  	s10 =	sld [smem:$0x3FB7]  }
0x39: {  	_ = 	snop;
	(pc) =	sbr.ind lr, $3  }
0x3a: {  	_ = 	snop  }
0x3b: {  	_ = 	snop  }
0x3c: {  	p2 =	seq.s32 s10, $0x1;
	s10 =	sld [smem:$0x3FB6]  }
0x3d: {  	_ =	shalt  }
0x3e: {  	_ =	shalt  }
0x3f: {  	_ =	shalt  }
0x40: {  	_ =	shalt  }
0x41: {  	_ =	shalt  }
0x42: {  	_ =	shalt  }
0x43: {  	_ =	shalt  }
0x44: {  	_ =	shalt  }
0x45: {  	_ =	shalt  }
0x46: {  	_ =	shalt  }
0x47: {  	_ =	shalt  }
0x48: {  	_ =	shalt  }
0x49: {  	_ =	shalt  }
0x4a: {  	_ =	shalt  }
0x4b: {  	_ =	shalt  }
0x4c: {  	_ =	shalt  }
0x4d: {  	_ =	shalt  }
0x4e: {  	_ =	shalt  }
0x4f: {  	_ =	shalt  }
0x50: {  	_ =	shalt  }
0x51: {  	_ =	shalt  }
0x52: {  	_ =	shalt  }
0x53: {  	_ =	shalt  }
0x54: {  	_ =	shalt  }
0x55: {  	_ =	shalt  }
0x56: {  	_ =	shalt  }
0x57: {  	_ =	shalt  }
0x58: {  	_ =	shalt  }
0x59: {  	_ =	shalt  }
0x5a: {  	_ =	shalt  }
0x5b: {  	_ =	shalt  }
0x5c: {  	_ =	shalt  }
0x5d: {  	_ =	shalt  }
0x5e: {  	_ =	shalt  }
0x5f: {  	_ =	shalt  }
0x60: {  	_ =	shalt  }
0x61: {  	_ =	shalt  }
0x62: {  	_ =	shalt  }
0x63: {  	_ =	shalt  }
0x64: {  	_ =	shalt  }
0x65: {  	_ =	shalt  }
0x66: {  	_ =	shalt  }
0x67: {  	_ =	shalt  }
0x68: {  	_ =	shalt  }
0x69: {  	_ =	shalt  }
0x6a: {  	_ =	shalt  }
0x6b: {  	_ =	shalt  }
0x6c: {  	_ =	shalt  }
0x6d: {  	_ =	shalt  }
0x6e: {  	_ =	shalt  }
0x6f: {  	_ =	shalt  }
0x70: {  	_ =	shalt  }
0x71: {  	_ =	shalt  }
0x72: {  	_ =	shalt  }
0x73: {  	_ =	shalt  }
0x74: {  	_ =	shalt  }
0x75: {  	_ =	shalt  }
0x76: {  	_ =	shalt  }
0x77: {  	_ =	shalt  }
0x78: {  	_ =	shalt  }
0x79: {  	_ =	shalt  }
0x7a: {  	_ =	shalt  }
0x7b: {  	_ =	shalt  }
0x7c: {  	_ =	shalt  }
0x7d: {  	_ =	shalt  }
0x7e: {  	_ =	shalt  }
0x7f: {  	_ =	shalt  }
0x80: {  	_ =	shalt  }
0x81: {  	_ =	shalt  }
0x82: {  	_ =	shalt  }
0x83: {  	_ =	shalt  }
0x84: {  	_ =	shalt  }
0x85: {  	_ =	shalt  }
0x86: {  	_ =	shalt  }
0x87: {  	_ =	shalt  }
.Lfunc_end0:
.L_simem_size_0:
called_computation_lowered:
.L_overlay_start_0:
0x88: {  	s2 =	sld [smem:$0x3FD9]  }
0x89: {  	s3 =	sld [smem:$0x3FFE];
	_ =	sdelay $0x1  }
0x8a: {  	s1 =	srdreg.scid  }
0x8b: {  	s0 =	sand.u32 $0x1, s1  }
0x8c: {  	s16 =	sshll.u32 s0, $0xA;
	s2 =	sadd.s32 s3, s2  }
0x8d: {  	s2 =	sadd.s32 s2, s16  }
0x8e: {  	[smem:$0x3FC2] =	sst s2  }
0x8f: {  	_ = 	snop  }
0x90: {  	(tm) =	ssettm $0x1  }
0x91: {  	s17 =	sld [smem:$0x3FFB];
	_ =	sdelay $0x3  }
0x92: {  	_ =	strace s17  }
0x93: {  	s2 =	sld [smem:$0x3FFC];
	_ =	sdelay $0x3  }
0x94: {  	_ =	strace s2  }
0x95: {  	s2 =	sld [smem:$0x3FFD];
	_ =	sdelay $0x3  }
0x96: {  	_ =	strace s2  }
0x97: {  	_ =	strace $0x8FFFFFFF  }
0x98: {  	s18 =	sld [smem:$0x3FDB];
	_ =	sdelay $0x1  }
0x99: {  	s19 =	simm.s32 $_scs_section_size  }
0x9a: {  	s4 =	simm.s32 $_size__tile_overlayer_lowered;
	s5 =	simm.s32 $_tile_overlayer_lowered  }
0x9b: {  	s22 =	simm.s32 $0x1BFF;
	s21 =	sshll.u32 s5, $0x1;
	s2 =	sadd.s32 s19, s18  }
0x9c: {  	s6 =	simm.s32 $0x0;
	s20 =	sshll.u32 s4, $0x1;
	s4 =	sadd.s32 s21, s2  }
0x9d: {  	[timem:s6], [sflag:s22] =	dma.local [hbm:s4], s20  }
0x9e: {  	_ =	swait.ge [sflag:s22], s20  }
0x9f: {  	s3 =	ssub.s32 $0x0, s20;
	[sflag:s22] =	ssyncset.done $0x0  }
0xa0: {  	[sflag:s22] =	ssyncadd.s32 s3;
	_ =	sdelay $0x1  }
0xa1: {  	s23 =	simm.s32 $0x1B8B  }
0xa2: {  	_ =	swait.ge [sflag:s23], $0x1  }
0xa3: {  	[sflag:s23] =	ssyncset.done $0x0  }
0xa4: {  	s25 =	simm.s32 $0x1B8E;
	s24 =	sld [smem:$0x3FFE];
	[sflag:s23] =	ssyncadd.s32 $0xFFFFFFFF  }
0xa5: {  	s26 =	simm.s32 $execute0_lowered;
	[smem:$0x3FD2] =	sst s25  }
0xa6: {  	s4 =	sshll.u32 s26, $0x1;
	_ =	strace $0x80000046;
	[dreg:$0x1] =	wrdreg $0xFFFFFFFF  }
0xa7: {  	s28 =	simm.s32 $_size_execute0_lowered;
	s2 =	sadd.s32 s2, s4;
	[dreg:$0x0] =	wrdreg $0x0  }
0xa8: {  	s4 =	sshll.u32 s28, $0x1;
	[dreg:$0x2] =	wrdreg s2  }
0xa9: {  	[dreg:$0x3] =	wrdreg s4  }
0xaa: {  	[dreg:$0x4] =	wrdreg $0xC0  }
0xab: {  	_ =	task [dreg:s6], $0x5FFFF  }
0xac: {  	[dreg:$0x1] =	wrdreg $0xFFFFFFFF  }
0xad: {  	[dreg:$0x0] =	wrdreg $0x60  }
0xae: {  	[dreg:$0x2] =	wrdreg s24  }
0xaf: {  	[dreg:$0x3] =	wrdreg $0xA200  }
0xb0: {  	[dreg:$0x4] =	wrdreg $0x31300  }
0xb1: {  	[dreg:$0x5] =	wrdreg $0x9  }
0xb2: {  	_ =	task.clear_ibuf [dreg:s6], $0x6FFFF;
	_ =	strace $0x90000046  }
0xb3: {  	s29 =	simm.s32 $0x9;
	_ =	strace $0x80000048  }
0xb4: {  	_ =	swait.ge [sflag:s29], $0x1  }
0xb5: {  	[sflag:s29] =	ssyncadd.s32 $0xFFFFFFFF  }
0xb6: {  	_ =	strace $0x90000048  }
0xb7: {  	_ =	sfence  }
0xb8: {  	s30 =	sld [smem:$0x0];
	_ =	sdelay $0x2  }
0xb9: {  	s31 =	sshll.u32 s1, $0xD;
	s1 =	sshrl.u32 s1, $0x2  }
0xba: {  	s3 =	sand.u32 $0x4000, s31;
	s1 =	sadd.s32 s1, s30  }
0xbb: {  	s0 =	sor.u32 s3, s0;
	s1 =	sshll.u32 s1, $0x11  }
0xbc: {  	s0 =	sor.u32 s1, s0  }
0xbd: {  	s0 =	sadd.s32 $0x8F2B, s0  }
0xbe: {  	[sflag:s0] =	ssyncadd.remote.s32 $0x1  }
0xbf: {  	_ =	sfence.sel $0xFFFF  }
0xc0: {  	[dreg:$0x0] =	wrdreg $0xFFFFFFFF;
	(pc) =	sbr.abs _section_cstart, $3  }
0xc1: {  	[dreg:$0x1] =	wrdreg $0xFFFFFFFF  }
0xc2: {  	_ =	task.clear_ibuf [dreg:s6], $0x2FFFF;
	_ =	strace $0x9FFFFFFF  }
0xc3: {  	(tm) =	ssettm $0x7FFFFFFF  }
tec
execute0_lowered:
.L_overlay_start_1:
0x0: {  	(tag) =	ssettag $0x1  }
0x1: {  	s0 =	rddreg [dreg:$0x0]  }
0x2: {  	s1 =	rddreg [dreg:$0x1]  }
0x3: {  	s3 =	rddreg [dreg:$0x2];
	s4 =	simm.s32 $0x0  }
0x4: {  	s16 =	stileid.u32;
	s7 =	srdreg.scid;
	s30 =	simm.s32 $0x3  }
0x5: {  	s31 =	simm.s32 $0x220;
	[smem:$0x7FF] =	sst s4;
	s2 =	smul.u32 $0x2700, s16  }
0x6: {  	s5 =	sadd.s32 $0xB600, s0;
	s6 =	sadd.s32 $0x1800, s0;
	s7 =	sand.u32 $0x1, s7  }
0x7: {  	s12 =	smul.u32 $0x2710, s16;
	s13 =	sadd.s32 $0x1A400, s0;
	s24 =	sadd.s32 $0x1A600, s0  }
0x8: {  	s14 =	sshll.u32 s16, $0x6;
	p0 =	sne.s32 s16, $0xF;
	s16 =	simm.s32 $0x0  }
0x9: {  	_ =	strace $0x80000047;
	s9 =	ssub.s32 $0x2, s7;
	s10 =	smul.u32 $0x27100, s7  }
0xa: {  	[dreg:$0x4] =	wrdreg s13;
	s7 =	smul.u32 $0x4E200, s7;
	s13 =	simm.s32 $0x200  }
0xb: {  	s8 =	sshrl.u32 s2, $0x3;
	s11 =	sshrl.u32 s9, $0x1;
	s25 =	sadd.s32 s2, s1  }
0xc: {  	s28 =	sadd.s32 s2, s3;
	s8 =	sadd.s32 s8, s0;
	s11 =	ssub.s32 s9, s11  }
0xd: {  	[dreg:$0x5] =	wrdreg s25;
	s15 =	sadd.s32 s12, s10;
	s10 =	sor.u32 $0x1C03, s14  }
0xe: {  	[dreg:$0x6] =	wrdreg s28;
	s12 =	sadd.s32 $0x1A200, s0;
	s2 =	sadd.s32 s2, s7  }
0xf: {  	s7 =	sshrl.u32 s7, $0x3;
	s28 =	sadd.s32 $0x27000, s3;
	s9 =	sadd.s32 $0x15400, s8  }
0x10: {  	s26 =	sshrl.u32 s15, $0x3;
	s25 =	smax.u32 s11, $0x1;
	[dreg:$0x12] =	wrdreg s28  }
0x11: {  	s20 =	sshrl.u32 s2, $0x3;
	s29 =	sadd.s32 s5, s26;
	[dreg:$0x10] =	wrdreg s25  }
0x12: {  	s21 =	sadd.s32 s24, s7;
	s14 =	sadd.s32 s6, s26;
	[dreg:$0x7] =	wrdreg s29  }
0x13: {  	s7 =	simm.s32 $0x180;
	s23 =	sadd.s32 $0x4E00, s21;
	[dreg:$0x8] =	wrdreg s14  }
0x14: {  	s17 =	sadd.s32 $0x10, s26;
	s2 =	sadd.s32 $0x9C20, s21;
	[dreg:$0xe] =	wrdreg s23  }
0x15: {  	s19 =	sadd.s32 $0x4E0, s26;
	s26 =	sadd.s32 $0x27000, s1;
	[dreg:$0xf] =	wrdreg s2  }
0x16: {  	s11 =	simm.s32 $0x2;
	s22 =	sadd.s32 s24, s20;
	[dreg:$0x11] =	wrdreg s26  }
0x17: {  	s24 =	sadd.s32 $0x180, s15;
	s18 =	sadd.s32 s5, s17;
	[dreg:$0xd] =	wrdreg s22  }
0x18: {  	s25 =	sadd.s32 $0x100, s15;
	s0 =	sadd.s32 s6, s17;
	[dreg:$0x9] =	wrdreg s18  }
0x19: {  	s15 =	simm.s32 $0x10;
	s8 =	sadd.s32 s5, s19;
	[dreg:$0xa] =	wrdreg s0  }
0x1a: {  	s29 =	sadd.s32 $0x4E20, s22;
	s2 =	simm.s32 $0x100;
	[dreg:$0xb] =	wrdreg s8  }
0x1b: {  	s14 =	simm.s32 $0x210;
	s0 =	sadd.s32 s6, s19;
	[dreg:$0x13] =	wrdreg s29  }
0x1c: {  	s8 =	simm.s32 $0x1;
	[dreg:$0xc] =	wrdreg s0;
	s0 =	sshrl.u32 s24, $0x3  }
0x1d: {  	s23 =	sadd.s32 s0, s6;
	s24 =	sadd.s32 s0, s5;
	s0 =	simm.s32 $0x80  }
.LBB2_1:
0x1e: {  	s17 =	rddreg [dreg:$0x5]  }
0x1f: {  	s17 =	sshrl.u32 s17, $0x3  }
0x20: {  	[spmem:s17], [sflag:s10] =	dma.local [hbm:s9], $0x4E0  }
0x21: {  	_ =	swait.ge [sflag:s30], $0x4E0  }
0x22: {  	[sflag:s30] =	ssyncset.done $0x0;
	s18 =	rddreg [dreg:$0x6]  }
0x23: {  	[sflag:s30] =	ssyncadd.s32 $0xFFFFFB20;
	s18 =	sshrl.u32 s18, $0x3  }
0x24: {  	[spmem:s18], [sflag:s10] =	dma.local [hbm:s9], $0x4E0  }
0x25: {  	_ =	swait.ge [sflag:s30], $0x4E0  }
0x26: {  	[sflag:s30] =	ssyncset.done $0x0;
	s19 =	rddreg [dreg:$0x11]  }
0x27: {  	[sflag:s30] =	ssyncadd.s32 $0xFFFFFB20;
	s20 =	sshrl.u32 @!p0 s19, $0x3;
	s19 =	simm.s32 @!p0 $0x3  }
0x28: {  	[spmem:s20], [sflag:s10] =	dma.local @!p0 [hbm:s12], $0x20  }
0x29: {  	_ =	swait.ge @!p0 [sflag:s19], $0x20  }
0x2a: {  	[sflag:s19] =	ssyncset.done @!p0 $0x0;
	s21 =	rddreg [dreg:$0x12]  }
0x2b: {  	[sflag:s19] =	ssyncadd.s32 @!p0 $0xFFFFFFE0;
	s21 =	sshrl.u32 @!p0 s21, $0x3  }
0x2c: {  	[spmem:s21], [sflag:s10] =	dma.local @!p0 [hbm:s12], $0x20  }
0x2d: {  	_ =	swait.ge @!p0 [sflag:s19], $0x20  }
0x2e: {  	[sflag:s19] =	ssyncset.done @!p0 $0x0  }
0x2f: {  	s26 =	rddreg [dreg:$0x4];
	[sflag:s19] =	ssyncadd.s32 @!p0 $0xFFFFFFE0  }
0x30: {  	[tilespmem:s31], [sflag:$0x3] =	stream.linear.gather [hbm4b:s26+s4], $0x800, $0x38;
	[tilespmem:$0x5840] =	vst v63  }
0x31: {  	_ =	swait.ge [sflag:s30], $0x800  }
0x32: {  	[sflag:s30] =	ssyncset.done $0x0  }
0x33: {  	[sflag:s30] =	ssyncadd.s32 $0xFFFFF800  }
0x34: {  	[bflag:$0x0] =	sbarrier.arrive $0xFFFF  }
0x35: {  	s28 =	rddreg [dreg:$0x7]  }
0x36: {  	[tilespmem:s4], [sflag:$0x1] =	stream.linear.gather [hbm4b:s28+s4], $0x80, $0x38;
	[tilespmem:$0x5840] =	vst v63  }
0x37: {  	s29 =	rddreg [dreg:$0x8]  }
0x38: {  	[tilespmem:s0], [sflag:$0x1] =	stream.linear.gather [hbm4b:s29+s4], $0x80, $0x38;
	[tilespmem:$0x5840] =	vst v63  }
0x39: {  	s22 =	rddreg [dreg:$0x9]  }
0x3a: {  	[tilespmem:s2], [sflag:$0x2] =	stream.linear.gather [hbm4b:s22+s4], $0x80, $0x38;
	[tilespmem:$0x5840] =	vst v63  }
0x3b: {  	s26 =	rddreg [dreg:$0xa]  }
0x3c: {  	[tilespmem:s7], [sflag:$0x2] =	stream.linear.gather [hbm4b:s26+s4], $0x80, $0x38;
	[tilespmem:$0x5840] =	vst v63  }
0x3d: {  	_ =	swait.ge [sflag:s8], $0x80  }
0x3e: {  	[sflag:s8] =	ssyncset.done $0x0  }
0x3f: {  	[sflag:s8] =	ssyncadd.s32 $0xFFFFFF80  }
0x40: {  	_ =	swait.ge [sflag:s8], $0x80  }
0x41: {  	[sflag:s8] =	ssyncset.done $0x0  }
0x42: {  	[sflag:s8] =	ssyncadd.s32 $0xFFFFFF80  }
0x43: {  	[spmem:s1] =	stream.indirect.scatter.add.f32 [tilespmem:s31], [sflag:$0x3], $0x10, s4, s0, $0xb8;
	[tilespmem:$0x5840] =	vst v63  }
0x44: {  	_ =	swait.ge [sflag:s30], $0x800  }
0x45: {  	[sflag:s30] =	ssyncset.done $0x0  }
0x46: {  	[sflag:s30] =	ssyncadd.s32 $0xFFFFF800  }
0x47: {  	[spmem:s3] =	stream.indirect.scatter.add.f32 [tilespmem:s31], [sflag:$0x3], $0x10, s0, s0, $0xb8;
	[tilespmem:$0x5840] =	vst v63  }
0x48: {  	_ =	swait.ge [sflag:s30], $0x800  }
0x49: {  	s28 =	sshrl.u32 s25, $0x3;
	[sflag:s30] =	ssyncset.done $0x0  }
0x4a: {  	s22 =	sadd.s32 s5, s28;
	[sflag:s30] =	ssyncadd.s32 $0xFFFFF800  }
0x4b: {  	[tilespmem:s4], [sflag:$0x1] =	stream.linear.gather [hbm4b:s22+s4], $0x80, $0x38;
	[tilespmem:$0x5840] =	vst v63  }
0x4c: {  	s19 =	sadd.s32 s6, s28  }
0x4d: {  	[tilespmem:s0], [sflag:$0x1] =	stream.linear.gather [hbm4b:s19+s4], $0x80, $0x38;
	[tilespmem:$0x5840] =	vst v63  }
0x4e: {  	_ =	swait.ge [sflag:s11], $0x80  }
0x4f: {  	[sflag:s11] =	ssyncset.done $0x0  }
0x50: {  	[sflag:s11] =	ssyncadd.s32 $0xFFFFFF80  }
0x51: {  	_ =	swait.ge [sflag:s11], $0x80  }
0x52: {  	[sflag:s11] =	ssyncset.done $0x0  }
0x53: {  	[sflag:s11] =	ssyncadd.s32 $0xFFFFFF80  }
0x54: {  	[spmem:s1] =	stream.indirect.scatter.add.f32 [tilespmem:s31], [sflag:$0x3], $0x10, s2, s0, $0xb8;
	[tilespmem:$0x5840] =	vst v63  }
0x55: {  	_ =	swait.ge [sflag:s30], $0x800  }
0x56: {  	[sflag:s30] =	ssyncset.done $0x0  }
0x57: {  	[sflag:s30] =	ssyncadd.s32 $0xFFFFF800  }
0x58: {  	[spmem:s3] =	stream.indirect.scatter.add.f32 [tilespmem:s31], [sflag:$0x3], $0x10, s7, s0, $0xb8;
	[tilespmem:$0x5840] =	vst v63  }
0x59: {  	_ =	swait.ge [sflag:s30], $0x800  }
0x5a: {  	s29 =	sadd.s32 $0x0, s24;
	s26 =	sadd.s32 $0x0, s23;
	[sflag:s30] =	ssyncset.done $0x0  }
0x5b: {  	s22 =	simm.s32 $0x20;
	s19 =	sadd.s32 $0x100, s25;
	[sflag:s30] =	ssyncadd.s32 $0xFFFFF800  }
0x5c: {  	[tilespmem:s2], [sflag:$0x2] =	stream.linear.gather [hbm4b:s29+s4], $0x80, $0x38;
	[tilespmem:$0x5840] =	vst v63  }
.LBB2_2:
0x5d: {  	[tilespmem:s7], [sflag:$0x2] =	stream.linear.gather [hbm4b:s26+s4], $0x80, $0x38;
	[tilespmem:$0x5840] =	vst v63  }
0x5e: {  	s26 =	smov.u32 s22  }
0x5f: {  	p1 =	sne.s32 s22, $0x4A0;
	s22 =	sadd.s32 $0x20, s22;
	_ =	swait.ge [sflag:s8], $0x80  }
0x60: {  	[sflag:s8] =	ssyncset.done $0x0  }
0x61: {  	[sflag:s8] =	ssyncadd.s32 $0xFFFFFF80  }
0x62: {  	_ =	swait.ge [sflag:s8], $0x80  }
0x63: {  	[sflag:s8] =	ssyncset.done $0x0  }
0x64: {  	[sflag:s8] =	ssyncadd.s32 $0xFFFFFF80  }
0x65: {  	[spmem:s1] =	stream.indirect.scatter.add.f32 [tilespmem:s31], [sflag:$0x3], $0x10, s4, s0, $0xb8;
	[tilespmem:$0x5840] =	vst v63  }
0x66: {  	_ =	swait.ge [sflag:s30], $0x800  }
0x67: {  	[sflag:s30] =	ssyncset.done $0x0  }
0x68: {  	[sflag:s30] =	ssyncadd.s32 $0xFFFFF800  }
0x69: {  	[spmem:s3] =	stream.indirect.scatter.add.f32 [tilespmem:s31], [sflag:$0x3], $0x10, s0, s0, $0xb8;
	[tilespmem:$0x5840] =	vst v63  }
0x6a: {  	_ =	swait.ge [sflag:s30], $0x800  }
0x6b: {  	s28 =	sshrl.u32 s19, $0x3;
	[sflag:s30] =	ssyncset.done $0x0  }
0x6c: {  	s29 =	sadd.s32 s5, s28;
	[sflag:s30] =	ssyncadd.s32 $0xFFFFF800  }
0x6d: {  	[tilespmem:s4], [sflag:$0x1] =	stream.linear.gather [hbm4b:s29+s4], $0x80, $0x38;
	[tilespmem:$0x5840] =	vst v63  }
0x6e: {  	s28 =	sadd.s32 s6, s28  }
0x6f: {  	[tilespmem:s0], [sflag:$0x1] =	stream.linear.gather [hbm4b:s28+s4], $0x80, $0x38;
	[tilespmem:$0x5840] =	vst v63  }
0x70: {  	_ =	swait.ge [sflag:s11], $0x80  }
0x71: {  	[sflag:s11] =	ssyncset.done $0x0  }
0x72: {  	[sflag:s11] =	ssyncadd.s32 $0xFFFFFF80  }
0x73: {  	_ =	swait.ge [sflag:s11], $0x80  }
0x74: {  	[sflag:s11] =	ssyncset.done $0x0  }
0x75: {  	[sflag:s11] =	ssyncadd.s32 $0xFFFFFF80  }
0x76: {  	[spmem:s1] =	stream.indirect.scatter.add.f32 [tilespmem:s31], [sflag:$0x3], $0x10, s2, s0, $0xb8;
	[tilespmem:$0x5840] =	vst v63  }
0x77: {  	_ =	swait.ge [sflag:s30], $0x800  }
0x78: {  	[sflag:s30] =	ssyncset.done $0x0  }
0x79: {  	[sflag:s30] =	ssyncadd.s32 $0xFFFFF800  }
0x7a: {  	[spmem:s3] =	stream.indirect.scatter.add.f32 [tilespmem:s31], [sflag:$0x3], $0x10, s7, s0, $0xb8;
	[tilespmem:$0x5840] =	vst v63  }
.Ltmp0:
0x7b: {  	_ =	swait.ge [sflag:s30], $0x800;
	(pc) =	sbr.rel @p1 .LBB2_2-.Ltmp0, $4  }
0x7c: {  	[sflag:s30] =	ssyncset.done $0x0  }
0x7d: {  	s28 =	sadd.s32 s26, s24;
	[sflag:s30] =	ssyncadd.s32 $0xFFFFF800  }
0x7e: {  	[tilespmem:s2], [sflag:$0x2] =	stream.linear.gather [hbm4b:s28+s4], $0x80, $0x38;
	[tilespmem:$0x5840] =	vst v63  }
0x7f: {  	s19 =	sadd.s32 $0x100, s19;
	s26 =	sadd.s32 s26, s23  }
0x80: {  	[tilespmem:s7], [sflag:$0x2] =	stream.linear.gather [hbm4b:s26+s4], $0x80, $0x38;
	[tilespmem:$0x5840] =	vst v63  }
0x81: {  	_ =	swait.ge [sflag:s8], $0x80  }
0x82: {  	[sflag:s8] =	ssyncset.done $0x0  }
0x83: {  	[sflag:s8] =	ssyncadd.s32 $0xFFFFFF80  }
0x84: {  	_ =	swait.ge [sflag:s8], $0x80  }
0x85: {  	[sflag:s8] =	ssyncset.done $0x0  }
0x86: {  	[sflag:s8] =	ssyncadd.s32 $0xFFFFFF80  }
0x87: {  	[spmem:s1] =	stream.indirect.scatter.add.f32 [tilespmem:s31], [sflag:$0x3], $0x10, s4, s0, $0xb8;
	[tilespmem:$0x5840] =	vst v63  }
0x88: {  	_ =	swait.ge [sflag:s30], $0x800  }
0x89: {  	[sflag:s30] =	ssyncset.done $0x0  }
0x8a: {  	[sflag:s30] =	ssyncadd.s32 $0xFFFFF800  }
0x8b: {  	[spmem:s3] =	stream.indirect.scatter.add.f32 [tilespmem:s31], [sflag:$0x3], $0x10, s0, s0, $0xb8;
	[tilespmem:$0x5840] =	vst v63  }
0x8c: {  	_ =	swait.ge [sflag:s30], $0x800  }
0x8d: {  	[sflag:s30] =	ssyncset.done $0x0  }
0x8e: {  	[sflag:s30] =	ssyncadd.s32 $0xFFFFF800  }
0x8f: {  	_ =	swait.ge [sflag:s11], $0x80  }
0x90: {  	[sflag:s11] =	ssyncset.done $0x0  }
0x91: {  	[sflag:s11] =	ssyncadd.s32 $0xFFFFFF80  }
0x92: {  	_ =	swait.ge [sflag:s11], $0x80  }
0x93: {  	[sflag:s11] =	ssyncset.done $0x0  }
0x94: {  	[sflag:s11] =	ssyncadd.s32 $0xFFFFFF80  }
0x95: {  	[spmem:s1] =	stream.indirect.scatter.add.f32 [tilespmem:s31], [sflag:$0x3], $0x10, s2, s0, $0xb8;
	[tilespmem:$0x5840] =	vst v63  }
0x96: {  	_ =	swait.ge [sflag:s30], $0x800  }
0x97: {  	[sflag:s30] =	ssyncset.done $0x0  }
0x98: {  	[sflag:s30] =	ssyncadd.s32 $0xFFFFF800  }
0x99: {  	[spmem:s3] =	stream.indirect.scatter.add.f32 [tilespmem:s31], [sflag:$0x3], $0x10, s7, s0, $0xb8;
	[tilespmem:$0x5840] =	vst v63  }
0x9a: {  	_ =	swait.ge [sflag:s30], $0x800  }
0x9b: {  	[sflag:s30] =	ssyncset.done $0x0  }
0x9c: {  	s19 =	rddreg [dreg:$0xb];
	[sflag:s30] =	ssyncadd.s32 $0xFFFFF800  }
0x9d: {  	[tilespmem:s13], [sflag:$0x3] =	stream.linear.gather [hbm4b:s19+s4], $0x10, $0x38;
	[tilespmem:$0x5840] =	vst v63  }
0x9e: {  	_ =	swait.ge [sflag:s30], $0x10  }
0x9f: {  	[sflag:s30] =	ssyncset.done $0x0  }
0xa0: {  	s22 =	rddreg [dreg:$0xc];
	[sflag:s30] =	ssyncadd.s32 $0xFFFFFFF0  }
0xa1: {  	[tilespmem:s14], [sflag:$0x3] =	stream.linear.gather [hbm4b:s22+s4], $0x10, $0x38;
	[tilespmem:$0x5840] =	vst v63  }
0xa2: {  	_ =	swait.ge [sflag:s30], $0x10  }
0xa3: {  	[sflag:s30] =	ssyncset.done $0x0  }
0xa4: {  	[sflag:s30] =	ssyncadd.s32 $0xFFFFFFF0  }
0xa5: {  	[spmem:s1] =	stream.indirect.scatter.add.f32 [tilespmem:s31], [sflag:$0x3], $0x10, s13, s15, $0xb8;
	[tilespmem:$0x5840] =	vst v63  }
0xa6: {  	_ =	swait.ge [sflag:s30], $0x100  }
0xa7: {  	[sflag:s30] =	ssyncset.done $0x0  }
0xa8: {  	[sflag:s30] =	ssyncadd.s32 $0xFFFFFF00  }
0xa9: {  	[spmem:s3] =	stream.indirect.scatter.add.f32 [tilespmem:s31], [sflag:$0x3], $0x10, s14, s15, $0xb8;
	[tilespmem:$0x5840] =	vst v63  }
0xaa: {  	_ =	swait.ge [sflag:s30], $0x100  }
0xab: {  	[sflag:s30] =	ssyncset.done $0x0  }
0xac: {  	[sflag:s30] =	ssyncadd.s32 $0xFFFFFF00  }
0xad: {  	[bflag:$0x0] =	sbarrier.arrive $0xFFFF  }
0xae: {  	s26 =	rddreg [dreg:$0xd]  }
0xaf: {  	[hbm:s26], [sflag:s10] =	dma.local [spmem:s17], $0x4E0  }
0xb0: {  	_ =	swait.ge [sflag:s30], $0x4E0  }
0xb1: {  	[sflag:s30] =	ssyncset.done $0x0  }
0xb2: {  	s28 =	rddreg [dreg:$0x13];
	[sflag:s30] =	ssyncadd.s32 $0xFFFFFB20  }
0xb3: {  	[hbm:s28], [sflag:s10] =	dma.local [spmem:s18], $0x4E0  }
0xb4: {  	_ =	swait.ge [sflag:s30], $0x4E0  }
0xb5: {  	[sflag:s30] =	ssyncset.done $0x0  }
0xb6: {  	s17 =	rddreg [dreg:$0xe];
	[sflag:s30] =	ssyncadd.s32 $0xFFFFFB20  }
0xb7: {  	[hbm:s17], [sflag:s10] =	dma.local @!p0 [spmem:s20], $0x20  }
0xb8: {  	s17 =	simm.s32 @!p0 $0x3  }
0xb9: {  	_ =	swait.ge @!p0 [sflag:s17], $0x20  }
0xba: {  	[sflag:s17] =	ssyncset.done @!p0 $0x0  }
0xbb: {  	s18 =	rddreg [dreg:$0xf];
	[sflag:s17] =	ssyncadd.s32 @!p0 $0xFFFFFFE0  }
0xbc: {  	[hbm:s18], [sflag:s10] =	dma.local @!p0 [spmem:s21], $0x20  }
0xbd: {  	_ =	swait.ge @!p0 [sflag:s17], $0x20  }
0xbe: {  	s16 =	sadd.s32 $0x1, s16;
	s29 =	rddreg [dreg:$0x10]  }
0xbf: {  	p1 =	sne.s32 s16, s29  }
.Ltmp1:
0xc0: {  	_ = 	snop;
	(pc) =	sbr.rel @p1 .LBB2_1-.Ltmp1, $3  }
0xc1: {  	_ =	sdelay $0x1  }
0xc2: {  	[sflag:s17] =	ssyncset.done @!p0 $0x0  }
0xc3: {  	[sflag:s17] =	ssyncadd.s32 @!p0 $0xFFFFFFE0  }
0xc4: {  	_ =	sfence.sel $0x180000  }
0xc5: {  	[bflag:$0x0] =	sbarrier.arrive $0xFFFF  }
0xc6: {  	_ =	strace $0x90000047  }
0xc7: {  	s0 =	stileid.u32;
	[bflag:$0x2] =	sbarrier.arrive $0xFFFF  }
0xc8: {  	p0 =	sne.s32 s0, $0x0;
	s0 =	rddreg [dreg:$0x3]  }
0xc9: {  	s0 =	sadd.s32 @!p0 $0x100000, s0  }
0xca: {  	[sflag:s0] =	ssyncadd.tile.s32 @!p0 $0x1;
	_ =	shalt  }
.Lfunc_end2:
_tile_overlayer_lowered:
.L_overlay_start_2:
0xcb: {  	(tag) =	ssettag $0x2  }
0xcc: {  	s0 =	rddreg [dreg:$0x0];
	s2 =	stileid.u32  }
0xcd: {  	s1 =	rddreg [dreg:$0x1];
	p0 =	sne.s32 s2, $0x0  }
0xce: {  	s3 =	rddreg [dreg:$0x2];
	[bflag:$0x3] =	sbarrier.arrive $0xFFFF;
	s2 =	simm.s32 @!p0 $0x1C03  }
0xcf: {  	[timem:s3], [sflag:s2] =	dma.local @!p0 [hbm:s0], s1  }
0xd0: {  	s0 =	simm.s32 @!p0 $0x3  }
0xd1: {  	_ =	swait.ge @!p0 [sflag:s0], s1  }
0xd2: {  	s1 =	ssub.s32 @!p0 $0x0, s1;
	[sflag:s0] =	ssyncset.done @!p0 $0x0  }
0xd3: {  	[sflag:s0] =	ssyncadd.s32 @!p0 s1  }
0xd4: {  	[bflag:$0x3] =	sbarrier.arrive $0xFFFF  }
0xd5: {  	_ =	shalt  }

</sc_bundles>
